<compile_context>
chip_gen: v7x
topology: tpu7x:2x2x1
jax: 0.10.2.dev20260603
libtpu: 0.0.44.dev20260713+nightly
codegen_flags: <defaults>
</compile_context>

<pallas_src>
import functools

import jax
import jax.numpy as jnp
from jax import lax
from jax.experimental import pallas as pl
from jax.experimental.pallas import tpu as pltpu
from jax.experimental.pallas import tpu_sc as plsc

N = 10000
E = 160000
IN_DIM = 256
HID_DIM = 128
OUT_DIM = 16

NC, NS = 2, 16
NW = NC * NS
L = 16

CHUNK = 128
EPT = 5120
EPAD = EPT * NW
NPAD = 10240
RPT = NPAD // NS

_mesh = plsc.VectorSubcoreMesh(
    core_axis_name="c", subcore_axis_name="s", num_cores=NC, num_subcores=NS)


@functools.partial(
    pl.kernel,
    out_type=jax.ShapeDtypeStruct((NC, NPAD), jnp.float32),
    mesh=_mesh,
    scratch_types=[
        pltpu.VMEM((EPT // CHUNK, CHUNK), jnp.int32),
        pltpu.VMEM((CHUNK,), jnp.float32),
        pltpu.SemaphoreType.DMA,
        pltpu.VMEM_SHARED((NPAD,), jnp.float32),
    ],
)
def _deg_kernel(zeros_hbm, dst_hbm, out_hbm, dstall, ones, sem, acc):
    cid = lax.axis_index("c")
    sid = lax.axis_index("s")
    wid = cid * NS + sid
    nch = EPT // CHUNK
    ones16 = jnp.ones((L,), jnp.float32)

    @pl.loop(0, CHUNK // L)
    def _fill(j):
        ones[pl.ds(j * L, L)] = ones16

    pltpu.sync_copy(zeros_hbm, acc.at[pl.ds(sid * RPT, RPT)])
    pltpu.sync_copy(dst_hbm.at[pl.ds(wid * nch, nch)], dstall)
    plsc.subcore_barrier()

    @pl.loop(0, nch)
    def _fire(c):
        pltpu.async_copy(ones, acc.at[dstall.at[c]], sem, add=True)

    @pl.loop(0, nch)
    def _drain(c):
        pltpu.make_async_copy(ones, acc.at[dstall.at[c]], sem).wait()

    plsc.subcore_barrier()
    pltpu.sync_copy(acc.at[pl.ds(sid * RPT, RPT)],
                    out_hbm.at[cid, pl.ds(sid * RPT, RPT)])


NCH = EPT // CHUNK
NCHT = NCH * NW


def _make_segsum(D, dt):
    nch = NCHT // NS

    @functools.partial(
        pl.kernel,
        out_type=jax.ShapeDtypeStruct((NPAD, D), dt),
        mesh=_mesh,
        scratch_types=[
            pltpu.VMEM((nch, CHUNK), jnp.int32),
            pltpu.VMEM((nch, CHUNK), jnp.int32),
            [pltpu.VMEM((CHUNK, D), dt)] * 8,
            [pltpu.SemaphoreType.DMA] * 8,
            pltpu.VMEM_SHARED((NPAD, D), dt),
        ],
        compiler_params=pltpu.CompilerParams(use_tc_tiling_on_sc=False),
    )
    def _segsum(zeros_hbm, s_hbm, src_hbm, dst_hbm, out_hbm,
                srcall, dstall, rows, sems, acc):
        cid = lax.axis_index("c")
        sid = lax.axis_index("s")

        @pl.when(cid == 0)
        def _core0():
            pltpu.sync_copy(zeros_hbm, acc.at[pl.ds(sid * RPT, RPT)])
            pltpu.sync_copy(src_hbm.at[pl.ds(sid * nch, nch)], srcall)
            pltpu.sync_copy(dst_hbm.at[pl.ds(sid * nch, nch)], dstall)
            plsc.subcore_barrier()

            for b in range(8):
                pltpu.async_copy(s_hbm.at[srcall.at[b]], rows[b], sems[b])

            @pl.loop(0, nch, step=8)
            def _edges(c):
                for b in range(8):
                    pltpu.make_async_copy(
                        s_hbm.at[srcall.at[c + b]], rows[b], sems[b]).wait()
                    pltpu.sync_copy(rows[b], acc.at[dstall.at[c + b]], add=True)

                    @pl.when(c + b + 8 < nch)
                    def _():
                        pltpu.async_copy(
                            s_hbm.at[srcall.at[c + b + 8]], rows[b], sems[b])

            plsc.subcore_barrier()
            pltpu.sync_copy(acc.at[pl.ds(sid * RPT, RPT)],
                            out_hbm.at[pl.ds(sid * RPT, RPT)])

    return _segsum


_segsum_hid = _make_segsum(HID_DIM, jnp.bfloat16)
_segsum_out = _make_segsum(OUT_DIM, jnp.float32)


_BLK = 1000


def _tc1_body(x_ref, w1_ref, degp_ref, s1_ref, s1b_ref, dis_ref):
    deg = jnp.sum(degp_ref[...], axis=0) + 1.0
    dis = lax.rsqrt(deg)
    xw = jnp.dot(x_ref[...], w1_ref[...], preferred_element_type=jnp.float32)
    s1 = xw * dis
    s1_ref[...] = s1
    s1b_ref[...] = s1.astype(jnp.bfloat16)
    dis_ref[...] = dis


def _tc1(x, W1, degp3):
    return pl.pallas_call(
        _tc1_body,
        grid=(N // _BLK,),
        in_specs=[
            pl.BlockSpec((_BLK, IN_DIM), lambda i: (i, 0)),
            pl.BlockSpec((IN_DIM, HID_DIM), lambda i: (0, 0)),
            pl.BlockSpec((NC, _BLK, 1), lambda i: (0, i, 0)),
        ],
        out_specs=[
            pl.BlockSpec((_BLK, HID_DIM), lambda i: (i, 0)),
            pl.BlockSpec((_BLK, HID_DIM), lambda i: (i, 0)),
            pl.BlockSpec((_BLK, 1), lambda i: (i, 0)),
        ],
        out_shape=[
            jax.ShapeDtypeStruct((N, HID_DIM), jnp.float32),
            jax.ShapeDtypeStruct((N, HID_DIM), jnp.bfloat16),
            jax.ShapeDtypeStruct((N, 1), jnp.float32),
        ],
    )(x, W1, degp3)


def _tc2_body(t1p_ref, s1_ref, dis_ref, b1_ref, w2_ref, s2_ref):
    t = t1p_ref[...].astype(jnp.float32) + s1_ref[...]
    h = jnp.maximum(t * dis_ref[...] + b1_ref[...], 0.0)
    xw2 = jnp.dot(h, w2_ref[...], preferred_element_type=jnp.float32)
    s2_ref[...] = xw2 * dis_ref[...]


def _tc2(t1p, s1, dis, b1r, W2):
    return pl.pallas_call(
        _tc2_body,
        grid=(N // _BLK,),
        in_specs=[
            pl.BlockSpec((_BLK, HID_DIM), lambda i: (i, 0)),
            pl.BlockSpec((_BLK, HID_DIM), lambda i: (i, 0)),
            pl.BlockSpec((_BLK, 1), lambda i: (i, 0)),
            pl.BlockSpec((1, HID_DIM), lambda i: (0, 0)),
            pl.BlockSpec((HID_DIM, OUT_DIM), lambda i: (0, 0)),
        ],
        out_specs=pl.BlockSpec((_BLK, OUT_DIM), lambda i: (i, 0)),
        out_shape=jax.ShapeDtypeStruct((N, OUT_DIM), jnp.float32),
    )(t1p, s1, dis, b1r, W2)


def _tc3_body(t2p_ref, s2_ref, dis_ref, b2_ref, o_ref):
    o = (t2p_ref[...] + s2_ref[...]) * dis_ref[...] + b2_ref[...]
    m = jnp.max(o, axis=1, keepdims=True)
    lse = jnp.log(jnp.sum(jnp.exp(o - m), axis=1, keepdims=True)) + m
    o_ref[...] = o - lse


def _tc3(t2p, s2, dis, b2r):
    return pl.pallas_call(
        _tc3_body,
        grid=(N // _BLK,),
        in_specs=[
            pl.BlockSpec((_BLK, OUT_DIM), lambda i: (i, 0)),
            pl.BlockSpec((_BLK, OUT_DIM), lambda i: (i, 0)),
            pl.BlockSpec((_BLK, 1), lambda i: (i, 0)),
            pl.BlockSpec((1, OUT_DIM), lambda i: (0, 0)),
        ],
        out_specs=pl.BlockSpec((_BLK, OUT_DIM), lambda i: (i, 0)),
        out_shape=jax.ShapeDtypeStruct((N, OUT_DIM), jnp.float32),
    )(t2p, s2, dis, b2r)


def kernel(x, edge_index, W1, b1, W2, b2):
    ei = edge_index.astype(jnp.int32)
    pad = EPAD - E
    dum = N + jnp.arange(pad, dtype=jnp.int32) % (NPAD - N)
    src = jnp.concatenate([ei[0], jnp.zeros((pad,), jnp.int32)])
    dst = jnp.concatenate([ei[1], dum])
    src2d = src.reshape(EPAD // CHUNK, CHUNK)
    dst2d = dst.reshape(EPAD // CHUNK, CHUNK)

    z_deg = jnp.zeros((RPT,), jnp.float32)
    degp = _deg_kernel(z_deg, dst2d)
    degp3 = degp[:, :, None]

    s1, s1b, dis = _tc1(x, W1, degp3)

    z_hid = jnp.zeros((RPT, HID_DIM), jnp.bfloat16)
    t1p = _segsum_hid(z_hid, s1b, src2d, dst2d)

    s2 = _tc2(t1p, s1, dis, b1.reshape(1, HID_DIM), W2)

    z_out = jnp.zeros((RPT, OUT_DIM), jnp.float32)
    t2p = _segsum_out(z_out, s2, src2d, dst2d)

    return _tc3(t2p, s2, dis, b2.reshape(1, OUT_DIM))

# --- scband reference (transcript-rebuilt; emitter-appended) ---
"""Pipeline reference for scband-gnn-23751169147538 (READ-ONLY COPY).

The authoritative reference and input builder live on the scoring server;
editing this copy changes nothing except your own understanding.
"""

import jax, jax.numpy as jnp
import numpy as np

NUM_NODES = 10000
NUM_EDGES = 160000
IN_DIM = 256
HID_DIM = 128
OUT_DIM = 16


def setup_inputs(seed: int = 0) -> dict:
    key = jax.random.key(seed)
    k1, k2, k3, k4, k5, k6 = jax.random.split(key, 6)
    x = jax.random.normal(k1, (NUM_NODES, IN_DIM), dtype=jnp.float32)
    edge_index = jax.random.randint(k2, (2, NUM_EDGES), 0, NUM_NODES, dtype=jnp.int64)
    # GCNConv params (glorot-like init)
    W1 = jax.random.normal(k3, (IN_DIM, HID_DIM), dtype=jnp.float32) * (1.0 / np.sqrt(IN_DIM))
    b1 = jnp.zeros((HID_DIM,), dtype=jnp.float32)
    W2 = jax.random.normal(k4, (HID_DIM, OUT_DIM), dtype=jnp.float32) * (1.0 / np.sqrt(HID_DIM))
    b2 = jnp.zeros((OUT_DIM,), dtype=jnp.float32)
    return {"x": x, "edge_index": edge_index, "W1": W1, "b1": b1, "W2": W2, "b2": b2}


def gcn_conv(x, src, dst, W, b, num_nodes):
    # linear transform
    xw = x @ W
    # symmetric normalization with self-loops (PyG GCNConv default)
    deg = jnp.zeros((num_nodes,), dtype=xw.dtype).at[dst].add(1.0)
    deg_inv_sqrt = jnp.where(deg > 0, jax.lax.rsqrt(jnp.maximum(deg, 1e-12)), 0.0)
    norm = deg_inv_sqrt[src] * deg_inv_sqrt[dst]
    msg = xw[src] * norm[:, None]
    out = jnp.zeros((num_nodes, xw.shape[1]), dtype=xw.dtype).at[dst].add(msg)
    return out + b


def reference(x, edge_index, W1, b1, W2, b2):
    num_nodes = x.shape[0]
    loop = jnp.arange(num_nodes, dtype=edge_index.dtype)
    src = jnp.concatenate([edge_index[0], loop])
    dst = jnp.concatenate([edge_index[1], loop])
    h = gcn_conv(x, src, dst, W1, b1, num_nodes)
    h = jax.nn.relu(h)
    h = gcn_conv(h, src, dst, W2, b2, num_nodes)
    return jax.nn.log_softmax(h, axis=1)

if __name__ == "__main__":
    import jax
    _d = setup_inputs()
    print(jax.jit(kernel)(*tuple(_d.values())))

</pallas_src>

<mosaic_0001>
#map = affine_map<(d0, d1) -> (0)>
#map1 = affine_map<(d0, d1) -> (0, 0)>
module attributes {stable_mosaic.version = 14 : i64} {
  func.func @_deg_kernel(%arg0: i32, %arg1: i32, %arg2: memref<640xf32, #tpu.memory_space<hbm>>, %arg3: memref<1280x128xi32, #tpu.memory_space<hbm>>, %arg4: memref<2x10240xf32, #tpu.memory_space<hbm>>, %arg5: memref<40x128xi32, #tpu.memory_space<vmem>>, %arg6: memref<128xf32, #tpu.memory_space<vmem>>, %arg7: memref<!tpu.dma_semaphore, #tpu.memory_space<semaphore_mem>>, %arg8: memref<10240xf32, #tpu.memory_space<vmem_shared>>) attributes {dimension_semantics = [#tpu.dimension_semantics<core_parallel>, #tpu.dimension_semantics<subcore_parallel>], iteration_bounds = array<i64: 2, 16>, scalar_prefetch = 0 : i64, scratch_operands = 4 : i64, tpu.core_type = #tpu.core_type<sc_vector_subcore>, window_params = [{transform_indices = #map}, {transform_indices = #map1}, {transform_indices = #map1}]} {
    %mul3A = arith.constant 16 : i32
    %mul3A_0 = arith.muli %arg0, %mul3A : i32
    %add3A = arith.addi %mul3A_0, %arg1 : i32
    %broadcast_in_dim3A = arith.constant 1.000000e+00 : f32
    %broadcast_in_dim3A_1 = vector.broadcast %broadcast_in_dim3A : f32 to vector<16xf32>
    %scan3A = arith.constant 0 : i32
    %scan3A_2 = arith.constant 8 : i32
    %scan3A_3 = arith.addi %scan3A, %scan3A_2 : i32
    %scan3A_4 = arith.constant 1 : i32
    scf.for %scan3A_25 = %scan3A to %scan3A_3 step %scan3A_4  : i32 {
      %mul3A_26 = arith.constant 1 : i32
      %mul3A_27 = arith.muli %scan3A_25, %mul3A_26 : i32
      %add3A_28 = arith.constant 0 : i32
      %add3A_29 = arith.addi %add3A_28, %mul3A_27 : i32
      %mul3A_30 = arith.constant 16 : i32
      %mul3A_31 = arith.muli %add3A_29, %mul3A_30 : i32
      %swap3A = arith.index_cast %mul3A_31 : i32 to index
      %swap3A_32 = tpu.vector_load %arg6[%swap3A] {strides = array<i32>} : memref<128xf32, #tpu.memory_space<vmem>>, vector<16xf32>,
      %swap3A_33 = vector.shape_cast %swap3A_32 : vector<16xf32> to vector<16xf32>
      %swap3A_34 = vector.shape_cast %broadcast_in_dim3A_1 : vector<16xf32> to vector<16xf32>
      tpu.vector_store %arg6[%swap3A], %swap3A_34 {strides = array<i32>} : memref<128xf32, #tpu.memory_space<vmem>>, vector<16xf32>,
    }
    %scan3A_5 = arith.constant 8 : i32
    %mul3A_6 = arith.constant 640 : i32
    %mul3A_7 = arith.muli %arg1, %mul3A_6 : i32
    "tpu.region"() ({
      %run_scoped3A = tpu.sem_alloc : memref<!tpu.dma_semaphore, #tpu.memory_space<semaphore_mem>>
      %dma_start3A = tpu.memref_slice %arg8[%mul3A_7] : memref<10240xf32, #tpu.memory_space<vmem_shared>> -> memref<640xf32, #tpu.memory_space<vmem_shared>>
      tpu.enqueue_dma source(%arg2 : memref<640xf32, #tpu.memory_space<hbm>>) target(%dma_start3A : memref<640xf32, #tpu.memory_space<vmem_shared>>) target_semaphore(%run_scoped3A : memref<!tpu.dma_semaphore, #tpu.memory_space<semaphore_mem>>)
      %dma_wait3A = tpu.memref_slice %arg8[%mul3A_7] : memref<10240xf32, #tpu.memory_space<vmem_shared>> -> memref<640xf32, #tpu.memory_space<vmem_shared>>
      tpu.wait_dma2 semaphore(%run_scoped3A : memref<!tpu.dma_semaphore, #tpu.memory_space<semaphore_mem>>) src(%arg2 : memref<640xf32, #tpu.memory_space<hbm>>) dst(%dma_wait3A : memref<640xf32, #tpu.memory_space<vmem_shared>>)
      tpu.yield
    }) : () -> ()
    %mul3A_8 = arith.constant 40 : i32
    %mul3A_9 = arith.muli %add3A, %mul3A_8 : i32
    "tpu.region"() ({
      %run_scoped3A = tpu.sem_alloc : memref<!tpu.dma_semaphore, #tpu.memory_space<semaphore_mem>>
      %dma_start3A = arith.constant 0 : i32
      %dma_start3A_25 = tpu.memref_slice %arg3[%mul3A_9, %dma_start3A] : memref<1280x128xi32, #tpu.memory_space<hbm>> -> memref<40x128xi32, #tpu.memory_space<hbm>>
      %dma_start3A_26 = arith.constant 0 : i32
      %dma_start3A_27 = tpu.memref_slice %arg3[%mul3A_9, %dma_start3A_26] : memref<1280x128xi32, #tpu.memory_space<hbm>> -> memref<40x128xi32, #tpu.memory_space<hbm>>
      tpu.enqueue_dma source(%dma_start3A_27 : memref<40x128xi32, #tpu.memory_space<hbm>>) target(%arg5 : memref<40x128xi32, #tpu.memory_space<vmem>>) target_semaphore(%run_scoped3A : memref<!tpu.dma_semaphore, #tpu.memory_space<semaphore_mem>>)
      %dma_wait3A = arith.constant 0 : i32
      %dma_wait3A_28 = tpu.memref_slice %arg3[%mul3A_9, %dma_wait3A] : memref<1280x128xi32, #tpu.memory_space<hbm>> -> memref<40x128xi32, #tpu.memory_space<hbm>>
      %dma_wait3A_29 = arith.constant 0 : i32
      %dma_wait3A_30 = tpu.memref_slice %arg3[%mul3A_9, %dma_wait3A_29] : memref<1280x128xi32, #tpu.memory_space<hbm>> -> memref<40x128xi32, #tpu.memory_space<hbm>>
      tpu.wait_dma2 semaphore(%run_scoped3A : memref<!tpu.dma_semaphore, #tpu.memory_space<semaphore_mem>>) src(%dma_wait3A_30 : memref<40x128xi32, #tpu.memory_space<hbm>>) dst(%arg5 : memref<40x128xi32, #tpu.memory_space<vmem>>)
      tpu.yield
    }) : () -> ()
    %barrier3A = arith.constant 0 : index
    tpu.barrier barrier_id(%barrier3A)
    %scan3A_10 = arith.constant 0 : i32
    %scan3A_11 = arith.constant 40 : i32
    %scan3A_12 = arith.addi %scan3A_10, %scan3A_11 : i32
    %scan3A_13 = arith.constant 1 : i32
    scf.for %scan3A_25 = %scan3A_10 to %scan3A_12 step %scan3A_13  : i32 {
      %mul3A_26 = arith.constant 1 : i32
      %mul3A_27 = arith.muli %scan3A_25, %mul3A_26 : i32
      %add3A_28 = arith.constant 0 : i32
      %add3A_29 = arith.addi %add3A_28, %mul3A_27 : i32
      %dma_start3A = arith.constant 0 : i32
      %dma_start3A_30 = tpu.memref_slice %arg5[%add3A_29, %dma_start3A] : memref<40x128xi32, #tpu.memory_space<vmem>> -> memref<1x128xi32, #tpu.memory_space<vmem>>
      %dma_start3A_31 = tpu.memref_squeeze %dma_start3A_30 : memref<1x128xi32, #tpu.memory_space<vmem>> -> memref<128xi32, #tpu.memory_space<vmem>>
      %dma_start3A_32 = arith.constant 0 : i32
      %dma_start3A_33 = tpu.memref_slice %arg8[%dma_start3A_32] : memref<10240xf32, #tpu.memory_space<vmem_shared>> -> memref<10240xf32, #tpu.memory_space<vmem_shared>>
      tpu.enqueue_indirect_dma source(%arg6 : memref<128xf32, #tpu.memory_space<vmem>>) target(%dma_start3A_33 : memref<10240xf32, #tpu.memory_space<vmem_shared>>) offsets(%dma_start3A_31 : memref<128xi32, #tpu.memory_space<vmem>>) semaphore(%arg7 : memref<!tpu.dma_semaphore, #tpu.memory_space<semaphore_mem>>) {add = true}
    }
    %scan3A_14 = arith.constant 40 : i32
    %scan3A_15 = arith.constant 0 : i32
    %scan3A_16 = arith.constant 40 : i32
    %scan3A_17 = arith.addi %scan3A_15, %scan3A_16 : i32
    %scan3A_18 = arith.constant 1 : i32
    scf.for %scan3A_25 = %scan3A_15 to %scan3A_17 step %scan3A_18  : i32 {
      %mul3A_26 = arith.constant 1 : i32
      %mul3A_27 = arith.muli %scan3A_25, %mul3A_26 : i32
      %add3A_28 = arith.constant 0 : i32
      %add3A_29 = arith.addi %add3A_28, %mul3A_27 : i32
      %dma_wait3A = arith.constant 0 : i32
      %dma_wait3A_30 = tpu.memref_slice %arg5[%add3A_29, %dma_wait3A] : memref<40x128xi32, #tpu.memory_space<vmem>> -> memref<1x128xi32, #tpu.memory_space<vmem>>
      %dma_wait3A_31 = tpu.memref_squeeze %dma_wait3A_30 : memref<1x128xi32, #tpu.memory_space<vmem>> -> memref<128xi32, #tpu.memory_space<vmem>>
      %dma_wait3A_32 = arith.constant 0 : i32
      %dma_wait3A_33 = tpu.memref_slice %arg8[%dma_wait3A_32] : memref<10240xf32, #tpu.memory_space<vmem_shared>> -> memref<10240xf32, #tpu.memory_space<vmem_shared>>
      tpu.wait_indirect_dma semaphore(%arg7 : memref<!tpu.dma_semaphore, #tpu.memory_space<semaphore_mem>>) src(%arg6 : memref<128xf32, #tpu.memory_space<vmem>>) dst(%dma_wait3A_33 : memref<10240xf32, #tpu.memory_space<vmem_shared>>)
    }
    %scan3A_19 = arith.constant 40 : i32
    %barrier3A_20 = arith.constant 0 : index
    tpu.barrier barrier_id(%barrier3A_20)
    %mul3A_21 = arith.constant 640 : i32
    %mul3A_22 = arith.muli %arg1, %mul3A_21 : i32
    %mul3A_23 = arith.constant 640 : i32
    %mul3A_24 = arith.muli %arg1, %mul3A_23 : i32
    "tpu.region"() ({
      %run_scoped3A = tpu.sem_alloc : memref<!tpu.dma_semaphore, #tpu.memory_space<semaphore_mem>>
      %dma_start3A = tpu.memref_slice %arg4[%arg0, %mul3A_24] : memref<2x10240xf32, #tpu.memory_space<hbm>> -> memref<1x640xf32, #tpu.memory_space<hbm>>
      %dma_start3A_25 = tpu.memref_squeeze %dma_start3A : memref<1x640xf32, #tpu.memory_space<hbm>> -> memref<640xf32, #tpu.memory_space<hbm>>
      %dma_start3A_26 = tpu.memref_slice %arg8[%mul3A_22] : memref<10240xf32, #tpu.memory_space<vmem_shared>> -> memref<640xf32, #tpu.memory_space<vmem_shared>>
      tpu.enqueue_dma source(%dma_start3A_26 : memref<640xf32, #tpu.memory_space<vmem_shared>>) target(%dma_start3A_25 : memref<640xf32, #tpu.memory_space<hbm>>) target_semaphore(%run_scoped3A : memref<!tpu.dma_semaphore, #tpu.memory_space<semaphore_mem>>)
      %dma_wait3A = tpu.memref_slice %arg4[%arg0, %mul3A_24] : memref<2x10240xf32, #tpu.memory_space<hbm>> -> memref<1x640xf32, #tpu.memory_space<hbm>>
      %dma_wait3A_27 = tpu.memref_squeeze %dma_wait3A : memref<1x640xf32, #tpu.memory_space<hbm>> -> memref<640xf32, #tpu.memory_space<hbm>>
      %dma_wait3A_28 = tpu.memref_slice %arg8[%mul3A_22] : memref<10240xf32, #tpu.memory_space<vmem_shared>> -> memref<640xf32, #tpu.memory_space<vmem_shared>>
      tpu.wait_dma2 semaphore(%run_scoped3A : memref<!tpu.dma_semaphore, #tpu.memory_space<semaphore_mem>>) src(%dma_wait3A_28 : memref<640xf32, #tpu.memory_space<vmem_shared>>) dst(%dma_wait3A_27 : memref<640xf32, #tpu.memory_space<hbm>>)
      tpu.yield
    }) : () -> ()
    return
  }
}

#map = affine_map<(d0, d1) -> (0, 0)>
module attributes {stable_mosaic.version = 14 : i64} {
  func.func @_segsum(%arg0: i32, %arg1: i32, %arg2: memref<640x16xf32, #tpu.memory_space<hbm>>, %arg3: memref<10000x16xf32, #tpu.memory_space<hbm>>, %arg4: memref<1280x128xi32, #tpu.memory_space<hbm>>, %arg5: memref<1280x128xi32, #tpu.memory_space<hbm>>, %arg6: memref<10240x16xf32, #tpu.memory_space<hbm>>, %arg7: memref<80x128xi32, #tpu.memory_space<vmem>>, %arg8: memref<80x128xi32, #tpu.memory_space<vmem>>, %arg9: memref<128x16xf32, #tpu.memory_space<vmem>>, %arg10: memref<128x16xf32, #tpu.memory_space<vmem>>, %arg11: memref<128x16xf32, #tpu.memory_space<vmem>>, %arg12: memref<128x16xf32, #tpu.memory_space<vmem>>, %arg13: memref<128x16xf32, #tpu.memory_space<vmem>>, %arg14: memref<128x16xf32, #tpu.memory_space<vmem>>, %arg15: memref<128x16xf32, #tpu.memory_space<vmem>>, %arg16: memref<128x16xf32, #tpu.memory_space<vmem>>, %arg17: memref<!tpu.dma_semaphore, #tpu.memory_space<semaphore_mem>>, %arg18: memref<!tpu.dma_semaphore, #tpu.memory_space<semaphore_mem>>, %arg19: memref<!tpu.dma_semaphore, #tpu.memory_space<semaphore_mem>>, %arg20: memref<!tpu.dma_semaphore, #tpu.memory_space<semaphore_mem>>, %arg21: memref<!tpu.dma_semaphore, #tpu.memory_space<semaphore_mem>>, %arg22: memref<!tpu.dma_semaphore, #tpu.memory_space<semaphore_mem>>, %arg23: memref<!tpu.dma_semaphore, #tpu.memory_space<semaphore_mem>>, %arg24: memref<!tpu.dma_semaphore, #tpu.memory_space<semaphore_mem>>, %arg25: memref<10240x16xf32, #tpu.memory_space<vmem_shared>>) attributes {dimension_semantics = [#tpu.dimension_semantics<core_parallel>, #tpu.dimension_semantics<subcore_parallel>], iteration_bounds = array<i64: 2, 16>, scalar_prefetch = 0 : i64, scratch_operands = 19 : i64, tpu.core_type = #tpu.core_type<sc_vector_subcore>, window_params = [{transform_indices = #map}, {transform_indices = #map}, {transform_indices = #map}, {transform_indices = #map}, {transform_indices = #map}]} {
    %eq3A = arith.constant 0 : i32
    %eq3A_0 = arith.cmpi eq, %arg0, %eq3A : i32
    %convert_element_type3A = arith.extui %eq3A_0 : i1 to i32
    %cond3A = arith.constant 0 : i32
    %cond3A_1 = arith.cmpi ne, %convert_element_type3A, %cond3A : i32
    scf.if %cond3A_1 {
      %mul3A = arith.constant 640 : i32
      %mul3A_2 = arith.muli %arg1, %mul3A : i32
      "tpu.region"() ({
        %run_scoped3A = tpu.sem_alloc : memref<!tpu.dma_semaphore, #tpu.memory_space<semaphore_mem>>
        %dma_start3A_71 = arith.constant 0 : i32
        %dma_start3A_72 = tpu.memref_slice %arg25[%mul3A_2, %dma_start3A_71] : memref<10240x16xf32, #tpu.memory_space<vmem_shared>> -> memref<640x16xf32, #tpu.memory_space<vmem_shared>>
        tpu.enqueue_dma source(%arg2 : memref<640x16xf32, #tpu.memory_space<hbm>>) target(%dma_start3A_72 : memref<640x16xf32, #tpu.memory_space<vmem_shared>>) target_semaphore(%run_scoped3A : memref<!tpu.dma_semaphore, #tpu.memory_space<semaphore_mem>>)
        %dma_wait3A = arith.constant 0 : i32
        %dma_wait3A_73 = tpu.memref_slice %arg25[%mul3A_2, %dma_wait3A] : memref<10240x16xf32, #tpu.memory_space<vmem_shared>> -> memref<640x16xf32, #tpu.memory_space<vmem_shared>>
        tpu.wait_dma2 semaphore(%run_scoped3A : memref<!tpu.dma_semaphore, #tpu.memory_space<semaphore_mem>>) src(%arg2 : memref<640x16xf32, #tpu.memory_space<hbm>>) dst(%dma_wait3A_73 : memref<640x16xf32, #tpu.memory_space<vmem_shared>>)
        tpu.yield
      }) : () -> ()
      %mul3A_3 = arith.constant 80 : i32
      %mul3A_4 = arith.muli %arg1, %mul3A_3 : i32
      "tpu.region"() ({
        %run_scoped3A = tpu.sem_alloc : memref<!tpu.dma_semaphore, #tpu.memory_space<semaphore_mem>>
        %dma_start3A_71 = arith.constant 0 : i32
        %dma_start3A_72 = tpu.memref_slice %arg4[%mul3A_4, %dma_start3A_71] : memref<1280x128xi32, #tpu.memory_space<hbm>> -> memref<80x128xi32, #tpu.memory_space<hbm>>
        %dma_start3A_73 = arith.constant 0 : i32
        %dma_start3A_74 = tpu.memref_slice %arg4[%mul3A_4, %dma_start3A_73] : memref<1280x128xi32, #tpu.memory_space<hbm>> -> memref<80x128xi32, #tpu.memory_space<hbm>>
        tpu.enqueue_dma source(%dma_start3A_74 : memref<80x128xi32, #tpu.memory_space<hbm>>) target(%arg7 : memref<80x128xi32, #tpu.memory_space<vmem>>) target_semaphore(%run_scoped3A : memref<!tpu.dma_semaphore, #tpu.memory_space<semaphore_mem>>)
        %dma_wait3A = arith.constant 0 : i32
        %dma_wait3A_75 = tpu.memref_slice %arg4[%mul3A_4, %dma_wait3A] : memref<1280x128xi32, #tpu.memory_space<hbm>> -> memref<80x128xi32, #tpu.memory_space<hbm>>
        %dma_wait3A_76 = arith.constant 0 : i32
        %dma_wait3A_77 = tpu.memref_slice %arg4[%mul3A_4, %dma_wait3A_76] : memref<1280x128xi32, #tpu.memory_space<hbm>> -> memref<80x128xi32, #tpu.memory_space<hbm>>
        tpu.wait_dma2 semaphore(%run_scoped3A : memref<!tpu.dma_semaphore, #tpu.memory_space<semaphore_mem>>) src(%dma_wait3A_77 : memref<80x128xi32, #tpu.memory_space<hbm>>) dst(%arg7 : memref<80x128xi32, #tpu.memory_space<vmem>>)
        tpu.yield
      }) : () -> ()
      %mul3A_5 = arith.constant 80 : i32
      %mul3A_6 = arith.muli %arg1, %mul3A_5 : i32
      "tpu.region"() ({
        %run_scoped3A = tpu.sem_alloc : memref<!tpu.dma_semaphore, #tpu.memory_space<semaphore_mem>>
        %dma_start3A_71 = arith.constant 0 : i32
        %dma_start3A_72 = tpu.memref_slice %arg5[%mul3A_6, %dma_start3A_71] : memref<1280x128xi32, #tpu.memory_space<hbm>> -> memref<80x128xi32, #tpu.memory_space<hbm>>
        %dma_start3A_73 = arith.constant 0 : i32
        %dma_start3A_74 = tpu.memref_slice %arg5[%mul3A_6, %dma_start3A_73] : memref<1280x128xi32, #tpu.memory_space<hbm>> -> memref<80x128xi32, #tpu.memory_space<hbm>>
        tpu.enqueue_dma source(%dma_start3A_74 : memref<80x128xi32, #tpu.memory_space<hbm>>) target(%arg8 : memref<80x128xi32, #tpu.memory_space<vmem>>) target_semaphore(%run_scoped3A : memref<!tpu.dma_semaphore, #tpu.memory_space<semaphore_mem>>)
        %dma_wait3A = arith.constant 0 : i32
        %dma_wait3A_75 = tpu.memref_slice %arg5[%mul3A_6, %dma_wait3A] : memref<1280x128xi32, #tpu.memory_space<hbm>> -> memref<80x128xi32, #tpu.memory_space<hbm>>
        %dma_wait3A_76 = arith.constant 0 : i32
        %dma_wait3A_77 = tpu.memref_slice %arg5[%mul3A_6, %dma_wait3A_76] : memref<1280x128xi32, #tpu.memory_space<hbm>> -> memref<80x128xi32, #tpu.memory_space<hbm>>
        tpu.wait_dma2 semaphore(%run_scoped3A : memref<!tpu.dma_semaphore, #tpu.memory_space<semaphore_mem>>) src(%dma_wait3A_77 : memref<80x128xi32, #tpu.memory_space<hbm>>) dst(%arg8 : memref<80x128xi32, #tpu.memory_space<vmem>>)
        tpu.yield
      }) : () -> ()
      %barrier3A = arith.constant 0 : index
      tpu.barrier barrier_id(%barrier3A)
      %dma_start3A = arith.constant 0 : i32
      %dma_start3A_7 = arith.constant 0 : i32
      %dma_start3A_8 = tpu.memref_slice %arg7[%dma_start3A, %dma_start3A_7] : memref<80x128xi32, #tpu.memory_space<vmem>> -> memref<1x128xi32, #tpu.memory_space<vmem>>
      %dma_start3A_9 = tpu.memref_squeeze %dma_start3A_8 : memref<1x128xi32, #tpu.memory_space<vmem>> -> memref<128xi32, #tpu.memory_space<vmem>>
      %dma_start3A_10 = arith.constant 0 : i32
      %dma_start3A_11 = arith.constant 0 : i32
      %dma_start3A_12 = tpu.memref_slice %arg3[%dma_start3A_10, %dma_start3A_11] : memref<10000x16xf32, #tpu.memory_space<hbm>> -> memref<10000x16xf32, #tpu.memory_space<hbm>>
      tpu.enqueue_indirect_dma source(%dma_start3A_12 : memref<10000x16xf32, #tpu.memory_space<hbm>>) target(%arg9 : memref<128x16xf32, #tpu.memory_space<vmem>>) offsets(%dma_start3A_9 : memref<128xi32, #tpu.memory_space<vmem>>) semaphore(%arg17 : memref<!tpu.dma_semaphore, #tpu.memory_space<semaphore_mem>>)
      %dma_start3A_13 = arith.constant 1 : i32
      %dma_start3A_14 = arith.constant 0 : i32
      %dma_start3A_15 = tpu.memref_slice %arg7[%dma_start3A_13, %dma_start3A_14] : memref<80x128xi32, #tpu.memory_space<vmem>> -> memref<1x128xi32, #tpu.memory_space<vmem>>
      %dma_start3A_16 = tpu.memref_squeeze %dma_start3A_15 : memref<1x128xi32, #tpu.memory_space<vmem>> -> memref<128xi32, #tpu.memory_space<vmem>>
      %dma_start3A_17 = arith.constant 0 : i32
      %dma_start3A_18 = arith.constant 0 : i32
      %dma_start3A_19 = tpu.memref_slice %arg3[%dma_start3A_17, %dma_start3A_18] : memref<10000x16xf32, #tpu.memory_space<hbm>> -> memref<10000x16xf32, #tpu.memory_space<hbm>>
      tpu.enqueue_indirect_dma source(%dma_start3A_19 : memref<10000x16xf32, #tpu.memory_space<hbm>>) target(%arg10 : memref<128x16xf32, #tpu.memory_space<vmem>>) offsets(%dma_start3A_16 : memref<128xi32, #tpu.memory_space<vmem>>) semaphore(%arg18 : memref<!tpu.dma_semaphore, #tpu.memory_space<semaphore_mem>>)
      %dma_start3A_20 = arith.constant 2 : i32
      %dma_start3A_21 = arith.constant 0 : i32
      %dma_start3A_22 = tpu.memref_slice %arg7[%dma_start3A_20, %dma_start3A_21] : memref<80x128xi32, #tpu.memory_space<vmem>> -> memref<1x128xi32, #tpu.memory_space<vmem>>
      %dma_start3A_23 = tpu.memref_squeeze %dma_start3A_22 : memref<1x128xi32, #tpu.memory_space<vmem>> -> memref<128xi32, #tpu.memory_space<vmem>>
      %dma_start3A_24 = arith.constant 0 : i32
      %dma_start3A_25 = arith.constant 0 : i32
      %dma_start3A_26 = tpu.memref_slice %arg3[%dma_start3A_24, %dma_start3A_25] : memref<10000x16xf32, #tpu.memory_space<hbm>> -> memref<10000x16xf32, #tpu.memory_space<hbm>>
      tpu.enqueue_indirect_dma source(%dma_start3A_26 : memref<10000x16xf32, #tpu.memory_space<hbm>>) target(%arg11 : memref<128x16xf32, #tpu.memory_space<vmem>>) offsets(%dma_start3A_23 : memref<128xi32, #tpu.memory_space<vmem>>) semaphore(%arg19 : memref<!tpu.dma_semaphore, #tpu.memory_space<semaphore_mem>>)
      %dma_start3A_27 = arith.constant 3 : i32
      %dma_start3A_28 = arith.constant 0 : i32
      %dma_start3A_29 = tpu.memref_slice %arg7[%dma_start3A_27, %dma_start3A_28] : memref<80x128xi32, #tpu.memory_space<vmem>> -> memref<1x128xi32, #tpu.memory_space<vmem>>
      %dma_start3A_30 = tpu.memref_squeeze %dma_start3A_29 : memref<1x128xi32, #tpu.memory_space<vmem>> -> memref<128xi32, #tpu.memory_space<vmem>>
      %dma_start3A_31 = arith.constant 0 : i32
      %dma_start3A_32 = arith.constant 0 : i32
      %dma_start3A_33 = tpu.memref_slice %arg3[%dma_start3A_31, %dma_start3A_32] : memref<10000x16xf32, #tpu.memory_space<hbm>> -> memref<10000x16xf32, #tpu.memory_space<hbm>>
      tpu.enqueue_indirect_dma source(%dma_start3A_33 : memref<10000x16xf32, #tpu.memory_space<hbm>>) target(%arg12 : memref<128x16xf32, #tpu.memory_space<vmem>>) offsets(%dma_start3A_30 : memref<128xi32, #tpu.memory_space<vmem>>) semaphore(%arg20 : memref<!tpu.dma_semaphore, #tpu.memory_space<semaphore_mem>>)
      %dma_start3A_34 = arith.constant 4 : i32
      %dma_start3A_35 = arith.constant 0 : i32
      %dma_start3A_36 = tpu.memref_slice %arg7[%dma_start3A_34, %dma_start3A_35] : memref<80x128xi32, #tpu.memory_space<vmem>> -> memref<1x128xi32, #tpu.memory_space<vmem>>
      %dma_start3A_37 = tpu.memref_squeeze %dma_start3A_36 : memref<1x128xi32, #tpu.memory_space<vmem>> -> memref<128xi32, #tpu.memory_space<vmem>>
      %dma_start3A_38 = arith.constant 0 : i32
      %dma_start3A_39 = arith.constant 0 : i32
      %dma_start3A_40 = tpu.memref_slice %arg3[%dma_start3A_38, %dma_start3A_39] : memref<10000x16xf32, #tpu.memory_space<hbm>> -> memref<10000x16xf32, #tpu.memory_space<hbm>>
      tpu.enqueue_indirect_dma source(%dma_start3A_40 : memref<10000x16xf32, #tpu.memory_space<hbm>>) target(%arg13 : memref<128x16xf32, #tpu.memory_space<vmem>>) offsets(%dma_start3A_37 : memref<128xi32, #tpu.memory_space<vmem>>) semaphore(%arg21 : memref<!tpu.dma_semaphore, #tpu.memory_space<semaphore_mem>>)
      %dma_start3A_41 = arith.constant 5 : i32
      %dma_start3A_42 = arith.constant 0 : i32
      %dma_start3A_43 = tpu.memref_slice %arg7[%dma_start3A_41, %dma_start3A_42] : memref<80x128xi32, #tpu.memory_space<vmem>> -> memref<1x128xi32, #tpu.memory_space<vmem>>
      %dma_start3A_44 = tpu.memref_squeeze %dma_start3A_43 : memref<1x128xi32, #tpu.memory_space<vmem>> -> memref<128xi32, #tpu.memory_space<vmem>>
      %dma_start3A_45 = arith.constant 0 : i32
      %dma_start3A_46 = arith.constant 0 : i32
      %dma_start3A_47 = tpu.memref_slice %arg3[%dma_start3A_45, %dma_start3A_46] : memref<10000x16xf32, #tpu.memory_space<hbm>> -> memref<10000x16xf32, #tpu.memory_space<hbm>>
      tpu.enqueue_indirect_dma source(%dma_start3A_47 : memref<10000x16xf32, #tpu.memory_space<hbm>>) target(%arg14 : memref<128x16xf32, #tpu.memory_space<vmem>>) offsets(%dma_start3A_44 : memref<128xi32, #tpu.memory_space<vmem>>) semaphore(%arg22 : memref<!tpu.dma_semaphore, #tpu.memory_space<semaphore_mem>>)
      %dma_start3A_48 = arith.constant 6 : i32
      %dma_start3A_49 = arith.constant 0 : i32
      %dma_start3A_50 = tpu.memref_slice %arg7[%dma_start3A_48, %dma_start3A_49] : memref<80x128xi32, #tpu.memory_space<vmem>> -> memref<1x128xi32, #tpu.memory_space<vmem>>
      %dma_start3A_51 = tpu.memref_squeeze %dma_start3A_50 : memref<1x128xi32, #tpu.memory_space<vmem>> -> memref<128xi32, #tpu.memory_space<vmem>>
      %dma_start3A_52 = arith.constant 0 : i32
      %dma_start3A_53 = arith.constant 0 : i32
      %dma_start3A_54 = tpu.memref_slice %arg3[%dma_start3A_52, %dma_start3A_53] : memref<10000x16xf32, #tpu.memory_space<hbm>> -> memref<10000x16xf32, #tpu.memory_space<hbm>>
      tpu.enqueue_indirect_dma source(%dma_start3A_54 : memref<10000x16xf32, #tpu.memory_space<hbm>>) target(%arg15 : memref<128x16xf32, #tpu.memory_space<vmem>>) offsets(%dma_start3A_51 : memref<128xi32, #tpu.memory_space<vmem>>) semaphore(%arg23 : memref<!tpu.dma_semaphore, #tpu.memory_space<semaphore_mem>>)
      %dma_start3A_55 = arith.constant 7 : i32
      %dma_start3A_56 = arith.constant 0 : i32
      %dma_start3A_57 = tpu.memref_slice %arg7[%dma_start3A_55, %dma_start3A_56] : memref<80x128xi32, #tpu.memory_space<vmem>> -> memref<1x128xi32, #tpu.memory_space<vmem>>
      %dma_start3A_58 = tpu.memref_squeeze %dma_start3A_57 : memref<1x128xi32, #tpu.memory_space<vmem>> -> memref<128xi32, #tpu.memory_space<vmem>>
      %dma_start3A_59 = arith.constant 0 : i32
      %dma_start3A_60 = arith.constant 0 : i32
      %dma_start3A_61 = tpu.memref_slice %arg3[%dma_start3A_59, %dma_start3A_60] : memref<10000x16xf32, #tpu.memory_space<hbm>> -> memref<10000x16xf32, #tpu.memory_space<hbm>>
      tpu.enqueue_indirect_dma source(%dma_start3A_61 : memref<10000x16xf32, #tpu.memory_space<hbm>>) target(%arg16 : memref<128x16xf32, #tpu.memory_space<vmem>>) offsets(%dma_start3A_58 : memref<128xi32, #tpu.memory_space<vmem>>) semaphore(%arg24 : memref<!tpu.dma_semaphore, #tpu.memory_space<semaphore_mem>>)
      %scan3A = arith.constant 0 : i32
      %scan3A_62 = arith.constant 10 : i32
      %scan3A_63 = arith.addi %scan3A, %scan3A_62 : i32
      %scan3A_64 = arith.constant 1 : i32
      scf.for %scan3A_71 = %scan3A to %scan3A_63 step %scan3A_64  : i32 {
        %mul3A_72 = arith.constant 8 : i32
        %mul3A_73 = arith.muli %scan3A_71, %mul3A_72 : i32
        %add3A = arith.constant 0 : i32
        %add3A_74 = arith.addi %add3A, %mul3A_73 : i32
        %add3A_75 = arith.constant 0 : i32
        %add3A_76 = arith.addi %add3A_74, %add3A_75 : i32
        %dma_wait3A = arith.constant 0 : i32
        %dma_wait3A_77 = tpu.memref_slice %arg7[%add3A_76, %dma_wait3A] : memref<80x128xi32, #tpu.memory_space<vmem>> -> memref<1x128xi32, #tpu.memory_space<vmem>>
        %dma_wait3A_78 = tpu.memref_squeeze %dma_wait3A_77 : memref<1x128xi32, #tpu.memory_space<vmem>> -> memref<128xi32, #tpu.memory_space<vmem>>
        %dma_wait3A_79 = arith.constant 0 : i32
        %dma_wait3A_80 = arith.constant 0 : i32
        %dma_wait3A_81 = tpu.memref_slice %arg3[%dma_wait3A_79, %dma_wait3A_80] : memref<10000x16xf32, #tpu.memory_space<hbm>> -> memref<10000x16xf32, #tpu.memory_space<hbm>>
        tpu.wait_indirect_dma semaphore(%arg17 : memref<!tpu.dma_semaphore, #tpu.memory_space<semaphore_mem>>) src(%dma_wait3A_81 : memref<10000x16xf32, #tpu.memory_space<hbm>>) dst(%arg9 : memref<128x16xf32, #tpu.memory_space<vmem>>)
        %add3A_82 = arith.constant 0 : i32
        %add3A_83 = arith.addi %add3A_74, %add3A_82 : i32
        "tpu.region"() ({
          %run_scoped3A = tpu.sem_alloc : memref<!tpu.dma_semaphore, #tpu.memory_space<semaphore_mem>>
          %dma_start3A_225 = arith.constant 0 : i32
          %dma_start3A_226 = tpu.memref_slice %arg8[%add3A_83, %dma_start3A_225] : memref<80x128xi32, #tpu.memory_space<vmem>> -> memref<1x128xi32, #tpu.memory_space<vmem>>
          %dma_start3A_227 = tpu.memref_squeeze %dma_start3A_226 : memref<1x128xi32, #tpu.memory_space<vmem>> -> memref<128xi32, #tpu.memory_space<vmem>>
          %dma_start3A_228 = arith.constant 0 : i32
          %dma_start3A_229 = arith.constant 0 : i32
          %dma_start3A_230 = tpu.memref_slice %arg25[%dma_start3A_228, %dma_start3A_229] : memref<10240x16xf32, #tpu.memory_space<vmem_shared>> -> memref<10240x16xf32, #tpu.memory_space<vmem_shared>>
          tpu.enqueue_indirect_dma source(%arg9 : memref<128x16xf32, #tpu.memory_space<vmem>>) target(%dma_start3A_230 : memref<10240x16xf32, #tpu.memory_space<vmem_shared>>) offsets(%dma_start3A_227 : memref<128xi32, #tpu.memory_space<vmem>>) semaphore(%run_scoped3A : memref<!tpu.dma_semaphore, #tpu.memory_space<semaphore_mem>>) {add = true}
          %dma_wait3A_231 = arith.constant 0 : i32
          %dma_wait3A_232 = tpu.memref_slice %arg8[%add3A_83, %dma_wait3A_231] : memref<80x128xi32, #tpu.memory_space<vmem>> -> memref<1x128xi32, #tpu.memory_space<vmem>>
          %dma_wait3A_233 = tpu.memref_squeeze %dma_wait3A_232 : memref<1x128xi32, #tpu.memory_space<vmem>> -> memref<128xi32, #tpu.memory_space<vmem>>
          %dma_wait3A_234 = arith.constant 0 : i32
          %dma_wait3A_235 = arith.constant 0 : i32
          %dma_wait3A_236 = tpu.memref_slice %arg25[%dma_wait3A_234, %dma_wait3A_235] : memref<10240x16xf32, #tpu.memory_space<vmem_shared>> -> memref<10240x16xf32, #tpu.memory_space<vmem_shared>>
          tpu.wait_indirect_dma semaphore(%run_scoped3A : memref<!tpu.dma_semaphore, #tpu.memory_space<semaphore_mem>>) src(%arg9 : memref<128x16xf32, #tpu.memory_space<vmem>>) dst(%dma_wait3A_236 : memref<10240x16xf32, #tpu.memory_space<vmem_shared>>)
          tpu.yield
        }) : () -> ()
        %add3A_84 = arith.constant 0 : i32
        %add3A_85 = arith.addi %add3A_74, %add3A_84 : i32
        %add3A_86 = arith.constant 8 : i32
        %add3A_87 = arith.addi %add3A_85, %add3A_86 : i32
        %lt3A = arith.constant 80 : i32
        %lt3A_88 = arith.cmpi slt, %add3A_87, %lt3A : i32
        %convert_element_type3A_89 = arith.extui %lt3A_88 : i1 to i32
        %cond3A_90 = arith.constant 0 : i32
        %cond3A_91 = arith.cmpi ne, %convert_element_type3A_89, %cond3A_90 : i32
        scf.if %cond3A_91 {
          %add3A_225 = arith.constant 0 : i32
          %add3A_226 = arith.addi %add3A_74, %add3A_225 : i32
          %add3A_227 = arith.constant 8 : i32
          %add3A_228 = arith.addi %add3A_226, %add3A_227 : i32
          %dma_start3A_229 = arith.constant 0 : i32
          %dma_start3A_230 = tpu.memref_slice %arg7[%add3A_228, %dma_start3A_229] : memref<80x128xi32, #tpu.memory_space<vmem>> -> memref<1x128xi32, #tpu.memory_space<vmem>>
          %dma_start3A_231 = tpu.memref_squeeze %dma_start3A_230 : memref<1x128xi32, #tpu.memory_space<vmem>> -> memref<128xi32, #tpu.memory_space<vmem>>
          %dma_start3A_232 = arith.constant 0 : i32
          %dma_start3A_233 = arith.constant 0 : i32
          %dma_start3A_234 = tpu.memref_slice %arg3[%dma_start3A_232, %dma_start3A_233] : memref<10000x16xf32, #tpu.memory_space<hbm>> -> memref<10000x16xf32, #tpu.memory_space<hbm>>
          tpu.enqueue_indirect_dma source(%dma_start3A_234 : memref<10000x16xf32, #tpu.memory_space<hbm>>) target(%arg9 : memref<128x16xf32, #tpu.memory_space<vmem>>) offsets(%dma_start3A_231 : memref<128xi32, #tpu.memory_space<vmem>>) semaphore(%arg17 : memref<!tpu.dma_semaphore, #tpu.memory_space<semaphore_mem>>)
        } else {
        }
        %add3A_92 = arith.constant 1 : i32
        %add3A_93 = arith.addi %add3A_74, %add3A_92 : i32
        %dma_wait3A_94 = arith.constant 0 : i32
        %dma_wait3A_95 = tpu.memref_slice %arg7[%add3A_93, %dma_wait3A_94] : memref<80x128xi32, #tpu.memory_space<vmem>> -> memref<1x128xi32, #tpu.memory_space<vmem>>
        %dma_wait3A_96 = tpu.memref_squeeze %dma_wait3A_95 : memref<1x128xi32, #tpu.memory_space<vmem>> -> memref<128xi32, #tpu.memory_space<vmem>>
        %dma_wait3A_97 = arith.constant 0 : i32
        %dma_wait3A_98 = arith.constant 0 : i32
        %dma_wait3A_99 = tpu.memref_slice %arg3[%dma_wait3A_97, %dma_wait3A_98] : memref<10000x16xf32, #tpu.memory_space<hbm>> -> memref<10000x16xf32, #tpu.memory_space<hbm>>
        tpu.wait_indirect_dma semaphore(%arg18 : memref<!tpu.dma_semaphore, #tpu.memory_space<semaphore_mem>>) src(%dma_wait3A_99 : memref<10000x16xf32, #tpu.memory_space<hbm>>) dst(%arg10 : memref<128x16xf32, #tpu.memory_space<vmem>>)
        %add3A_100 = arith.constant 1 : i32
        %add3A_101 = arith.addi %add3A_74, %add3A_100 : i32
        "tpu.region"() ({
          %run_scoped3A = tpu.sem_alloc : memref<!tpu.dma_semaphore, #tpu.memory_space<semaphore_mem>>
          %dma_start3A_225 = arith.constant 0 : i32
          %dma_start3A_226 = tpu.memref_slice %arg8[%add3A_101, %dma_start3A_225] : memref<80x128xi32, #tpu.memory_space<vmem>> -> memref<1x128xi32, #tpu.memory_space<vmem>>
          %dma_start3A_227 = tpu.memref_squeeze %dma_start3A_226 : memref<1x128xi32, #tpu.memory_space<vmem>> -> memref<128xi32, #tpu.memory_space<vmem>>
          %dma_start3A_228 = arith.constant 0 : i32
          %dma_start3A_229 = arith.constant 0 : i32
          %dma_start3A_230 = tpu.memref_slice %arg25[%dma_start3A_228, %dma_start3A_229] : memref<10240x16xf32, #tpu.memory_space<vmem_shared>> -> memref<10240x16xf32, #tpu.memory_space<vmem_shared>>
          tpu.enqueue_indirect_dma source(%arg10 : memref<128x16xf32, #tpu.memory_space<vmem>>) target(%dma_start3A_230 : memref<10240x16xf32, #tpu.memory_space<vmem_shared>>) offsets(%dma_start3A_227 : memref<128xi32, #tpu.memory_space<vmem>>) semaphore(%run_scoped3A : memref<!tpu.dma_semaphore, #tpu.memory_space<semaphore_mem>>) {add = true}
          %dma_wait3A_231 = arith.constant 0 : i32
          %dma_wait3A_232 = tpu.memref_slice %arg8[%add3A_101, %dma_wait3A_231] : memref<80x128xi32, #tpu.memory_space<vmem>> -> memref<1x128xi32, #tpu.memory_space<vmem>>
          %dma_wait3A_233 = tpu.memref_squeeze %dma_wait3A_232 : memref<1x128xi32, #tpu.memory_space<vmem>> -> memref<128xi32, #tpu.memory_space<vmem>>
          %dma_wait3A_234 = arith.constant 0 : i32
          %dma_wait3A_235 = arith.constant 0 : i32
          %dma_wait3A_236 = tpu.memref_slice %arg25[%dma_wait3A_234, %dma_wait3A_235] : memref<10240x16xf32, #tpu.memory_space<vmem_shared>> -> memref<10240x16xf32, #tpu.memory_space<vmem_shared>>
          tpu.wait_indirect_dma semaphore(%run_scoped3A : memref<!tpu.dma_semaphore, #tpu.memory_space<semaphore_mem>>) src(%arg10 : memref<128x16xf32, #tpu.memory_space<vmem>>) dst(%dma_wait3A_236 : memref<10240x16xf32, #tpu.memory_space<vmem_shared>>)
          tpu.yield
        }) : () -> ()
        %add3A_102 = arith.constant 1 : i32
        %add3A_103 = arith.addi %add3A_74, %add3A_102 : i32
        %add3A_104 = arith.constant 8 : i32
        %add3A_105 = arith.addi %add3A_103, %add3A_104 : i32
        %lt3A_106 = arith.constant 80 : i32
        %lt3A_107 = arith.cmpi slt, %add3A_105, %lt3A_106 : i32
        %convert_element_type3A_108 = arith.extui %lt3A_107 : i1 to i32
        %cond3A_109 = arith.constant 0 : i32
        %cond3A_110 = arith.cmpi ne, %convert_element_type3A_108, %cond3A_109 : i32
        scf.if %cond3A_110 {
          %add3A_225 = arith.constant 1 : i32
          %add3A_226 = arith.addi %add3A_74, %add3A_225 : i32
          %add3A_227 = arith.constant 8 : i32
          %add3A_228 = arith.addi %add3A_226, %add3A_227 : i32
          %dma_start3A_229 = arith.constant 0 : i32
          %dma_start3A_230 = tpu.memref_slice %arg7[%add3A_228, %dma_start3A_229] : memref<80x128xi32, #tpu.memory_space<vmem>> -> memref<1x128xi32, #tpu.memory_space<vmem>>
          %dma_start3A_231 = tpu.memref_squeeze %dma_start3A_230 : memref<1x128xi32, #tpu.memory_space<vmem>> -> memref<128xi32, #tpu.memory_space<vmem>>
          %dma_start3A_232 = arith.constant 0 : i32
          %dma_start3A_233 = arith.constant 0 : i32
          %dma_start3A_234 = tpu.memref_slice %arg3[%dma_start3A_232, %dma_start3A_233] : memref<10000x16xf32, #tpu.memory_space<hbm>> -> memref<10000x16xf32, #tpu.memory_space<hbm>>
          tpu.enqueue_indirect_dma source(%dma_start3A_234 : memref<10000x16xf32, #tpu.memory_space<hbm>>) target(%arg10 : memref<128x16xf32, #tpu.memory_space<vmem>>) offsets(%dma_start3A_231 : memref<128xi32, #tpu.memory_space<vmem>>) semaphore(%arg18 : memref<!tpu.dma_semaphore, #tpu.memory_space<semaphore_mem>>)
        } else {
        }
        %add3A_111 = arith.constant 2 : i32
        %add3A_112 = arith.addi %add3A_74, %add3A_111 : i32
        %dma_wait3A_113 = arith.constant 0 : i32
        %dma_wait3A_114 = tpu.memref_slice %arg7[%add3A_112, %dma_wait3A_113] : memref<80x128xi32, #tpu.memory_space<vmem>> -> memref<1x128xi32, #tpu.memory_space<vmem>>
        %dma_wait3A_115 = tpu.memref_squeeze %dma_wait3A_114 : memref<1x128xi32, #tpu.memory_space<vmem>> -> memref<128xi32, #tpu.memory_space<vmem>>
        %dma_wait3A_116 = arith.constant 0 : i32
        %dma_wait3A_117 = arith.constant 0 : i32
        %dma_wait3A_118 = tpu.memref_slice %arg3[%dma_wait3A_116, %dma_wait3A_117] : memref<10000x16xf32, #tpu.memory_space<hbm>> -> memref<10000x16xf32, #tpu.memory_space<hbm>>
        tpu.wait_indirect_dma semaphore(%arg19 : memref<!tpu.dma_semaphore, #tpu.memory_space<semaphore_mem>>) src(%dma_wait3A_118 : memref<10000x16xf32, #tpu.memory_space<hbm>>) dst(%arg11 : memref<128x16xf32, #tpu.memory_space<vmem>>)
        %add3A_119 = arith.constant 2 : i32
        %add3A_120 = arith.addi %add3A_74, %add3A_119 : i32
        "tpu.region"() ({
          %run_scoped3A = tpu.sem_alloc : memref<!tpu.dma_semaphore, #tpu.memory_space<semaphore_mem>>
          %dma_start3A_225 = arith.constant 0 : i32
          %dma_start3A_226 = tpu.memref_slice %arg8[%add3A_120, %dma_start3A_225] : memref<80x128xi32, #tpu.memory_space<vmem>> -> memref<1x128xi32, #tpu.memory_space<vmem>>
          %dma_start3A_227 = tpu.memref_squeeze %dma_start3A_226 : memref<1x128xi32, #tpu.memory_space<vmem>> -> memref<128xi32, #tpu.memory_space<vmem>>
          %dma_start3A_228 = arith.constant 0 : i32
          %dma_start3A_229 = arith.constant 0 : i32
          %dma_start3A_230 = tpu.memref_slice %arg25[%dma_start3A_228, %dma_start3A_229] : memref<10240x16xf32, #tpu.memory_space<vmem_shared>> -> memref<10240x16xf32, #tpu.memory_space<vmem_shared>>
          tpu.enqueue_indirect_dma source(%arg11 : memref<128x16xf32, #tpu.memory_space<vmem>>) target(%dma_start3A_230 : memref<10240x16xf32, #tpu.memory_space<vmem_shared>>) offsets(%dma_start3A_227 : memref<128xi32, #tpu.memory_space<vmem>>) semaphore(%run_scoped3A : memref<!tpu.dma_semaphore, #tpu.memory_space<semaphore_mem>>) {add = true}
          %dma_wait3A_231 = arith.constant 0 : i32
          %dma_wait3A_232 = tpu.memref_slice %arg8[%add3A_120, %dma_wait3A_231] : memref<80x128xi32, #tpu.memory_space<vmem>> -> memref<1x128xi32, #tpu.memory_space<vmem>>
          %dma_wait3A_233 = tpu.memref_squeeze %dma_wait3A_232 : memref<1x128xi32, #tpu.memory_space<vmem>> -> memref<128xi32, #tpu.memory_space<vmem>>
          %dma_wait3A_234 = arith.constant 0 : i32
          %dma_wait3A_235 = arith.constant 0 : i32
          %dma_wait3A_236 = tpu.memref_slice %arg25[%dma_wait3A_234, %dma_wait3A_235] : memref<10240x16xf32, #tpu.memory_space<vmem_shared>> -> memref<10240x16xf32, #tpu.memory_space<vmem_shared>>
          tpu.wait_indirect_dma semaphore(%run_scoped3A : memref<!tpu.dma_semaphore, #tpu.memory_space<semaphore_mem>>) src(%arg11 : memref<128x16xf32, #tpu.memory_space<vmem>>) dst(%dma_wait3A_236 : memref<10240x16xf32, #tpu.memory_space<vmem_shared>>)
          tpu.yield
        }) : () -> ()
        %add3A_121 = arith.constant 2 : i32
        %add3A_122 = arith.addi %add3A_74, %add3A_121 : i32
        %add3A_123 = arith.constant 8 : i32
        %add3A_124 = arith.addi %add3A_122, %add3A_123 : i32
        %lt3A_125 = arith.constant 80 : i32
        %lt3A_126 = arith.cmpi slt, %add3A_124, %lt3A_125 : i32
        %convert_element_type3A_127 = arith.extui %lt3A_126 : i1 to i32
        %cond3A_128 = arith.constant 0 : i32
        %cond3A_129 = arith.cmpi ne, %convert_element_type3A_127, %cond3A_128 : i32
        scf.if %cond3A_129 {
          %add3A_225 = arith.constant 2 : i32
          %add3A_226 = arith.addi %add3A_74, %add3A_225 : i32
          %add3A_227 = arith.constant 8 : i32
          %add3A_228 = arith.addi %add3A_226, %add3A_227 : i32
          %dma_start3A_229 = arith.constant 0 : i32
          %dma_start3A_230 = tpu.memref_slice %arg7[%add3A_228, %dma_start3A_229] : memref<80x128xi32, #tpu.memory_space<vmem>> -> memref<1x128xi32, #tpu.memory_space<vmem>>
          %dma_start3A_231 = tpu.memref_squeeze %dma_start3A_230 : memref<1x128xi32, #tpu.memory_space<vmem>> -> memref<128xi32, #tpu.memory_space<vmem>>
          %dma_start3A_232 = arith.constant 0 : i32
          %dma_start3A_233 = arith.constant 0 : i32
          %dma_start3A_234 = tpu.memref_slice %arg3[%dma_start3A_232, %dma_start3A_233] : memref<10000x16xf32, #tpu.memory_space<hbm>> -> memref<10000x16xf32, #tpu.memory_space<hbm>>
          tpu.enqueue_indirect_dma source(%dma_start3A_234 : memref<10000x16xf32, #tpu.memory_space<hbm>>) target(%arg11 : memref<128x16xf32, #tpu.memory_space<vmem>>) offsets(%dma_start3A_231 : memref<128xi32, #tpu.memory_space<vmem>>) semaphore(%arg19 : memref<!tpu.dma_semaphore, #tpu.memory_space<semaphore_mem>>)
        } else {
        }
        %add3A_130 = arith.constant 3 : i32
        %add3A_131 = arith.addi %add3A_74, %add3A_130 : i32
        %dma_wait3A_132 = arith.constant 0 : i32
        %dma_wait3A_133 = tpu.memref_slice %arg7[%add3A_131, %dma_wait3A_132] : memref<80x128xi32, #tpu.memory_space<vmem>> -> memref<1x128xi32, #tpu.memory_space<vmem>>
        %dma_wait3A_134 = tpu.memref_squeeze %dma_wait3A_133 : memref<1x128xi32, #tpu.memory_space<vmem>> -> memref<128xi32, #tpu.memory_space<vmem>>
        %dma_wait3A_135 = arith.constant 0 : i32
        %dma_wait3A_136 = arith.constant 0 : i32
        %dma_wait3A_137 = tpu.memref_slice %arg3[%dma_wait3A_135, %dma_wait3A_136] : memref<10000x16xf32, #tpu.memory_space<hbm>> -> memref<10000x16xf32, #tpu.memory_space<hbm>>
        tpu.wait_indirect_dma semaphore(%arg20 : memref<!tpu.dma_semaphore, #tpu.memory_space<semaphore_mem>>) src(%dma_wait3A_137 : memref<10000x16xf32, #tpu.memory_space<hbm>>) dst(%arg12 : memref<128x16xf32, #tpu.memory_space<vmem>>)
        %add3A_138 = arith.constant 3 : i32
        %add3A_139 = arith.addi %add3A_74, %add3A_138 : i32
        "tpu.region"() ({
          %run_scoped3A = tpu.sem_alloc : memref<!tpu.dma_semaphore, #tpu.memory_space<semaphore_mem>>
          %dma_start3A_225 = arith.constant 0 : i32
          %dma_start3A_226 = tpu.memref_slice %arg8[%add3A_139, %dma_start3A_225] : memref<80x128xi32, #tpu.memory_space<vmem>> -> memref<1x128xi32, #tpu.memory_space<vmem>>
          %dma_start3A_227 = tpu.memref_squeeze %dma_start3A_226 : memref<1x128xi32, #tpu.memory_space<vmem>> -> memref<128xi32, #tpu.memory_space<vmem>>
          %dma_start3A_228 = arith.constant 0 : i32
          %dma_start3A_229 = arith.constant 0 : i32
          %dma_start3A_230 = tpu.memref_slice %arg25[%dma_start3A_228, %dma_start3A_229] : memref<10240x16xf32, #tpu.memory_space<vmem_shared>> -> memref<10240x16xf32, #tpu.memory_space<vmem_shared>>
          tpu.enqueue_indirect_dma source(%arg12 : memref<128x16xf32, #tpu.memory_space<vmem>>) target(%dma_start3A_230 : memref<10240x16xf32, #tpu.memory_space<vmem_shared>>) offsets(%dma_start3A_227 : memref<128xi32, #tpu.memory_space<vmem>>) semaphore(%run_scoped3A : memref<!tpu.dma_semaphore, #tpu.memory_space<semaphore_mem>>) {add = true}
          %dma_wait3A_231 = arith.constant 0 : i32
          %dma_wait3A_232 = tpu.memref_slice %arg8[%add3A_139, %dma_wait3A_231] : memref<80x128xi32, #tpu.memory_space<vmem>> -> memref<1x128xi32, #tpu.memory_space<vmem>>
          %dma_wait3A_233 = tpu.memref_squeeze %dma_wait3A_232 : memref<1x128xi32, #tpu.memory_space<vmem>> -> memref<128xi32, #tpu.memory_space<vmem>>
          %dma_wait3A_234 = arith.constant 0 : i32
          %dma_wait3A_235 = arith.constant 0 : i32
          %dma_wait3A_236 = tpu.memref_slice %arg25[%dma_wait3A_234, %dma_wait3A_235] : memref<10240x16xf32, #tpu.memory_space<vmem_shared>> -> memref<10240x16xf32, #tpu.memory_space<vmem_shared>>
          tpu.wait_indirect_dma semaphore(%run_scoped3A : memref<!tpu.dma_semaphore, #tpu.memory_space<semaphore_mem>>) src(%arg12 : memref<128x16xf32, #tpu.memory_space<vmem>>) dst(%dma_wait3A_236 : memref<10240x16xf32, #tpu.memory_space<vmem_shared>>)
          tpu.yield
        }) : () -> ()
        %add3A_140 = arith.constant 3 : i32
        %add3A_141 = arith.addi %add3A_74, %add3A_140 : i32
        %add3A_142 = arith.constant 8 : i32
        %add3A_143 = arith.addi %add3A_141, %add3A_142 : i32
        %lt3A_144 = arith.constant 80 : i32
        %lt3A_145 = arith.cmpi slt, %add3A_143, %lt3A_144 : i32
        %convert_element_type3A_146 = arith.extui %lt3A_145 : i1 to i32
        %cond3A_147 = arith.constant 0 : i32
        %cond3A_148 = arith.cmpi ne, %convert_element_type3A_146, %cond3A_147 : i32
        scf.if %cond3A_148 {
          %add3A_225 = arith.constant 3 : i32
          %add3A_226 = arith.addi %add3A_74, %add3A_225 : i32
          %add3A_227 = arith.constant 8 : i32
          %add3A_228 = arith.addi %add3A_226, %add3A_227 : i32
          %dma_start3A_229 = arith.constant 0 : i32
          %dma_start3A_230 = tpu.memref_slice %arg7[%add3A_228, %dma_start3A_229] : memref<80x128xi32, #tpu.memory_space<vmem>> -> memref<1x128xi32, #tpu.memory_space<vmem>>
          %dma_start3A_231 = tpu.memref_squeeze %dma_start3A_230 : memref<1x128xi32, #tpu.memory_space<vmem>> -> memref<128xi32, #tpu.memory_space<vmem>>
          %dma_start3A_232 = arith.constant 0 : i32
          %dma_start3A_233 = arith.constant 0 : i32
          %dma_start3A_234 = tpu.memref_slice %arg3[%dma_start3A_232, %dma_start3A_233] : memref<10000x16xf32, #tpu.memory_space<hbm>> -> memref<10000x16xf32, #tpu.memory_space<hbm>>
          tpu.enqueue_indirect_dma source(%dma_start3A_234 : memref<10000x16xf32, #tpu.memory_space<hbm>>) target(%arg12 : memref<128x16xf32, #tpu.memory_space<vmem>>) offsets(%dma_start3A_231 : memref<128xi32, #tpu.memory_space<vmem>>) semaphore(%arg20 : memref<!tpu.dma_semaphore, #tpu.memory_space<semaphore_mem>>)
        } else {
        }
        %add3A_149 = arith.constant 4 : i32
        %add3A_150 = arith.addi %add3A_74, %add3A_149 : i32
        %dma_wait3A_151 = arith.constant 0 : i32
        %dma_wait3A_152 = tpu.memref_slice %arg7[%add3A_150, %dma_wait3A_151] : memref<80x128xi32, #tpu.memory_space<vmem>> -> memref<1x128xi32, #tpu.memory_space<vmem>>
        %dma_wait3A_153 = tpu.memref_squeeze %dma_wait3A_152 : memref<1x128xi32, #tpu.memory_space<vmem>> -> memref<128xi32, #tpu.memory_space<vmem>>
        %dma_wait3A_154 = arith.constant 0 : i32
        %dma_wait3A_155 = arith.constant 0 : i32
        %dma_wait3A_156 = tpu.memref_slice %arg3[%dma_wait3A_154, %dma_wait3A_155] : memref<10000x16xf32, #tpu.memory_space<hbm>> -> memref<10000x16xf32, #tpu.memory_space<hbm>>
        tpu.wait_indirect_dma semaphore(%arg21 : memref<!tpu.dma_semaphore, #tpu.memory_space<semaphore_mem>>) src(%dma_wait3A_156 : memref<10000x16xf32, #tpu.memory_space<hbm>>) dst(%arg13 : memref<128x16xf32, #tpu.memory_space<vmem>>)
        %add3A_157 = arith.constant 4 : i32
        %add3A_158 = arith.addi %add3A_74, %add3A_157 : i32
        "tpu.region"() ({
          %run_scoped3A = tpu.sem_alloc : memref<!tpu.dma_semaphore, #tpu.memory_space<semaphore_mem>>
          %dma_start3A_225 = arith.constant 0 : i32
          %dma_start3A_226 = tpu.memref_slice %arg8[%add3A_158, %dma_start3A_225] : memref<80x128xi32, #tpu.memory_space<vmem>> -> memref<1x128xi32, #tpu.memory_space<vmem>>
          %dma_start3A_227 = tpu.memref_squeeze %dma_start3A_226 : memref<1x128xi32, #tpu.memory_space<vmem>> -> memref<128xi32, #tpu.memory_space<vmem>>
          %dma_start3A_228 = arith.constant 0 : i32
          %dma_start3A_229 = arith.constant 0 : i32
          %dma_start3A_230 = tpu.memref_slice %arg25[%dma_start3A_228, %dma_start3A_229] : memref<10240x16xf32, #tpu.memory_space<vmem_shared>> -> memref<10240x16xf32, #tpu.memory_space<vmem_shared>>
          tpu.enqueue_indirect_dma source(%arg13 : memref<128x16xf32, #tpu.memory_space<vmem>>) target(%dma_start3A_230 : memref<10240x16xf32, #tpu.memory_space<vmem_shared>>) offsets(%dma_start3A_227 : memref<128xi32, #tpu.memory_space<vmem>>) semaphore(%run_scoped3A : memref<!tpu.dma_semaphore, #tpu.memory_space<semaphore_mem>>) {add = true}
          %dma_wait3A_231 = arith.constant 0 : i32
          %dma_wait3A_232 = tpu.memref_slice %arg8[%add3A_158, %dma_wait3A_231] : memref<80x128xi32, #tpu.memory_space<vmem>> -> memref<1x128xi32, #tpu.memory_space<vmem>>
          %dma_wait3A_233 = tpu.memref_squeeze %dma_wait3A_232 : memref<1x128xi32, #tpu.memory_space<vmem>> -> memref<128xi32, #tpu.memory_space<vmem>>
          %dma_wait3A_234 = arith.constant 0 : i32
          %dma_wait3A_235 = arith.constant 0 : i32
          %dma_wait3A_236 = tpu.memref_slice %arg25[%dma_wait3A_234, %dma_wait3A_235] : memref<10240x16xf32, #tpu.memory_space<vmem_shared>> -> memref<10240x16xf32, #tpu.memory_space<vmem_shared>>
          tpu.wait_indirect_dma semaphore(%run_scoped3A : memref<!tpu.dma_semaphore, #tpu.memory_space<semaphore_mem>>) src(%arg13 : memref<128x16xf32, #tpu.memory_space<vmem>>) dst(%dma_wait3A_236 : memref<10240x16xf32, #tpu.memory_space<vmem_shared>>)
          tpu.yield
        }) : () -> ()
        %add3A_159 = arith.constant 4 : i32
        %add3A_160 = arith.addi %add3A_74, %add3A_159 : i32
        %add3A_161 = arith.constant 8 : i32
        %add3A_162 = arith.addi %add3A_160, %add3A_161 : i32
        %lt3A_163 = arith.constant 80 : i32
        %lt3A_164 = arith.cmpi slt, %add3A_162, %lt3A_163 : i32
        %convert_element_type3A_165 = arith.extui %lt3A_164 : i1 to i32
        %cond3A_166 = arith.constant 0 : i32
        %cond3A_167 = arith.cmpi ne, %convert_element_type3A_165, %cond3A_166 : i32
        scf.if %cond3A_167 {
          %add3A_225 = arith.constant 4 : i32
          %add3A_226 = arith.addi %add3A_74, %add3A_225 : i32
          %add3A_227 = arith.constant 8 : i32
          %add3A_228 = arith.addi %add3A_226, %add3A_227 : i32
          %dma_start3A_229 = arith.constant 0 : i32
          %dma_start3A_230 = tpu.memref_slice %arg7[%add3A_228, %dma_start3A_229] : memref<80x128xi32, #tpu.memory_space<vmem>> -> memref<1x128xi32, #tpu.memory_space<vmem>>
          %dma_start3A_231 = tpu.memref_squeeze %dma_start3A_230 : memref<1x128xi32, #tpu.memory_space<vmem>> -> memref<128xi32, #tpu.memory_space<vmem>>
          %dma_start3A_232 = arith.constant 0 : i32
          %dma_start3A_233 = arith.constant 0 : i32
          %dma_start3A_234 = tpu.memref_slice %arg3[%dma_start3A_232, %dma_start3A_233] : memref<10000x16xf32, #tpu.memory_space<hbm>> -> memref<10000x16xf32, #tpu.memory_space<hbm>>
          tpu.enqueue_indirect_dma source(%dma_start3A_234 : memref<10000x16xf32, #tpu.memory_space<hbm>>) target(%arg13 : memref<128x16xf32, #tpu.memory_space<vmem>>) offsets(%dma_start3A_231 : memref<128xi32, #tpu.memory_space<vmem>>) semaphore(%arg21 : memref<!tpu.dma_semaphore, #tpu.memory_space<semaphore_mem>>)
        } else {
        }
        %add3A_168 = arith.constant 5 : i32
        %add3A_169 = arith.addi %add3A_74, %add3A_168 : i32
        %dma_wait3A_170 = arith.constant 0 : i32
        %dma_wait3A_171 = tpu.memref_slice %arg7[%add3A_169, %dma_wait3A_170] : memref<80x128xi32, #tpu.memory_space<vmem>> -> memref<1x128xi32, #tpu.memory_space<vmem>>
        %dma_wait3A_172 = tpu.memref_squeeze %dma_wait3A_171 : memref<1x128xi32, #tpu.memory_space<vmem>> -> memref<128xi32, #tpu.memory_space<vmem>>
        %dma_wait3A_173 = arith.constant 0 : i32
        %dma_wait3A_174 = arith.constant 0 : i32
        %dma_wait3A_175 = tpu.memref_slice %arg3[%dma_wait3A_173, %dma_wait3A_174] : memref<10000x16xf32, #tpu.memory_space<hbm>> -> memref<10000x16xf32, #tpu.memory_space<hbm>>
        tpu.wait_indirect_dma semaphore(%arg22 : memref<!tpu.dma_semaphore, #tpu.memory_space<semaphore_mem>>) src(%dma_wait3A_175 : memref<10000x16xf32, #tpu.memory_space<hbm>>) dst(%arg14 : memref<128x16xf32, #tpu.memory_space<vmem>>)
        %add3A_176 = arith.constant 5 : i32
        %add3A_177 = arith.addi %add3A_74, %add3A_176 : i32
        "tpu.region"() ({
          %run_scoped3A = tpu.sem_alloc : memref<!tpu.dma_semaphore, #tpu.memory_space<semaphore_mem>>
          %dma_start3A_225 = arith.constant 0 : i32
          %dma_start3A_226 = tpu.memref_slice %arg8[%add3A_177, %dma_start3A_225] : memref<80x128xi32, #tpu.memory_space<vmem>> -> memref<1x128xi32, #tpu.memory_space<vmem>>
          %dma_start3A_227 = tpu.memref_squeeze %dma_start3A_226 : memref<1x128xi32, #tpu.memory_space<vmem>> -> memref<128xi32, #tpu.memory_space<vmem>>
          %dma_start3A_228 = arith.constant 0 : i32
          %dma_start3A_229 = arith.constant 0 : i32
          %dma_start3A_230 = tpu.memref_slice %arg25[%dma_start3A_228, %dma_start3A_229] : memref<10240x16xf32, #tpu.memory_space<vmem_shared>> -> memref<10240x16xf32, #tpu.memory_space<vmem_shared>>
          tpu.enqueue_indirect_dma source(%arg14 : memref<128x16xf32, #tpu.memory_space<vmem>>) target(%dma_start3A_230 : memref<10240x16xf32, #tpu.memory_space<vmem_shared>>) offsets(%dma_start3A_227 : memref<128xi32, #tpu.memory_space<vmem>>) semaphore(%run_scoped3A : memref<!tpu.dma_semaphore, #tpu.memory_space<semaphore_mem>>) {add = true}
          %dma_wait3A_231 = arith.constant 0 : i32
          %dma_wait3A_232 = tpu.memref_slice %arg8[%add3A_177, %dma_wait3A_231] : memref<80x128xi32, #tpu.memory_space<vmem>> -> memref<1x128xi32, #tpu.memory_space<vmem>>
          %dma_wait3A_233 = tpu.memref_squeeze %dma_wait3A_232 : memref<1x128xi32, #tpu.memory_space<vmem>> -> memref<128xi32, #tpu.memory_space<vmem>>
          %dma_wait3A_234 = arith.constant 0 : i32
          %dma_wait3A_235 = arith.constant 0 : i32
          %dma_wait3A_236 = tpu.memref_slice %arg25[%dma_wait3A_234, %dma_wait3A_235] : memref<10240x16xf32, #tpu.memory_space<vmem_shared>> -> memref<10240x16xf32, #tpu.memory_space<vmem_shared>>
          tpu.wait_indirect_dma semaphore(%run_scoped3A : memref<!tpu.dma_semaphore, #tpu.memory_space<semaphore_mem>>) src(%arg14 : memref<128x16xf32, #tpu.memory_space<vmem>>) dst(%dma_wait3A_236 : memref<10240x16xf32, #tpu.memory_space<vmem_shared>>)
          tpu.yield
        }) : () -> ()
        %add3A_178 = arith.constant 5 : i32
        %add3A_179 = arith.addi %add3A_74, %add3A_178 : i32
        %add3A_180 = arith.constant 8 : i32
        %add3A_181 = arith.addi %add3A_179, %add3A_180 : i32
        %lt3A_182 = arith.constant 80 : i32
        %lt3A_183 = arith.cmpi slt, %add3A_181, %lt3A_182 : i32
        %convert_element_type3A_184 = arith.extui %lt3A_183 : i1 to i32
        %cond3A_185 = arith.constant 0 : i32
        %cond3A_186 = arith.cmpi ne, %convert_element_type3A_184, %cond3A_185 : i32
        scf.if %cond3A_186 {
          %add3A_225 = arith.constant 5 : i32
          %add3A_226 = arith.addi %add3A_74, %add3A_225 : i32
          %add3A_227 = arith.constant 8 : i32
          %add3A_228 = arith.addi %add3A_226, %add3A_227 : i32
          %dma_start3A_229 = arith.constant 0 : i32
          %dma_start3A_230 = tpu.memref_slice %arg7[%add3A_228, %dma_start3A_229] : memref<80x128xi32, #tpu.memory_space<vmem>> -> memref<1x128xi32, #tpu.memory_space<vmem>>
          %dma_start3A_231 = tpu.memref_squeeze %dma_start3A_230 : memref<1x128xi32, #tpu.memory_space<vmem>> -> memref<128xi32, #tpu.memory_space<vmem>>
          %dma_start3A_232 = arith.constant 0 : i32
          %dma_start3A_233 = arith.constant 0 : i32
          %dma_start3A_234 = tpu.memref_slice %arg3[%dma_start3A_232, %dma_start3A_233] : memref<10000x16xf32, #tpu.memory_space<hbm>> -> memref<10000x16xf32, #tpu.memory_space<hbm>>
          tpu.enqueue_indirect_dma source(%dma_start3A_234 : memref<10000x16xf32, #tpu.memory_space<hbm>>) target(%arg14 : memref<128x16xf32, #tpu.memory_space<vmem>>) offsets(%dma_start3A_231 : memref<128xi32, #tpu.memory_space<vmem>>) semaphore(%arg22 : memref<!tpu.dma_semaphore, #tpu.memory_space<semaphore_mem>>)
        } else {
        }
        %add3A_187 = arith.constant 6 : i32
        %add3A_188 = arith.addi %add3A_74, %add3A_187 : i32
        %dma_wait3A_189 = arith.constant 0 : i32
        %dma_wait3A_190 = tpu.memref_slice %arg7[%add3A_188, %dma_wait3A_189] : memref<80x128xi32, #tpu.memory_space<vmem>> -> memref<1x128xi32, #tpu.memory_space<vmem>>
        %dma_wait3A_191 = tpu.memref_squeeze %dma_wait3A_190 : memref<1x128xi32, #tpu.memory_space<vmem>> -> memref<128xi32, #tpu.memory_space<vmem>>
        %dma_wait3A_192 = arith.constant 0 : i32
        %dma_wait3A_193 = arith.constant 0 : i32
        %dma_wait3A_194 = tpu.memref_slice %arg3[%dma_wait3A_192, %dma_wait3A_193] : memref<10000x16xf32, #tpu.memory_space<hbm>> -> memref<10000x16xf32, #tpu.memory_space<hbm>>
        tpu.wait_indirect_dma semaphore(%arg23 : memref<!tpu.dma_semaphore, #tpu.memory_space<semaphore_mem>>) src(%dma_wait3A_194 : memref<10000x16xf32, #tpu.memory_space<hbm>>) dst(%arg15 : memref<128x16xf32, #tpu.memory_space<vmem>>)
        %add3A_195 = arith.constant 6 : i32
        %add3A_196 = arith.addi %add3A_74, %add3A_195 : i32
        "tpu.region"() ({
          %run_scoped3A = tpu.sem_alloc : memref<!tpu.dma_semaphore, #tpu.memory_space<semaphore_mem>>
          %dma_start3A_225 = arith.constant 0 : i32
          %dma_start3A_226 = tpu.memref_slice %arg8[%add3A_196, %dma_start3A_225] : memref<80x128xi32, #tpu.memory_space<vmem>> -> memref<1x128xi32, #tpu.memory_space<vmem>>
          %dma_start3A_227 = tpu.memref_squeeze %dma_start3A_226 : memref<1x128xi32, #tpu.memory_space<vmem>> -> memref<128xi32, #tpu.memory_space<vmem>>
          %dma_start3A_228 = arith.constant 0 : i32
          %dma_start3A_229 = arith.constant 0 : i32
          %dma_start3A_230 = tpu.memref_slice %arg25[%dma_start3A_228, %dma_start3A_229] : memref<10240x16xf32, #tpu.memory_space<vmem_shared>> -> memref<10240x16xf32, #tpu.memory_space<vmem_shared>>
          tpu.enqueue_indirect_dma source(%arg15 : memref<128x16xf32, #tpu.memory_space<vmem>>) target(%dma_start3A_230 : memref<10240x16xf32, #tpu.memory_space<vmem_shared>>) offsets(%dma_start3A_227 : memref<128xi32, #tpu.memory_space<vmem>>) semaphore(%run_scoped3A : memref<!tpu.dma_semaphore, #tpu.memory_space<semaphore_mem>>) {add = true}
          %dma_wait3A_231 = arith.constant 0 : i32
          %dma_wait3A_232 = tpu.memref_slice %arg8[%add3A_196, %dma_wait3A_231] : memref<80x128xi32, #tpu.memory_space<vmem>> -> memref<1x128xi32, #tpu.memory_space<vmem>>
          %dma_wait3A_233 = tpu.memref_squeeze %dma_wait3A_232 : memref<1x128xi32, #tpu.memory_space<vmem>> -> memref<128xi32, #tpu.memory_space<vmem>>
          %dma_wait3A_234 = arith.constant 0 : i32
          %dma_wait3A_235 = arith.constant 0 : i32
          %dma_wait3A_236 = tpu.memref_slice %arg25[%dma_wait3A_234, %dma_wait3A_235] : memref<10240x16xf32, #tpu.memory_space<vmem_shared>> -> memref<10240x16xf32, #tpu.memory_space<vmem_shared>>
          tpu.wait_indirect_dma semaphore(%run_scoped3A : memref<!tpu.dma_semaphore, #tpu.memory_space<semaphore_mem>>) src(%arg15 : memref<128x16xf32, #tpu.memory_space<vmem>>) dst(%dma_wait3A_236 : memref<10240x16xf32, #tpu.memory_space<vmem_shared>>)
          tpu.yield
        }) : () -> ()
        %add3A_197 = arith.constant 6 : i32
        %add3A_198 = arith.addi %add3A_74, %add3A_197 : i32
        %add3A_199 = arith.constant 8 : i32
        %add3A_200 = arith.addi %add3A_198, %add3A_199 : i32
        %lt3A_201 = arith.constant 80 : i32
        %lt3A_202 = arith.cmpi slt, %add3A_200, %lt3A_201 : i32
        %convert_element_type3A_203 = arith.extui %lt3A_202 : i1 to i32
        %cond3A_204 = arith.constant 0 : i32
        %cond3A_205 = arith.cmpi ne, %convert_element_type3A_203, %cond3A_204 : i32
        scf.if %cond3A_205 {
          %add3A_225 = arith.constant 6 : i32
          %add3A_226 = arith.addi %add3A_74, %add3A_225 : i32
          %add3A_227 = arith.constant 8 : i32
          %add3A_228 = arith.addi %add3A_226, %add3A_227 : i32
          %dma_start3A_229 = arith.constant 0 : i32
          %dma_start3A_230 = tpu.memref_slice %arg7[%add3A_228, %dma_start3A_229] : memref<80x128xi32, #tpu.memory_space<vmem>> -> memref<1x128xi32, #tpu.memory_space<vmem>>
          %dma_start3A_231 = tpu.memref_squeeze %dma_start3A_230 : memref<1x128xi32, #tpu.memory_space<vmem>> -> memref<128xi32, #tpu.memory_space<vmem>>
          %dma_start3A_232 = arith.constant 0 : i32
          %dma_start3A_233 = arith.constant 0 : i32
          %dma_start3A_234 = tpu.memref_slice %arg3[%dma_start3A_232, %dma_start3A_233] : memref<10000x16xf32, #tpu.memory_space<hbm>> -> memref<10000x16xf32, #tpu.memory_space<hbm>>
          tpu.enqueue_indirect_dma source(%dma_start3A_234 : memref<10000x16xf32, #tpu.memory_space<hbm>>) target(%arg15 : memref<128x16xf32, #tpu.memory_space<vmem>>) offsets(%dma_start3A_231 : memref<128xi32, #tpu.memory_space<vmem>>) semaphore(%arg23 : memref<!tpu.dma_semaphore, #tpu.memory_space<semaphore_mem>>)
        } else {
        }
        %add3A_206 = arith.constant 7 : i32
        %add3A_207 = arith.addi %add3A_74, %add3A_206 : i32
        %dma_wait3A_208 = arith.constant 0 : i32
        %dma_wait3A_209 = tpu.memref_slice %arg7[%add3A_207, %dma_wait3A_208] : memref<80x128xi32, #tpu.memory_space<vmem>> -> memref<1x128xi32, #tpu.memory_space<vmem>>
        %dma_wait3A_210 = tpu.memref_squeeze %dma_wait3A_209 : memref<1x128xi32, #tpu.memory_space<vmem>> -> memref<128xi32, #tpu.memory_space<vmem>>
        %dma_wait3A_211 = arith.constant 0 : i32
        %dma_wait3A_212 = arith.constant 0 : i32
        %dma_wait3A_213 = tpu.memref_slice %arg3[%dma_wait3A_211, %dma_wait3A_212] : memref<10000x16xf32, #tpu.memory_space<hbm>> -> memref<10000x16xf32, #tpu.memory_space<hbm>>
        tpu.wait_indirect_dma semaphore(%arg24 : memref<!tpu.dma_semaphore, #tpu.memory_space<semaphore_mem>>) src(%dma_wait3A_213 : memref<10000x16xf32, #tpu.memory_space<hbm>>) dst(%arg16 : memref<128x16xf32, #tpu.memory_space<vmem>>)
        %add3A_214 = arith.constant 7 : i32
        %add3A_215 = arith.addi %add3A_74, %add3A_214 : i32
        "tpu.region"() ({
          %run_scoped3A = tpu.sem_alloc : memref<!tpu.dma_semaphore, #tpu.memory_space<semaphore_mem>>
          %dma_start3A_225 = arith.constant 0 : i32
          %dma_start3A_226 = tpu.memref_slice %arg8[%add3A_215, %dma_start3A_225] : memref<80x128xi32, #tpu.memory_space<vmem>> -> memref<1x128xi32, #tpu.memory_space<vmem>>
          %dma_start3A_227 = tpu.memref_squeeze %dma_start3A_226 : memref<1x128xi32, #tpu.memory_space<vmem>> -> memref<128xi32, #tpu.memory_space<vmem>>
          %dma_start3A_228 = arith.constant 0 : i32
          %dma_start3A_229 = arith.constant 0 : i32
          %dma_start3A_230 = tpu.memref_slice %arg25[%dma_start3A_228, %dma_start3A_229] : memref<10240x16xf32, #tpu.memory_space<vmem_shared>> -> memref<10240x16xf32, #tpu.memory_space<vmem_shared>>
          tpu.enqueue_indirect_dma source(%arg16 : memref<128x16xf32, #tpu.memory_space<vmem>>) target(%dma_start3A_230 : memref<10240x16xf32, #tpu.memory_space<vmem_shared>>) offsets(%dma_start3A_227 : memref<128xi32, #tpu.memory_space<vmem>>) semaphore(%run_scoped3A : memref<!tpu.dma_semaphore, #tpu.memory_space<semaphore_mem>>) {add = true}
          %dma_wait3A_231 = arith.constant 0 : i32
          %dma_wait3A_232 = tpu.memref_slice %arg8[%add3A_215, %dma_wait3A_231] : memref<80x128xi32, #tpu.memory_space<vmem>> -> memref<1x128xi32, #tpu.memory_space<vmem>>
          %dma_wait3A_233 = tpu.memref_squeeze %dma_wait3A_232 : memref<1x128xi32, #tpu.memory_space<vmem>> -> memref<128xi32, #tpu.memory_space<vmem>>
          %dma_wait3A_234 = arith.constant 0 : i32
          %dma_wait3A_235 = arith.constant 0 : i32
          %dma_wait3A_236 = tpu.memref_slice %arg25[%dma_wait3A_234, %dma_wait3A_235] : memref<10240x16xf32, #tpu.memory_space<vmem_shared>> -> memref<10240x16xf32, #tpu.memory_space<vmem_shared>>
          tpu.wait_indirect_dma semaphore(%run_scoped3A : memref<!tpu.dma_semaphore, #tpu.memory_space<semaphore_mem>>) src(%arg16 : memref<128x16xf32, #tpu.memory_space<vmem>>) dst(%dma_wait3A_236 : memref<10240x16xf32, #tpu.memory_space<vmem_shared>>)
          tpu.yield
        }) : () -> ()
        %add3A_216 = arith.constant 7 : i32
        %add3A_217 = arith.addi %add3A_74, %add3A_216 : i32
        %add3A_218 = arith.constant 8 : i32
        %add3A_219 = arith.addi %add3A_217, %add3A_218 : i32
        %lt3A_220 = arith.constant 80 : i32
        %lt3A_221 = arith.cmpi slt, %add3A_219, %lt3A_220 : i32
        %convert_element_type3A_222 = arith.extui %lt3A_221 : i1 to i32
        %cond3A_223 = arith.constant 0 : i32
        %cond3A_224 = arith.cmpi ne, %convert_element_type3A_222, %cond3A_223 : i32
        scf.if %cond3A_224 {
          %add3A_225 = arith.constant 7 : i32
          %add3A_226 = arith.addi %add3A_74, %add3A_225 : i32
          %add3A_227 = arith.constant 8 : i32
          %add3A_228 = arith.addi %add3A_226, %add3A_227 : i32
          %dma_start3A_229 = arith.constant 0 : i32
          %dma_start3A_230 = tpu.memref_slice %arg7[%add3A_228, %dma_start3A_229] : memref<80x128xi32, #tpu.memory_space<vmem>> -> memref<1x128xi32, #tpu.memory_space<vmem>>
          %dma_start3A_231 = tpu.memref_squeeze %dma_start3A_230 : memref<1x128xi32, #tpu.memory_space<vmem>> -> memref<128xi32, #tpu.memory_space<vmem>>
          %dma_start3A_232 = arith.constant 0 : i32
          %dma_start3A_233 = arith.constant 0 : i32
          %dma_start3A_234 = tpu.memref_slice %arg3[%dma_start3A_232, %dma_start3A_233] : memref<10000x16xf32, #tpu.memory_space<hbm>> -> memref<10000x16xf32, #tpu.memory_space<hbm>>
          tpu.enqueue_indirect_dma source(%dma_start3A_234 : memref<10000x16xf32, #tpu.memory_space<hbm>>) target(%arg16 : memref<128x16xf32, #tpu.memory_space<vmem>>) offsets(%dma_start3A_231 : memref<128xi32, #tpu.memory_space<vmem>>) semaphore(%arg24 : memref<!tpu.dma_semaphore, #tpu.memory_space<semaphore_mem>>)
        } else {
        }
      }
      %scan3A_65 = arith.constant 10 : i32
      %barrier3A_66 = arith.constant 0 : index
      tpu.barrier barrier_id(%barrier3A_66)
      %mul3A_67 = arith.constant 640 : i32
      %mul3A_68 = arith.muli %arg1, %mul3A_67 : i32
      %mul3A_69 = arith.constant 640 : i32
      %mul3A_70 = arith.muli %arg1, %mul3A_69 : i32
      "tpu.region"() ({
        %run_scoped3A = tpu.sem_alloc : memref<!tpu.dma_semaphore, #tpu.memory_space<semaphore_mem>>
        %dma_start3A_71 = arith.constant 0 : i32
        %dma_start3A_72 = tpu.memref_slice %arg6[%mul3A_70, %dma_start3A_71] : memref<10240x16xf32, #tpu.memory_space<hbm>> -> memref<640x16xf32, #tpu.memory_space<hbm>>
        %dma_start3A_73 = arith.constant 0 : i32
        %dma_start3A_74 = tpu.memref_slice %arg25[%mul3A_68, %dma_start3A_73] : memref<10240x16xf32, #tpu.memory_space<vmem_shared>> -> memref<640x16xf32, #tpu.memory_space<vmem_shared>>
        tpu.enqueue_dma source(%dma_start3A_74 : memref<640x16xf32, #tpu.memory_space<vmem_shared>>) target(%dma_start3A_72 : memref<640x16xf32, #tpu.memory_space<hbm>>) target_semaphore(%run_scoped3A : memref<!tpu.dma_semaphore, #tpu.memory_space<semaphore_mem>>)
        %dma_wait3A = arith.constant 0 : i32
        %dma_wait3A_75 = tpu.memref_slice %arg6[%mul3A_70, %dma_wait3A] : memref<10240x16xf32, #tpu.memory_space<hbm>> -> memref<640x16xf32, #tpu.memory_space<hbm>>
        %dma_wait3A_76 = arith.constant 0 : i32
        %dma_wait3A_77 = tpu.memref_slice %arg25[%mul3A_68, %dma_wait3A_76] : memref<10240x16xf32, #tpu.memory_space<vmem_shared>> -> memref<640x16xf32, #tpu.memory_space<vmem_shared>>
        tpu.wait_dma2 semaphore(%run_scoped3A : memref<!tpu.dma_semaphore, #tpu.memory_space<semaphore_mem>>) src(%dma_wait3A_77 : memref<640x16xf32, #tpu.memory_space<vmem_shared>>) dst(%dma_wait3A_75 : memref<640x16xf32, #tpu.memory_space<hbm>>)
        tpu.yield
      }) : () -> ()
    } else {
    }
    return
  }
}

#map = affine_map<(d0, d1) -> (0, 0)>
module attributes {stable_mosaic.version = 14 : i64} {
  func.func @_segsum(%arg0: i32, %arg1: i32, %arg2: memref<640x128xbf16, #tpu.memory_space<hbm>>, %arg3: memref<10000x128xbf16, #tpu.memory_space<hbm>>, %arg4: memref<1280x128xi32, #tpu.memory_space<hbm>>, %arg5: memref<1280x128xi32, #tpu.memory_space<hbm>>, %arg6: memref<10240x128xbf16, #tpu.memory_space<hbm>>, %arg7: memref<80x128xi32, #tpu.memory_space<vmem>>, %arg8: memref<80x128xi32, #tpu.memory_space<vmem>>, %arg9: memref<128x128xbf16, #tpu.memory_space<vmem>>, %arg10: memref<128x128xbf16, #tpu.memory_space<vmem>>, %arg11: memref<128x128xbf16, #tpu.memory_space<vmem>>, %arg12: memref<128x128xbf16, #tpu.memory_space<vmem>>, %arg13: memref<128x128xbf16, #tpu.memory_space<vmem>>, %arg14: memref<128x128xbf16, #tpu.memory_space<vmem>>, %arg15: memref<128x128xbf16, #tpu.memory_space<vmem>>, %arg16: memref<128x128xbf16, #tpu.memory_space<vmem>>, %arg17: memref<!tpu.dma_semaphore, #tpu.memory_space<semaphore_mem>>, %arg18: memref<!tpu.dma_semaphore, #tpu.memory_space<semaphore_mem>>, %arg19: memref<!tpu.dma_semaphore, #tpu.memory_space<semaphore_mem>>, %arg20: memref<!tpu.dma_semaphore, #tpu.memory_space<semaphore_mem>>, %arg21: memref<!tpu.dma_semaphore, #tpu.memory_space<semaphore_mem>>, %arg22: memref<!tpu.dma_semaphore, #tpu.memory_space<semaphore_mem>>, %arg23: memref<!tpu.dma_semaphore, #tpu.memory_space<semaphore_mem>>, %arg24: memref<!tpu.dma_semaphore, #tpu.memory_space<semaphore_mem>>, %arg25: memref<10240x128xbf16, #tpu.memory_space<vmem_shared>>) attributes {dimension_semantics = [#tpu.dimension_semantics<core_parallel>, #tpu.dimension_semantics<subcore_parallel>], iteration_bounds = array<i64: 2, 16>, scalar_prefetch = 0 : i64, scratch_operands = 19 : i64, tpu.core_type = #tpu.core_type<sc_vector_subcore>, window_params = [{transform_indices = #map}, {transform_indices = #map}, {transform_indices = #map}, {transform_indices = #map}, {transform_indices = #map}]} {
    %eq3A = arith.constant 0 : i32
    %eq3A_0 = arith.cmpi eq, %arg0, %eq3A : i32
    %convert_element_type3A = arith.extui %eq3A_0 : i1 to i32
    %cond3A = arith.constant 0 : i32
    %cond3A_1 = arith.cmpi ne, %convert_element_type3A, %cond3A : i32
    scf.if %cond3A_1 {
      %mul3A = arith.constant 640 : i32
      %mul3A_2 = arith.muli %arg1, %mul3A : i32
      "tpu.region"() ({
        %run_scoped3A = tpu.sem_alloc : memref<!tpu.dma_semaphore, #tpu.memory_space<semaphore_mem>>
        %dma_start3A_71 = arith.constant 0 : i32
        %dma_start3A_72 = tpu.memref_slice %arg25[%mul3A_2, %dma_start3A_71] : memref<10240x128xbf16, #tpu.memory_space<vmem_shared>> -> memref<640x128xbf16, #tpu.memory_space<vmem_shared>>
        tpu.enqueue_dma source(%arg2 : memref<640x128xbf16, #tpu.memory_space<hbm>>) target(%dma_start3A_72 : memref<640x128xbf16, #tpu.memory_space<vmem_shared>>) target_semaphore(%run_scoped3A : memref<!tpu.dma_semaphore, #tpu.memory_space<semaphore_mem>>)
        %dma_wait3A = arith.constant 0 : i32
        %dma_wait3A_73 = tpu.memref_slice %arg25[%mul3A_2, %dma_wait3A] : memref<10240x128xbf16, #tpu.memory_space<vmem_shared>> -> memref<640x128xbf16, #tpu.memory_space<vmem_shared>>
        tpu.wait_dma2 semaphore(%run_scoped3A : memref<!tpu.dma_semaphore, #tpu.memory_space<semaphore_mem>>) src(%arg2 : memref<640x128xbf16, #tpu.memory_space<hbm>>) dst(%dma_wait3A_73 : memref<640x128xbf16, #tpu.memory_space<vmem_shared>>)
        tpu.yield
      }) : () -> ()
      %mul3A_3 = arith.constant 80 : i32
      %mul3A_4 = arith.muli %arg1, %mul3A_3 : i32
      "tpu.region"() ({
        %run_scoped3A = tpu.sem_alloc : memref<!tpu.dma_semaphore, #tpu.memory_space<semaphore_mem>>
        %dma_start3A_71 = arith.constant 0 : i32
        %dma_start3A_72 = tpu.memref_slice %arg4[%mul3A_4, %dma_start3A_71] : memref<1280x128xi32, #tpu.memory_space<hbm>> -> memref<80x128xi32, #tpu.memory_space<hbm>>
        %dma_start3A_73 = arith.constant 0 : i32
        %dma_start3A_74 = tpu.memref_slice %arg4[%mul3A_4, %dma_start3A_73] : memref<1280x128xi32, #tpu.memory_space<hbm>> -> memref<80x128xi32, #tpu.memory_space<hbm>>
        tpu.enqueue_dma source(%dma_start3A_74 : memref<80x128xi32, #tpu.memory_space<hbm>>) target(%arg7 : memref<80x128xi32, #tpu.memory_space<vmem>>) target_semaphore(%run_scoped3A : memref<!tpu.dma_semaphore, #tpu.memory_space<semaphore_mem>>)
        %dma_wait3A = arith.constant 0 : i32
        %dma_wait3A_75 = tpu.memref_slice %arg4[%mul3A_4, %dma_wait3A] : memref<1280x128xi32, #tpu.memory_space<hbm>> -> memref<80x128xi32, #tpu.memory_space<hbm>>
        %dma_wait3A_76 = arith.constant 0 : i32
        %dma_wait3A_77 = tpu.memref_slice %arg4[%mul3A_4, %dma_wait3A_76] : memref<1280x128xi32, #tpu.memory_space<hbm>> -> memref<80x128xi32, #tpu.memory_space<hbm>>
        tpu.wait_dma2 semaphore(%run_scoped3A : memref<!tpu.dma_semaphore, #tpu.memory_space<semaphore_mem>>) src(%dma_wait3A_77 : memref<80x128xi32, #tpu.memory_space<hbm>>) dst(%arg7 : memref<80x128xi32, #tpu.memory_space<vmem>>)
        tpu.yield
      }) : () -> ()
      %mul3A_5 = arith.constant 80 : i32
      %mul3A_6 = arith.muli %arg1, %mul3A_5 : i32
      "tpu.region"() ({
        %run_scoped3A = tpu.sem_alloc : memref<!tpu.dma_semaphore, #tpu.memory_space<semaphore_mem>>
        %dma_start3A_71 = arith.constant 0 : i32
        %dma_start3A_72 = tpu.memref_slice %arg5[%mul3A_6, %dma_start3A_71] : memref<1280x128xi32, #tpu.memory_space<hbm>> -> memref<80x128xi32, #tpu.memory_space<hbm>>
        %dma_start3A_73 = arith.constant 0 : i32
        %dma_start3A_74 = tpu.memref_slice %arg5[%mul3A_6, %dma_start3A_73] : memref<1280x128xi32, #tpu.memory_space<hbm>> -> memref<80x128xi32, #tpu.memory_space<hbm>>
        tpu.enqueue_dma source(%dma_start3A_74 : memref<80x128xi32, #tpu.memory_space<hbm>>) target(%arg8 : memref<80x128xi32, #tpu.memory_space<vmem>>) target_semaphore(%run_scoped3A : memref<!tpu.dma_semaphore, #tpu.memory_space<semaphore_mem>>)
        %dma_wait3A = arith.constant 0 : i32
        %dma_wait3A_75 = tpu.memref_slice %arg5[%mul3A_6, %dma_wait3A] : memref<1280x128xi32, #tpu.memory_space<hbm>> -> memref<80x128xi32, #tpu.memory_space<hbm>>
        %dma_wait3A_76 = arith.constant 0 : i32
        %dma_wait3A_77 = tpu.memref_slice %arg5[%mul3A_6, %dma_wait3A_76] : memref<1280x128xi32, #tpu.memory_space<hbm>> -> memref<80x128xi32, #tpu.memory_space<hbm>>
        tpu.wait_dma2 semaphore(%run_scoped3A : memref<!tpu.dma_semaphore, #tpu.memory_space<semaphore_mem>>) src(%dma_wait3A_77 : memref<80x128xi32, #tpu.memory_space<hbm>>) dst(%arg8 : memref<80x128xi32, #tpu.memory_space<vmem>>)
        tpu.yield
      }) : () -> ()
      %barrier3A = arith.constant 0 : index
      tpu.barrier barrier_id(%barrier3A)
      %dma_start3A = arith.constant 0 : i32
      %dma_start3A_7 = arith.constant 0 : i32
      %dma_start3A_8 = tpu.memref_slice %arg7[%dma_start3A, %dma_start3A_7] : memref<80x128xi32, #tpu.memory_space<vmem>> -> memref<1x128xi32, #tpu.memory_space<vmem>>
      %dma_start3A_9 = tpu.memref_squeeze %dma_start3A_8 : memref<1x128xi32, #tpu.memory_space<vmem>> -> memref<128xi32, #tpu.memory_space<vmem>>
      %dma_start3A_10 = arith.constant 0 : i32
      %dma_start3A_11 = arith.constant 0 : i32
      %dma_start3A_12 = tpu.memref_slice %arg3[%dma_start3A_10, %dma_start3A_11] : memref<10000x128xbf16, #tpu.memory_space<hbm>> -> memref<10000x128xbf16, #tpu.memory_space<hbm>>
      tpu.enqueue_indirect_dma source(%dma_start3A_12 : memref<10000x128xbf16, #tpu.memory_space<hbm>>) target(%arg9 : memref<128x128xbf16, #tpu.memory_space<vmem>>) offsets(%dma_start3A_9 : memref<128xi32, #tpu.memory_space<vmem>>) semaphore(%arg17 : memref<!tpu.dma_semaphore, #tpu.memory_space<semaphore_mem>>)
      %dma_start3A_13 = arith.constant 1 : i32
      %dma_start3A_14 = arith.constant 0 : i32
      %dma_start3A_15 = tpu.memref_slice %arg7[%dma_start3A_13, %dma_start3A_14] : memref<80x128xi32, #tpu.memory_space<vmem>> -> memref<1x128xi32, #tpu.memory_space<vmem>>
      %dma_start3A_16 = tpu.memref_squeeze %dma_start3A_15 : memref<1x128xi32, #tpu.memory_space<vmem>> -> memref<128xi32, #tpu.memory_space<vmem>>
      %dma_start3A_17 = arith.constant 0 : i32
      %dma_start3A_18 = arith.constant 0 : i32
      %dma_start3A_19 = tpu.memref_slice %arg3[%dma_start3A_17, %dma_start3A_18] : memref<10000x128xbf16, #tpu.memory_space<hbm>> -> memref<10000x128xbf16, #tpu.memory_space<hbm>>
      tpu.enqueue_indirect_dma source(%dma_start3A_19 : memref<10000x128xbf16, #tpu.memory_space<hbm>>) target(%arg10 : memref<128x128xbf16, #tpu.memory_space<vmem>>) offsets(%dma_start3A_16 : memref<128xi32, #tpu.memory_space<vmem>>) semaphore(%arg18 : memref<!tpu.dma_semaphore, #tpu.memory_space<semaphore_mem>>)
      %dma_start3A_20 = arith.constant 2 : i32
      %dma_start3A_21 = arith.constant 0 : i32
      %dma_start3A_22 = tpu.memref_slice %arg7[%dma_start3A_20, %dma_start3A_21] : memref<80x128xi32, #tpu.memory_space<vmem>> -> memref<1x128xi32, #tpu.memory_space<vmem>>
      %dma_start3A_23 = tpu.memref_squeeze %dma_start3A_22 : memref<1x128xi32, #tpu.memory_space<vmem>> -> memref<128xi32, #tpu.memory_space<vmem>>
      %dma_start3A_24 = arith.constant 0 : i32
      %dma_start3A_25 = arith.constant 0 : i32
      %dma_start3A_26 = tpu.memref_slice %arg3[%dma_start3A_24, %dma_start3A_25] : memref<10000x128xbf16, #tpu.memory_space<hbm>> -> memref<10000x128xbf16, #tpu.memory_space<hbm>>
      tpu.enqueue_indirect_dma source(%dma_start3A_26 : memref<10000x128xbf16, #tpu.memory_space<hbm>>) target(%arg11 : memref<128x128xbf16, #tpu.memory_space<vmem>>) offsets(%dma_start3A_23 : memref<128xi32, #tpu.memory_space<vmem>>) semaphore(%arg19 : memref<!tpu.dma_semaphore, #tpu.memory_space<semaphore_mem>>)
      %dma_start3A_27 = arith.constant 3 : i32
      %dma_start3A_28 = arith.constant 0 : i32
      %dma_start3A_29 = tpu.memref_slice %arg7[%dma_start3A_27, %dma_start3A_28] : memref<80x128xi32, #tpu.memory_space<vmem>> -> memref<1x128xi32, #tpu.memory_space<vmem>>
      %dma_start3A_30 = tpu.memref_squeeze %dma_start3A_29 : memref<1x128xi32, #tpu.memory_space<vmem>> -> memref<128xi32, #tpu.memory_space<vmem>>
      %dma_start3A_31 = arith.constant 0 : i32
      %dma_start3A_32 = arith.constant 0 : i32
      %dma_start3A_33 = tpu.memref_slice %arg3[%dma_start3A_31, %dma_start3A_32] : memref<10000x128xbf16, #tpu.memory_space<hbm>> -> memref<10000x128xbf16, #tpu.memory_space<hbm>>
      tpu.enqueue_indirect_dma source(%dma_start3A_33 : memref<10000x128xbf16, #tpu.memory_space<hbm>>) target(%arg12 : memref<128x128xbf16, #tpu.memory_space<vmem>>) offsets(%dma_start3A_30 : memref<128xi32, #tpu.memory_space<vmem>>) semaphore(%arg20 : memref<!tpu.dma_semaphore, #tpu.memory_space<semaphore_mem>>)
      %dma_start3A_34 = arith.constant 4 : i32
      %dma_start3A_35 = arith.constant 0 : i32
      %dma_start3A_36 = tpu.memref_slice %arg7[%dma_start3A_34, %dma_start3A_35] : memref<80x128xi32, #tpu.memory_space<vmem>> -> memref<1x128xi32, #tpu.memory_space<vmem>>
      %dma_start3A_37 = tpu.memref_squeeze %dma_start3A_36 : memref<1x128xi32, #tpu.memory_space<vmem>> -> memref<128xi32, #tpu.memory_space<vmem>>
      %dma_start3A_38 = arith.constant 0 : i32
      %dma_start3A_39 = arith.constant 0 : i32
      %dma_start3A_40 = tpu.memref_slice %arg3[%dma_start3A_38, %dma_start3A_39] : memref<10000x128xbf16, #tpu.memory_space<hbm>> -> memref<10000x128xbf16, #tpu.memory_space<hbm>>
      tpu.enqueue_indirect_dma source(%dma_start3A_40 : memref<10000x128xbf16, #tpu.memory_space<hbm>>) target(%arg13 : memref<128x128xbf16, #tpu.memory_space<vmem>>) offsets(%dma_start3A_37 : memref<128xi32, #tpu.memory_space<vmem>>) semaphore(%arg21 : memref<!tpu.dma_semaphore, #tpu.memory_space<semaphore_mem>>)
      %dma_start3A_41 = arith.constant 5 : i32
      %dma_start3A_42 = arith.constant 0 : i32
      %dma_start3A_43 = tpu.memref_slice %arg7[%dma_start3A_41, %dma_start3A_42] : memref<80x128xi32, #tpu.memory_space<vmem>> -> memref<1x128xi32, #tpu.memory_space<vmem>>
      %dma_start3A_44 = tpu.memref_squeeze %dma_start3A_43 : memref<1x128xi32, #tpu.memory_space<vmem>> -> memref<128xi32, #tpu.memory_space<vmem>>
      %dma_start3A_45 = arith.constant 0 : i32
      %dma_start3A_46 = arith.constant 0 : i32
      %dma_start3A_47 = tpu.memref_slice %arg3[%dma_start3A_45, %dma_start3A_46] : memref<10000x128xbf16, #tpu.memory_space<hbm>> -> memref<10000x128xbf16, #tpu.memory_space<hbm>>
      tpu.enqueue_indirect_dma source(%dma_start3A_47 : memref<10000x128xbf16, #tpu.memory_space<hbm>>) target(%arg14 : memref<128x128xbf16, #tpu.memory_space<vmem>>) offsets(%dma_start3A_44 : memref<128xi32, #tpu.memory_space<vmem>>) semaphore(%arg22 : memref<!tpu.dma_semaphore, #tpu.memory_space<semaphore_mem>>)
      %dma_start3A_48 = arith.constant 6 : i32
      %dma_start3A_49 = arith.constant 0 : i32
      %dma_start3A_50 = tpu.memref_slice %arg7[%dma_start3A_48, %dma_start3A_49] : memref<80x128xi32, #tpu.memory_space<vmem>> -> memref<1x128xi32, #tpu.memory_space<vmem>>
      %dma_start3A_51 = tpu.memref_squeeze %dma_start3A_50 : memref<1x128xi32, #tpu.memory_space<vmem>> -> memref<128xi32, #tpu.memory_space<vmem>>
      %dma_start3A_52 = arith.constant 0 : i32
      %dma_start3A_53 = arith.constant 0 : i32
      %dma_start3A_54 = tpu.memref_slice %arg3[%dma_start3A_52, %dma_start3A_53] : memref<10000x128xbf16, #tpu.memory_space<hbm>> -> memref<10000x128xbf16, #tpu.memory_space<hbm>>
      tpu.enqueue_indirect_dma source(%dma_start3A_54 : memref<10000x128xbf16, #tpu.memory_space<hbm>>) target(%arg15 : memref<128x128xbf16, #tpu.memory_space<vmem>>) offsets(%dma_start3A_51 : memref<128xi32, #tpu.memory_space<vmem>>) semaphore(%arg23 : memref<!tpu.dma_semaphore, #tpu.memory_space<semaphore_mem>>)
      %dma_start3A_55 = arith.constant 7 : i32
      %dma_start3A_56 = arith.constant 0 : i32
      %dma_start3A_57 = tpu.memref_slice %arg7[%dma_start3A_55, %dma_start3A_56] : memref<80x128xi32, #tpu.memory_space<vmem>> -> memref<1x128xi32, #tpu.memory_space<vmem>>
      %dma_start3A_58 = tpu.memref_squeeze %dma_start3A_57 : memref<1x128xi32, #tpu.memory_space<vmem>> -> memref<128xi32, #tpu.memory_space<vmem>>
      %dma_start3A_59 = arith.constant 0 : i32
      %dma_start3A_60 = arith.constant 0 : i32
      %dma_start3A_61 = tpu.memref_slice %arg3[%dma_start3A_59, %dma_start3A_60] : memref<10000x128xbf16, #tpu.memory_space<hbm>> -> memref<10000x128xbf16, #tpu.memory_space<hbm>>
      tpu.enqueue_indirect_dma source(%dma_start3A_61 : memref<10000x128xbf16, #tpu.memory_space<hbm>>) target(%arg16 : memref<128x128xbf16, #tpu.memory_space<vmem>>) offsets(%dma_start3A_58 : memref<128xi32, #tpu.memory_space<vmem>>) semaphore(%arg24 : memref<!tpu.dma_semaphore, #tpu.memory_space<semaphore_mem>>)
      %scan3A = arith.constant 0 : i32
      %scan3A_62 = arith.constant 10 : i32
      %scan3A_63 = arith.addi %scan3A, %scan3A_62 : i32
      %scan3A_64 = arith.constant 1 : i32
      scf.for %scan3A_71 = %scan3A to %scan3A_63 step %scan3A_64  : i32 {
        %mul3A_72 = arith.constant 8 : i32
        %mul3A_73 = arith.muli %scan3A_71, %mul3A_72 : i32
        %add3A = arith.constant 0 : i32
        %add3A_74 = arith.addi %add3A, %mul3A_73 : i32
        %add3A_75 = arith.constant 0 : i32
        %add3A_76 = arith.addi %add3A_74, %add3A_75 : i32
        %dma_wait3A = arith.constant 0 : i32
        %dma_wait3A_77 = tpu.memref_slice %arg7[%add3A_76, %dma_wait3A] : memref<80x128xi32, #tpu.memory_space<vmem>> -> memref<1x128xi32, #tpu.memory_space<vmem>>
        %dma_wait3A_78 = tpu.memref_squeeze %dma_wait3A_77 : memref<1x128xi32, #tpu.memory_space<vmem>> -> memref<128xi32, #tpu.memory_space<vmem>>
        %dma_wait3A_79 = arith.constant 0 : i32
        %dma_wait3A_80 = arith.constant 0 : i32
        %dma_wait3A_81 = tpu.memref_slice %arg3[%dma_wait3A_79, %dma_wait3A_80] : memref<10000x128xbf16, #tpu.memory_space<hbm>> -> memref<10000x128xbf16, #tpu.memory_space<hbm>>
        tpu.wait_indirect_dma semaphore(%arg17 : memref<!tpu.dma_semaphore, #tpu.memory_space<semaphore_mem>>) src(%dma_wait3A_81 : memref<10000x128xbf16, #tpu.memory_space<hbm>>) dst(%arg9 : memref<128x128xbf16, #tpu.memory_space<vmem>>)
        %add3A_82 = arith.constant 0 : i32
        %add3A_83 = arith.addi %add3A_74, %add3A_82 : i32
        "tpu.region"() ({
          %run_scoped3A = tpu.sem_alloc : memref<!tpu.dma_semaphore, #tpu.memory_space<semaphore_mem>>
          %dma_start3A_225 = arith.constant 0 : i32
          %dma_start3A_226 = tpu.memref_slice %arg8[%add3A_83, %dma_start3A_225] : memref<80x128xi32, #tpu.memory_space<vmem>> -> memref<1x128xi32, #tpu.memory_space<vmem>>
          %dma_start3A_227 = tpu.memref_squeeze %dma_start3A_226 : memref<1x128xi32, #tpu.memory_space<vmem>> -> memref<128xi32, #tpu.memory_space<vmem>>
          %dma_start3A_228 = arith.constant 0 : i32
          %dma_start3A_229 = arith.constant 0 : i32
          %dma_start3A_230 = tpu.memref_slice %arg25[%dma_start3A_228, %dma_start3A_229] : memref<10240x128xbf16, #tpu.memory_space<vmem_shared>> -> memref<10240x128xbf16, #tpu.memory_space<vmem_shared>>
          tpu.enqueue_indirect_dma source(%arg9 : memref<128x128xbf16, #tpu.memory_space<vmem>>) target(%dma_start3A_230 : memref<10240x128xbf16, #tpu.memory_space<vmem_shared>>) offsets(%dma_start3A_227 : memref<128xi32, #tpu.memory_space<vmem>>) semaphore(%run_scoped3A : memref<!tpu.dma_semaphore, #tpu.memory_space<semaphore_mem>>) {add = true}
          %dma_wait3A_231 = arith.constant 0 : i32
          %dma_wait3A_232 = tpu.memref_slice %arg8[%add3A_83, %dma_wait3A_231] : memref<80x128xi32, #tpu.memory_space<vmem>> -> memref<1x128xi32, #tpu.memory_space<vmem>>
          %dma_wait3A_233 = tpu.memref_squeeze %dma_wait3A_232 : memref<1x128xi32, #tpu.memory_space<vmem>> -> memref<128xi32, #tpu.memory_space<vmem>>
          %dma_wait3A_234 = arith.constant 0 : i32
          %dma_wait3A_235 = arith.constant 0 : i32
          %dma_wait3A_236 = tpu.memref_slice %arg25[%dma_wait3A_234, %dma_wait3A_235] : memref<10240x128xbf16, #tpu.memory_space<vmem_shared>> -> memref<10240x128xbf16, #tpu.memory_space<vmem_shared>>
          tpu.wait_indirect_dma semaphore(%run_scoped3A : memref<!tpu.dma_semaphore, #tpu.memory_space<semaphore_mem>>) src(%arg9 : memref<128x128xbf16, #tpu.memory_space<vmem>>) dst(%dma_wait3A_236 : memref<10240x128xbf16, #tpu.memory_space<vmem_shared>>)
          tpu.yield
        }) : () -> ()
        %add3A_84 = arith.constant 0 : i32
        %add3A_85 = arith.addi %add3A_74, %add3A_84 : i32
        %add3A_86 = arith.constant 8 : i32
        %add3A_87 = arith.addi %add3A_85, %add3A_86 : i32
        %lt3A = arith.constant 80 : i32
        %lt3A_88 = arith.cmpi slt, %add3A_87, %lt3A : i32
        %convert_element_type3A_89 = arith.extui %lt3A_88 : i1 to i32
        %cond3A_90 = arith.constant 0 : i32
        %cond3A_91 = arith.cmpi ne, %convert_element_type3A_89, %cond3A_90 : i32
        scf.if %cond3A_91 {
          %add3A_225 = arith.constant 0 : i32
          %add3A_226 = arith.addi %add3A_74, %add3A_225 : i32
          %add3A_227 = arith.constant 8 : i32
          %add3A_228 = arith.addi %add3A_226, %add3A_227 : i32
          %dma_start3A_229 = arith.constant 0 : i32
          %dma_start3A_230 = tpu.memref_slice %arg7[%add3A_228, %dma_start3A_229] : memref<80x128xi32, #tpu.memory_space<vmem>> -> memref<1x128xi32, #tpu.memory_space<vmem>>
          %dma_start3A_231 = tpu.memref_squeeze %dma_start3A_230 : memref<1x128xi32, #tpu.memory_space<vmem>> -> memref<128xi32, #tpu.memory_space<vmem>>
          %dma_start3A_232 = arith.constant 0 : i32
          %dma_start3A_233 = arith.constant 0 : i32
          %dma_start3A_234 = tpu.memref_slice %arg3[%dma_start3A_232, %dma_start3A_233] : memref<10000x128xbf16, #tpu.memory_space<hbm>> -> memref<10000x128xbf16, #tpu.memory_space<hbm>>
          tpu.enqueue_indirect_dma source(%dma_start3A_234 : memref<10000x128xbf16, #tpu.memory_space<hbm>>) target(%arg9 : memref<128x128xbf16, #tpu.memory_space<vmem>>) offsets(%dma_start3A_231 : memref<128xi32, #tpu.memory_space<vmem>>) semaphore(%arg17 : memref<!tpu.dma_semaphore, #tpu.memory_space<semaphore_mem>>)
        } else {
        }
        %add3A_92 = arith.constant 1 : i32
        %add3A_93 = arith.addi %add3A_74, %add3A_92 : i32
        %dma_wait3A_94 = arith.constant 0 : i32
        %dma_wait3A_95 = tpu.memref_slice %arg7[%add3A_93, %dma_wait3A_94] : memref<80x128xi32, #tpu.memory_space<vmem>> -> memref<1x128xi32, #tpu.memory_space<vmem>>
        %dma_wait3A_96 = tpu.memref_squeeze %dma_wait3A_95 : memref<1x128xi32, #tpu.memory_space<vmem>> -> memref<128xi32, #tpu.memory_space<vmem>>
        %dma_wait3A_97 = arith.constant 0 : i32
        %dma_wait3A_98 = arith.constant 0 : i32
        %dma_wait3A_99 = tpu.memref_slice %arg3[%dma_wait3A_97, %dma_wait3A_98] : memref<10000x128xbf16, #tpu.memory_space<hbm>> -> memref<10000x128xbf16, #tpu.memory_space<hbm>>
        tpu.wait_indirect_dma semaphore(%arg18 : memref<!tpu.dma_semaphore, #tpu.memory_space<semaphore_mem>>) src(%dma_wait3A_99 : memref<10000x128xbf16, #tpu.memory_space<hbm>>) dst(%arg10 : memref<128x128xbf16, #tpu.memory_space<vmem>>)
        %add3A_100 = arith.constant 1 : i32
        %add3A_101 = arith.addi %add3A_74, %add3A_100 : i32
        "tpu.region"() ({
          %run_scoped3A = tpu.sem_alloc : memref<!tpu.dma_semaphore, #tpu.memory_space<semaphore_mem>>
          %dma_start3A_225 = arith.constant 0 : i32
          %dma_start3A_226 = tpu.memref_slice %arg8[%add3A_101, %dma_start3A_225] : memref<80x128xi32, #tpu.memory_space<vmem>> -> memref<1x128xi32, #tpu.memory_space<vmem>>
          %dma_start3A_227 = tpu.memref_squeeze %dma_start3A_226 : memref<1x128xi32, #tpu.memory_space<vmem>> -> memref<128xi32, #tpu.memory_space<vmem>>
          %dma_start3A_228 = arith.constant 0 : i32
          %dma_start3A_229 = arith.constant 0 : i32
          %dma_start3A_230 = tpu.memref_slice %arg25[%dma_start3A_228, %dma_start3A_229] : memref<10240x128xbf16, #tpu.memory_space<vmem_shared>> -> memref<10240x128xbf16, #tpu.memory_space<vmem_shared>>
          tpu.enqueue_indirect_dma source(%arg10 : memref<128x128xbf16, #tpu.memory_space<vmem>>) target(%dma_start3A_230 : memref<10240x128xbf16, #tpu.memory_space<vmem_shared>>) offsets(%dma_start3A_227 : memref<128xi32, #tpu.memory_space<vmem>>) semaphore(%run_scoped3A : memref<!tpu.dma_semaphore, #tpu.memory_space<semaphore_mem>>) {add = true}
          %dma_wait3A_231 = arith.constant 0 : i32
          %dma_wait3A_232 = tpu.memref_slice %arg8[%add3A_101, %dma_wait3A_231] : memref<80x128xi32, #tpu.memory_space<vmem>> -> memref<1x128xi32, #tpu.memory_space<vmem>>
          %dma_wait3A_233 = tpu.memref_squeeze %dma_wait3A_232 : memref<1x128xi32, #tpu.memory_space<vmem>> -> memref<128xi32, #tpu.memory_space<vmem>>
          %dma_wait3A_234 = arith.constant 0 : i32
          %dma_wait3A_235 = arith.constant 0 : i32
          %dma_wait3A_236 = tpu.memref_slice %arg25[%dma_wait3A_234, %dma_wait3A_235] : memref<10240x128xbf16, #tpu.memory_space<vmem_shared>> -> memref<10240x128xbf16, #tpu.memory_space<vmem_shared>>
          tpu.wait_indirect_dma semaphore(%run_scoped3A : memref<!tpu.dma_semaphore, #tpu.memory_space<semaphore_mem>>) src(%arg10 : memref<128x128xbf16, #tpu.memory_space<vmem>>) dst(%dma_wait3A_236 : memref<10240x128xbf16, #tpu.memory_space<vmem_shared>>)
          tpu.yield
        }) : () -> ()
        %add3A_102 = arith.constant 1 : i32
        %add3A_103 = arith.addi %add3A_74, %add3A_102 : i32
        %add3A_104 = arith.constant 8 : i32
        %add3A_105 = arith.addi %add3A_103, %add3A_104 : i32
        %lt3A_106 = arith.constant 80 : i32
        %lt3A_107 = arith.cmpi slt, %add3A_105, %lt3A_106 : i32
        %convert_element_type3A_108 = arith.extui %lt3A_107 : i1 to i32
        %cond3A_109 = arith.constant 0 : i32
        %cond3A_110 = arith.cmpi ne, %convert_element_type3A_108, %cond3A_109 : i32
        scf.if %cond3A_110 {
          %add3A_225 = arith.constant 1 : i32
          %add3A_226 = arith.addi %add3A_74, %add3A_225 : i32
          %add3A_227 = arith.constant 8 : i32
          %add3A_228 = arith.addi %add3A_226, %add3A_227 : i32
          %dma_start3A_229 = arith.constant 0 : i32
          %dma_start3A_230 = tpu.memref_slice %arg7[%add3A_228, %dma_start3A_229] : memref<80x128xi32, #tpu.memory_space<vmem>> -> memref<1x128xi32, #tpu.memory_space<vmem>>
          %dma_start3A_231 = tpu.memref_squeeze %dma_start3A_230 : memref<1x128xi32, #tpu.memory_space<vmem>> -> memref<128xi32, #tpu.memory_space<vmem>>
          %dma_start3A_232 = arith.constant 0 : i32
          %dma_start3A_233 = arith.constant 0 : i32
          %dma_start3A_234 = tpu.memref_slice %arg3[%dma_start3A_232, %dma_start3A_233] : memref<10000x128xbf16, #tpu.memory_space<hbm>> -> memref<10000x128xbf16, #tpu.memory_space<hbm>>
          tpu.enqueue_indirect_dma source(%dma_start3A_234 : memref<10000x128xbf16, #tpu.memory_space<hbm>>) target(%arg10 : memref<128x128xbf16, #tpu.memory_space<vmem>>) offsets(%dma_start3A_231 : memref<128xi32, #tpu.memory_space<vmem>>) semaphore(%arg18 : memref<!tpu.dma_semaphore, #tpu.memory_space<semaphore_mem>>)
        } else {
        }
        %add3A_111 = arith.constant 2 : i32
        %add3A_112 = arith.addi %add3A_74, %add3A_111 : i32
        %dma_wait3A_113 = arith.constant 0 : i32
        %dma_wait3A_114 = tpu.memref_slice %arg7[%add3A_112, %dma_wait3A_113] : memref<80x128xi32, #tpu.memory_space<vmem>> -> memref<1x128xi32, #tpu.memory_space<vmem>>
        %dma_wait3A_115 = tpu.memref_squeeze %dma_wait3A_114 : memref<1x128xi32, #tpu.memory_space<vmem>> -> memref<128xi32, #tpu.memory_space<vmem>>
        %dma_wait3A_116 = arith.constant 0 : i32
        %dma_wait3A_117 = arith.constant 0 : i32
        %dma_wait3A_118 = tpu.memref_slice %arg3[%dma_wait3A_116, %dma_wait3A_117] : memref<10000x128xbf16, #tpu.memory_space<hbm>> -> memref<10000x128xbf16, #tpu.memory_space<hbm>>
        tpu.wait_indirect_dma semaphore(%arg19 : memref<!tpu.dma_semaphore, #tpu.memory_space<semaphore_mem>>) src(%dma_wait3A_118 : memref<10000x128xbf16, #tpu.memory_space<hbm>>) dst(%arg11 : memref<128x128xbf16, #tpu.memory_space<vmem>>)
        %add3A_119 = arith.constant 2 : i32
        %add3A_120 = arith.addi %add3A_74, %add3A_119 : i32
        "tpu.region"() ({
          %run_scoped3A = tpu.sem_alloc : memref<!tpu.dma_semaphore, #tpu.memory_space<semaphore_mem>>
          %dma_start3A_225 = arith.constant 0 : i32
          %dma_start3A_226 = tpu.memref_slice %arg8[%add3A_120, %dma_start3A_225] : memref<80x128xi32, #tpu.memory_space<vmem>> -> memref<1x128xi32, #tpu.memory_space<vmem>>
          %dma_start3A_227 = tpu.memref_squeeze %dma_start3A_226 : memref<1x128xi32, #tpu.memory_space<vmem>> -> memref<128xi32, #tpu.memory_space<vmem>>
          %dma_start3A_228 = arith.constant 0 : i32
          %dma_start3A_229 = arith.constant 0 : i32
          %dma_start3A_230 = tpu.memref_slice %arg25[%dma_start3A_228, %dma_start3A_229] : memref<10240x128xbf16, #tpu.memory_space<vmem_shared>> -> memref<10240x128xbf16, #tpu.memory_space<vmem_shared>>
          tpu.enqueue_indirect_dma source(%arg11 : memref<128x128xbf16, #tpu.memory_space<vmem>>) target(%dma_start3A_230 : memref<10240x128xbf16, #tpu.memory_space<vmem_shared>>) offsets(%dma_start3A_227 : memref<128xi32, #tpu.memory_space<vmem>>) semaphore(%run_scoped3A : memref<!tpu.dma_semaphore, #tpu.memory_space<semaphore_mem>>) {add = true}
          %dma_wait3A_231 = arith.constant 0 : i32
          %dma_wait3A_232 = tpu.memref_slice %arg8[%add3A_120, %dma_wait3A_231] : memref<80x128xi32, #tpu.memory_space<vmem>> -> memref<1x128xi32, #tpu.memory_space<vmem>>
          %dma_wait3A_233 = tpu.memref_squeeze %dma_wait3A_232 : memref<1x128xi32, #tpu.memory_space<vmem>> -> memref<128xi32, #tpu.memory_space<vmem>>
          %dma_wait3A_234 = arith.constant 0 : i32
          %dma_wait3A_235 = arith.constant 0 : i32
          %dma_wait3A_236 = tpu.memref_slice %arg25[%dma_wait3A_234, %dma_wait3A_235] : memref<10240x128xbf16, #tpu.memory_space<vmem_shared>> -> memref<10240x128xbf16, #tpu.memory_space<vmem_shared>>
          tpu.wait_indirect_dma semaphore(%run_scoped3A : memref<!tpu.dma_semaphore, #tpu.memory_space<semaphore_mem>>) src(%arg11 : memref<128x128xbf16, #tpu.memory_space<vmem>>) dst(%dma_wait3A_236 : memref<10240x128xbf16, #tpu.memory_space<vmem_shared>>)
          tpu.yield
        }) : () -> ()
        %add3A_121 = arith.constant 2 : i32
        %add3A_122 = arith.addi %add3A_74, %add3A_121 : i32
        %add3A_123 = arith.constant 8 : i32
        %add3A_124 = arith.addi %add3A_122, %add3A_123 : i32
        %lt3A_125 = arith.constant 80 : i32
        %lt3A_126 = arith.cmpi slt, %add3A_124, %lt3A_125 : i32
        %convert_element_type3A_127 = arith.extui %lt3A_126 : i1 to i32
        %cond3A_128 = arith.constant 0 : i32
        %cond3A_129 = arith.cmpi ne, %convert_element_type3A_127, %cond3A_128 : i32
        scf.if %cond3A_129 {
          %add3A_225 = arith.constant 2 : i32
          %add3A_226 = arith.addi %add3A_74, %add3A_225 : i32
          %add3A_227 = arith.constant 8 : i32
          %add3A_228 = arith.addi %add3A_226, %add3A_227 : i32
          %dma_start3A_229 = arith.constant 0 : i32
          %dma_start3A_230 = tpu.memref_slice %arg7[%add3A_228, %dma_start3A_229] : memref<80x128xi32, #tpu.memory_space<vmem>> -> memref<1x128xi32, #tpu.memory_space<vmem>>
          %dma_start3A_231 = tpu.memref_squeeze %dma_start3A_230 : memref<1x128xi32, #tpu.memory_space<vmem>> -> memref<128xi32, #tpu.memory_space<vmem>>
          %dma_start3A_232 = arith.constant 0 : i32
          %dma_start3A_233 = arith.constant 0 : i32
          %dma_start3A_234 = tpu.memref_slice %arg3[%dma_start3A_232, %dma_start3A_233] : memref<10000x128xbf16, #tpu.memory_space<hbm>> -> memref<10000x128xbf16, #tpu.memory_space<hbm>>
          tpu.enqueue_indirect_dma source(%dma_start3A_234 : memref<10000x128xbf16, #tpu.memory_space<hbm>>) target(%arg11 : memref<128x128xbf16, #tpu.memory_space<vmem>>) offsets(%dma_start3A_231 : memref<128xi32, #tpu.memory_space<vmem>>) semaphore(%arg19 : memref<!tpu.dma_semaphore, #tpu.memory_space<semaphore_mem>>)
        } else {
        }
        %add3A_130 = arith.constant 3 : i32
        %add3A_131 = arith.addi %add3A_74, %add3A_130 : i32
        %dma_wait3A_132 = arith.constant 0 : i32
        %dma_wait3A_133 = tpu.memref_slice %arg7[%add3A_131, %dma_wait3A_132] : memref<80x128xi32, #tpu.memory_space<vmem>> -> memref<1x128xi32, #tpu.memory_space<vmem>>
        %dma_wait3A_134 = tpu.memref_squeeze %dma_wait3A_133 : memref<1x128xi32, #tpu.memory_space<vmem>> -> memref<128xi32, #tpu.memory_space<vmem>>
        %dma_wait3A_135 = arith.constant 0 : i32
        %dma_wait3A_136 = arith.constant 0 : i32
        %dma_wait3A_137 = tpu.memref_slice %arg3[%dma_wait3A_135, %dma_wait3A_136] : memref<10000x128xbf16, #tpu.memory_space<hbm>> -> memref<10000x128xbf16, #tpu.memory_space<hbm>>
        tpu.wait_indirect_dma semaphore(%arg20 : memref<!tpu.dma_semaphore, #tpu.memory_space<semaphore_mem>>) src(%dma_wait3A_137 : memref<10000x128xbf16, #tpu.memory_space<hbm>>) dst(%arg12 : memref<128x128xbf16, #tpu.memory_space<vmem>>)
        %add3A_138 = arith.constant 3 : i32
        %add3A_139 = arith.addi %add3A_74, %add3A_138 : i32
        "tpu.region"() ({
          %run_scoped3A = tpu.sem_alloc : memref<!tpu.dma_semaphore, #tpu.memory_space<semaphore_mem>>
          %dma_start3A_225 = arith.constant 0 : i32
          %dma_start3A_226 = tpu.memref_slice %arg8[%add3A_139, %dma_start3A_225] : memref<80x128xi32, #tpu.memory_space<vmem>> -> memref<1x128xi32, #tpu.memory_space<vmem>>
          %dma_start3A_227 = tpu.memref_squeeze %dma_start3A_226 : memref<1x128xi32, #tpu.memory_space<vmem>> -> memref<128xi32, #tpu.memory_space<vmem>>
          %dma_start3A_228 = arith.constant 0 : i32
          %dma_start3A_229 = arith.constant 0 : i32
          %dma_start3A_230 = tpu.memref_slice %arg25[%dma_start3A_228, %dma_start3A_229] : memref<10240x128xbf16, #tpu.memory_space<vmem_shared>> -> memref<10240x128xbf16, #tpu.memory_space<vmem_shared>>
          tpu.enqueue_indirect_dma source(%arg12 : memref<128x128xbf16, #tpu.memory_space<vmem>>) target(%dma_start3A_230 : memref<10240x128xbf16, #tpu.memory_space<vmem_shared>>) offsets(%dma_start3A_227 : memref<128xi32, #tpu.memory_space<vmem>>) semaphore(%run_scoped3A : memref<!tpu.dma_semaphore, #tpu.memory_space<semaphore_mem>>) {add = true}
          %dma_wait3A_231 = arith.constant 0 : i32
          %dma_wait3A_232 = tpu.memref_slice %arg8[%add3A_139, %dma_wait3A_231] : memref<80x128xi32, #tpu.memory_space<vmem>> -> memref<1x128xi32, #tpu.memory_space<vmem>>
          %dma_wait3A_233 = tpu.memref_squeeze %dma_wait3A_232 : memref<1x128xi32, #tpu.memory_space<vmem>> -> memref<128xi32, #tpu.memory_space<vmem>>
          %dma_wait3A_234 = arith.constant 0 : i32
          %dma_wait3A_235 = arith.constant 0 : i32
          %dma_wait3A_236 = tpu.memref_slice %arg25[%dma_wait3A_234, %dma_wait3A_235] : memref<10240x128xbf16, #tpu.memory_space<vmem_shared>> -> memref<10240x128xbf16, #tpu.memory_space<vmem_shared>>
          tpu.wait_indirect_dma semaphore(%run_scoped3A : memref<!tpu.dma_semaphore, #tpu.memory_space<semaphore_mem>>) src(%arg12 : memref<128x128xbf16, #tpu.memory_space<vmem>>) dst(%dma_wait3A_236 : memref<10240x128xbf16, #tpu.memory_space<vmem_shared>>)
          tpu.yield
        }) : () -> ()
        %add3A_140 = arith.constant 3 : i32
        %add3A_141 = arith.addi %add3A_74, %add3A_140 : i32
        %add3A_142 = arith.constant 8 : i32
        %add3A_143 = arith.addi %add3A_141, %add3A_142 : i32
        %lt3A_144 = arith.constant 80 : i32
        %lt3A_145 = arith.cmpi slt, %add3A_143, %lt3A_144 : i32
        %convert_element_type3A_146 = arith.extui %lt3A_145 : i1 to i32
        %cond3A_147 = arith.constant 0 : i32
        %cond3A_148 = arith.cmpi ne, %convert_element_type3A_146, %cond3A_147 : i32
        scf.if %cond3A_148 {
          %add3A_225 = arith.constant 3 : i32
          %add3A_226 = arith.addi %add3A_74, %add3A_225 : i32
          %add3A_227 = arith.constant 8 : i32
          %add3A_228 = arith.addi %add3A_226, %add3A_227 : i32
          %dma_start3A_229 = arith.constant 0 : i32
          %dma_start3A_230 = tpu.memref_slice %arg7[%add3A_228, %dma_start3A_229] : memref<80x128xi32, #tpu.memory_space<vmem>> -> memref<1x128xi32, #tpu.memory_space<vmem>>
          %dma_start3A_231 = tpu.memref_squeeze %dma_start3A_230 : memref<1x128xi32, #tpu.memory_space<vmem>> -> memref<128xi32, #tpu.memory_space<vmem>>
          %dma_start3A_232 = arith.constant 0 : i32
          %dma_start3A_233 = arith.constant 0 : i32
          %dma_start3A_234 = tpu.memref_slice %arg3[%dma_start3A_232, %dma_start3A_233] : memref<10000x128xbf16, #tpu.memory_space<hbm>> -> memref<10000x128xbf16, #tpu.memory_space<hbm>>
          tpu.enqueue_indirect_dma source(%dma_start3A_234 : memref<10000x128xbf16, #tpu.memory_space<hbm>>) target(%arg12 : memref<128x128xbf16, #tpu.memory_space<vmem>>) offsets(%dma_start3A_231 : memref<128xi32, #tpu.memory_space<vmem>>) semaphore(%arg20 : memref<!tpu.dma_semaphore, #tpu.memory_space<semaphore_mem>>)
        } else {
        }
        %add3A_149 = arith.constant 4 : i32
        %add3A_150 = arith.addi %add3A_74, %add3A_149 : i32
        %dma_wait3A_151 = arith.constant 0 : i32
        %dma_wait3A_152 = tpu.memref_slice %arg7[%add3A_150, %dma_wait3A_151] : memref<80x128xi32, #tpu.memory_space<vmem>> -> memref<1x128xi32, #tpu.memory_space<vmem>>
        %dma_wait3A_153 = tpu.memref_squeeze %dma_wait3A_152 : memref<1x128xi32, #tpu.memory_space<vmem>> -> memref<128xi32, #tpu.memory_space<vmem>>
        %dma_wait3A_154 = arith.constant 0 : i32
        %dma_wait3A_155 = arith.constant 0 : i32
        %dma_wait3A_156 = tpu.memref_slice %arg3[%dma_wait3A_154, %dma_wait3A_155] : memref<10000x128xbf16, #tpu.memory_space<hbm>> -> memref<10000x128xbf16, #tpu.memory_space<hbm>>
        tpu.wait_indirect_dma semaphore(%arg21 : memref<!tpu.dma_semaphore, #tpu.memory_space<semaphore_mem>>) src(%dma_wait3A_156 : memref<10000x128xbf16, #tpu.memory_space<hbm>>) dst(%arg13 : memref<128x128xbf16, #tpu.memory_space<vmem>>)
        %add3A_157 = arith.constant 4 : i32
        %add3A_158 = arith.addi %add3A_74, %add3A_157 : i32
        "tpu.region"() ({
          %run_scoped3A = tpu.sem_alloc : memref<!tpu.dma_semaphore, #tpu.memory_space<semaphore_mem>>
          %dma_start3A_225 = arith.constant 0 : i32
          %dma_start3A_226 = tpu.memref_slice %arg8[%add3A_158, %dma_start3A_225] : memref<80x128xi32, #tpu.memory_space<vmem>> -> memref<1x128xi32, #tpu.memory_space<vmem>>
          %dma_start3A_227 = tpu.memref_squeeze %dma_start3A_226 : memref<1x128xi32, #tpu.memory_space<vmem>> -> memref<128xi32, #tpu.memory_space<vmem>>
          %dma_start3A_228 = arith.constant 0 : i32
          %dma_start3A_229 = arith.constant 0 : i32
          %dma_start3A_230 = tpu.memref_slice %arg25[%dma_start3A_228, %dma_start3A_229] : memref<10240x128xbf16, #tpu.memory_space<vmem_shared>> -> memref<10240x128xbf16, #tpu.memory_space<vmem_shared>>
          tpu.enqueue_indirect_dma source(%arg13 : memref<128x128xbf16, #tpu.memory_space<vmem>>) target(%dma_start3A_230 : memref<10240x128xbf16, #tpu.memory_space<vmem_shared>>) offsets(%dma_start3A_227 : memref<128xi32, #tpu.memory_space<vmem>>) semaphore(%run_scoped3A : memref<!tpu.dma_semaphore, #tpu.memory_space<semaphore_mem>>) {add = true}
          %dma_wait3A_231 = arith.constant 0 : i32
          %dma_wait3A_232 = tpu.memref_slice %arg8[%add3A_158, %dma_wait3A_231] : memref<80x128xi32, #tpu.memory_space<vmem>> -> memref<1x128xi32, #tpu.memory_space<vmem>>
          %dma_wait3A_233 = tpu.memref_squeeze %dma_wait3A_232 : memref<1x128xi32, #tpu.memory_space<vmem>> -> memref<128xi32, #tpu.memory_space<vmem>>
          %dma_wait3A_234 = arith.constant 0 : i32
          %dma_wait3A_235 = arith.constant 0 : i32
          %dma_wait3A_236 = tpu.memref_slice %arg25[%dma_wait3A_234, %dma_wait3A_235] : memref<10240x128xbf16, #tpu.memory_space<vmem_shared>> -> memref<10240x128xbf16, #tpu.memory_space<vmem_shared>>
          tpu.wait_indirect_dma semaphore(%run_scoped3A : memref<!tpu.dma_semaphore, #tpu.memory_space<semaphore_mem>>) src(%arg13 : memref<128x128xbf16, #tpu.memory_space<vmem>>) dst(%dma_wait3A_236 : memref<10240x128xbf16, #tpu.memory_space<vmem_shared>>)
          tpu.yield
        }) : () -> ()
        %add3A_159 = arith.constant 4 : i32
        %add3A_160 = arith.addi %add3A_74, %add3A_159 : i32
        %add3A_161 = arith.constant 8 : i32
        %add3A_162 = arith.addi %add3A_160, %add3A_161 : i32
        %lt3A_163 = arith.constant 80 : i32
        %lt3A_164 = arith.cmpi slt, %add3A_162, %lt3A_163 : i32
        %convert_element_type3A_165 = arith.extui %lt3A_164 : i1 to i32
        %cond3A_166 = arith.constant 0 : i32
        %cond3A_167 = arith.cmpi ne, %convert_element_type3A_165, %cond3A_166 : i32
        scf.if %cond3A_167 {
          %add3A_225 = arith.constant 4 : i32
          %add3A_226 = arith.addi %add3A_74, %add3A_225 : i32
          %add3A_227 = arith.constant 8 : i32
          %add3A_228 = arith.addi %add3A_226, %add3A_227 : i32
          %dma_start3A_229 = arith.constant 0 : i32
          %dma_start3A_230 = tpu.memref_slice %arg7[%add3A_228, %dma_start3A_229] : memref<80x128xi32, #tpu.memory_space<vmem>> -> memref<1x128xi32, #tpu.memory_space<vmem>>
          %dma_start3A_231 = tpu.memref_squeeze %dma_start3A_230 : memref<1x128xi32, #tpu.memory_space<vmem>> -> memref<128xi32, #tpu.memory_space<vmem>>
          %dma_start3A_232 = arith.constant 0 : i32
          %dma_start3A_233 = arith.constant 0 : i32
          %dma_start3A_234 = tpu.memref_slice %arg3[%dma_start3A_232, %dma_start3A_233] : memref<10000x128xbf16, #tpu.memory_space<hbm>> -> memref<10000x128xbf16, #tpu.memory_space<hbm>>
          tpu.enqueue_indirect_dma source(%dma_start3A_234 : memref<10000x128xbf16, #tpu.memory_space<hbm>>) target(%arg13 : memref<128x128xbf16, #tpu.memory_space<vmem>>) offsets(%dma_start3A_231 : memref<128xi32, #tpu.memory_space<vmem>>) semaphore(%arg21 : memref<!tpu.dma_semaphore, #tpu.memory_space<semaphore_mem>>)
        } else {
        }
        %add3A_168 = arith.constant 5 : i32
        %add3A_169 = arith.addi %add3A_74, %add3A_168 : i32
        %dma_wait3A_170 = arith.constant 0 : i32
        %dma_wait3A_171 = tpu.memref_slice %arg7[%add3A_169, %dma_wait3A_170] : memref<80x128xi32, #tpu.memory_space<vmem>> -> memref<1x128xi32, #tpu.memory_space<vmem>>
        %dma_wait3A_172 = tpu.memref_squeeze %dma_wait3A_171 : memref<1x128xi32, #tpu.memory_space<vmem>> -> memref<128xi32, #tpu.memory_space<vmem>>
        %dma_wait3A_173 = arith.constant 0 : i32
        %dma_wait3A_174 = arith.constant 0 : i32
        %dma_wait3A_175 = tpu.memref_slice %arg3[%dma_wait3A_173, %dma_wait3A_174] : memref<10000x128xbf16, #tpu.memory_space<hbm>> -> memref<10000x128xbf16, #tpu.memory_space<hbm>>
        tpu.wait_indirect_dma semaphore(%arg22 : memref<!tpu.dma_semaphore, #tpu.memory_space<semaphore_mem>>) src(%dma_wait3A_175 : memref<10000x128xbf16, #tpu.memory_space<hbm>>) dst(%arg14 : memref<128x128xbf16, #tpu.memory_space<vmem>>)
        %add3A_176 = arith.constant 5 : i32
        %add3A_177 = arith.addi %add3A_74, %add3A_176 : i32
        "tpu.region"() ({
          %run_scoped3A = tpu.sem_alloc : memref<!tpu.dma_semaphore, #tpu.memory_space<semaphore_mem>>
          %dma_start3A_225 = arith.constant 0 : i32
          %dma_start3A_226 = tpu.memref_slice %arg8[%add3A_177, %dma_start3A_225] : memref<80x128xi32, #tpu.memory_space<vmem>> -> memref<1x128xi32, #tpu.memory_space<vmem>>
          %dma_start3A_227 = tpu.memref_squeeze %dma_start3A_226 : memref<1x128xi32, #tpu.memory_space<vmem>> -> memref<128xi32, #tpu.memory_space<vmem>>
          %dma_start3A_228 = arith.constant 0 : i32
          %dma_start3A_229 = arith.constant 0 : i32
          %dma_start3A_230 = tpu.memref_slice %arg25[%dma_start3A_228, %dma_start3A_229] : memref<10240x128xbf16, #tpu.memory_space<vmem_shared>> -> memref<10240x128xbf16, #tpu.memory_space<vmem_shared>>
          tpu.enqueue_indirect_dma source(%arg14 : memref<128x128xbf16, #tpu.memory_space<vmem>>) target(%dma_start3A_230 : memref<10240x128xbf16, #tpu.memory_space<vmem_shared>>) offsets(%dma_start3A_227 : memref<128xi32, #tpu.memory_space<vmem>>) semaphore(%run_scoped3A : memref<!tpu.dma_semaphore, #tpu.memory_space<semaphore_mem>>) {add = true}
          %dma_wait3A_231 = arith.constant 0 : i32
          %dma_wait3A_232 = tpu.memref_slice %arg8[%add3A_177, %dma_wait3A_231] : memref<80x128xi32, #tpu.memory_space<vmem>> -> memref<1x128xi32, #tpu.memory_space<vmem>>
          %dma_wait3A_233 = tpu.memref_squeeze %dma_wait3A_232 : memref<1x128xi32, #tpu.memory_space<vmem>> -> memref<128xi32, #tpu.memory_space<vmem>>
          %dma_wait3A_234 = arith.constant 0 : i32
          %dma_wait3A_235 = arith.constant 0 : i32
          %dma_wait3A_236 = tpu.memref_slice %arg25[%dma_wait3A_234, %dma_wait3A_235] : memref<10240x128xbf16, #tpu.memory_space<vmem_shared>> -> memref<10240x128xbf16, #tpu.memory_space<vmem_shared>>
          tpu.wait_indirect_dma semaphore(%run_scoped3A : memref<!tpu.dma_semaphore, #tpu.memory_space<semaphore_mem>>) src(%arg14 : memref<128x128xbf16, #tpu.memory_space<vmem>>) dst(%dma_wait3A_236 : memref<10240x128xbf16, #tpu.memory_space<vmem_shared>>)
          tpu.yield
        }) : () -> ()
        %add3A_178 = arith.constant 5 : i32
        %add3A_179 = arith.addi %add3A_74, %add3A_178 : i32
        %add3A_180 = arith.constant 8 : i32
        %add3A_181 = arith.addi %add3A_179, %add3A_180 : i32
        %lt3A_182 = arith.constant 80 : i32
        %lt3A_183 = arith.cmpi slt, %add3A_181, %lt3A_182 : i32
        %convert_element_type3A_184 = arith.extui %lt3A_183 : i1 to i32
        %cond3A_185 = arith.constant 0 : i32
        %cond3A_186 = arith.cmpi ne, %convert_element_type3A_184, %cond3A_185 : i32
        scf.if %cond3A_186 {
          %add3A_225 = arith.constant 5 : i32
          %add3A_226 = arith.addi %add3A_74, %add3A_225 : i32
          %add3A_227 = arith.constant 8 : i32
          %add3A_228 = arith.addi %add3A_226, %add3A_227 : i32
          %dma_start3A_229 = arith.constant 0 : i32
          %dma_start3A_230 = tpu.memref_slice %arg7[%add3A_228, %dma_start3A_229] : memref<80x128xi32, #tpu.memory_space<vmem>> -> memref<1x128xi32, #tpu.memory_space<vmem>>
          %dma_start3A_231 = tpu.memref_squeeze %dma_start3A_230 : memref<1x128xi32, #tpu.memory_space<vmem>> -> memref<128xi32, #tpu.memory_space<vmem>>
          %dma_start3A_232 = arith.constant 0 : i32
          %dma_start3A_233 = arith.constant 0 : i32
          %dma_start3A_234 = tpu.memref_slice %arg3[%dma_start3A_232, %dma_start3A_233] : memref<10000x128xbf16, #tpu.memory_space<hbm>> -> memref<10000x128xbf16, #tpu.memory_space<hbm>>
          tpu.enqueue_indirect_dma source(%dma_start3A_234 : memref<10000x128xbf16, #tpu.memory_space<hbm>>) target(%arg14 : memref<128x128xbf16, #tpu.memory_space<vmem>>) offsets(%dma_start3A_231 : memref<128xi32, #tpu.memory_space<vmem>>) semaphore(%arg22 : memref<!tpu.dma_semaphore, #tpu.memory_space<semaphore_mem>>)
        } else {
        }
        %add3A_187 = arith.constant 6 : i32
        %add3A_188 = arith.addi %add3A_74, %add3A_187 : i32
        %dma_wait3A_189 = arith.constant 0 : i32
        %dma_wait3A_190 = tpu.memref_slice %arg7[%add3A_188, %dma_wait3A_189] : memref<80x128xi32, #tpu.memory_space<vmem>> -> memref<1x128xi32, #tpu.memory_space<vmem>>
        %dma_wait3A_191 = tpu.memref_squeeze %dma_wait3A_190 : memref<1x128xi32, #tpu.memory_space<vmem>> -> memref<128xi32, #tpu.memory_space<vmem>>
        %dma_wait3A_192 = arith.constant 0 : i32
        %dma_wait3A_193 = arith.constant 0 : i32
        %dma_wait3A_194 = tpu.memref_slice %arg3[%dma_wait3A_192, %dma_wait3A_193] : memref<10000x128xbf16, #tpu.memory_space<hbm>> -> memref<10000x128xbf16, #tpu.memory_space<hbm>>
        tpu.wait_indirect_dma semaphore(%arg23 : memref<!tpu.dma_semaphore, #tpu.memory_space<semaphore_mem>>) src(%dma_wait3A_194 : memref<10000x128xbf16, #tpu.memory_space<hbm>>) dst(%arg15 : memref<128x128xbf16, #tpu.memory_space<vmem>>)
        %add3A_195 = arith.constant 6 : i32
        %add3A_196 = arith.addi %add3A_74, %add3A_195 : i32
        "tpu.region"() ({
          %run_scoped3A = tpu.sem_alloc : memref<!tpu.dma_semaphore, #tpu.memory_space<semaphore_mem>>
          %dma_start3A_225 = arith.constant 0 : i32
          %dma_start3A_226 = tpu.memref_slice %arg8[%add3A_196, %dma_start3A_225] : memref<80x128xi32, #tpu.memory_space<vmem>> -> memref<1x128xi32, #tpu.memory_space<vmem>>
          %dma_start3A_227 = tpu.memref_squeeze %dma_start3A_226 : memref<1x128xi32, #tpu.memory_space<vmem>> -> memref<128xi32, #tpu.memory_space<vmem>>
          %dma_start3A_228 = arith.constant 0 : i32
          %dma_start3A_229 = arith.constant 0 : i32
          %dma_start3A_230 = tpu.memref_slice %arg25[%dma_start3A_228, %dma_start3A_229] : memref<10240x128xbf16, #tpu.memory_space<vmem_shared>> -> memref<10240x128xbf16, #tpu.memory_space<vmem_shared>>
          tpu.enqueue_indirect_dma source(%arg15 : memref<128x128xbf16, #tpu.memory_space<vmem>>) target(%dma_start3A_230 : memref<10240x128xbf16, #tpu.memory_space<vmem_shared>>) offsets(%dma_start3A_227 : memref<128xi32, #tpu.memory_space<vmem>>) semaphore(%run_scoped3A : memref<!tpu.dma_semaphore, #tpu.memory_space<semaphore_mem>>) {add = true}
          %dma_wait3A_231 = arith.constant 0 : i32
          %dma_wait3A_232 = tpu.memref_slice %arg8[%add3A_196, %dma_wait3A_231] : memref<80x128xi32, #tpu.memory_space<vmem>> -> memref<1x128xi32, #tpu.memory_space<vmem>>
          %dma_wait3A_233 = tpu.memref_squeeze %dma_wait3A_232 : memref<1x128xi32, #tpu.memory_space<vmem>> -> memref<128xi32, #tpu.memory_space<vmem>>
          %dma_wait3A_234 = arith.constant 0 : i32
          %dma_wait3A_235 = arith.constant 0 : i32
          %dma_wait3A_236 = tpu.memref_slice %arg25[%dma_wait3A_234, %dma_wait3A_235] : memref<10240x128xbf16, #tpu.memory_space<vmem_shared>> -> memref<10240x128xbf16, #tpu.memory_space<vmem_shared>>
          tpu.wait_indirect_dma semaphore(%run_scoped3A : memref<!tpu.dma_semaphore, #tpu.memory_space<semaphore_mem>>) src(%arg15 : memref<128x128xbf16, #tpu.memory_space<vmem>>) dst(%dma_wait3A_236 : memref<10240x128xbf16, #tpu.memory_space<vmem_shared>>)
          tpu.yield
        }) : () -> ()
        %add3A_197 = arith.constant 6 : i32
        %add3A_198 = arith.addi %add3A_74, %add3A_197 : i32
        %add3A_199 = arith.constant 8 : i32
        %add3A_200 = arith.addi %add3A_198, %add3A_199 : i32
        %lt3A_201 = arith.constant 80 : i32
        %lt3A_202 = arith.cmpi slt, %add3A_200, %lt3A_201 : i32
        %convert_element_type3A_203 = arith.extui %lt3A_202 : i1 to i32
        %cond3A_204 = arith.constant 0 : i32
        %cond3A_205 = arith.cmpi ne, %convert_element_type3A_203, %cond3A_204 : i32
        scf.if %cond3A_205 {
          %add3A_225 = arith.constant 6 : i32
          %add3A_226 = arith.addi %add3A_74, %add3A_225 : i32
          %add3A_227 = arith.constant 8 : i32
          %add3A_228 = arith.addi %add3A_226, %add3A_227 : i32
          %dma_start3A_229 = arith.constant 0 : i32
          %dma_start3A_230 = tpu.memref_slice %arg7[%add3A_228, %dma_start3A_229] : memref<80x128xi32, #tpu.memory_space<vmem>> -> memref<1x128xi32, #tpu.memory_space<vmem>>
          %dma_start3A_231 = tpu.memref_squeeze %dma_start3A_230 : memref<1x128xi32, #tpu.memory_space<vmem>> -> memref<128xi32, #tpu.memory_space<vmem>>
          %dma_start3A_232 = arith.constant 0 : i32
          %dma_start3A_233 = arith.constant 0 : i32
          %dma_start3A_234 = tpu.memref_slice %arg3[%dma_start3A_232, %dma_start3A_233] : memref<10000x128xbf16, #tpu.memory_space<hbm>> -> memref<10000x128xbf16, #tpu.memory_space<hbm>>
          tpu.enqueue_indirect_dma source(%dma_start3A_234 : memref<10000x128xbf16, #tpu.memory_space<hbm>>) target(%arg15 : memref<128x128xbf16, #tpu.memory_space<vmem>>) offsets(%dma_start3A_231 : memref<128xi32, #tpu.memory_space<vmem>>) semaphore(%arg23 : memref<!tpu.dma_semaphore, #tpu.memory_space<semaphore_mem>>)
        } else {
        }
        %add3A_206 = arith.constant 7 : i32
        %add3A_207 = arith.addi %add3A_74, %add3A_206 : i32
        %dma_wait3A_208 = arith.constant 0 : i32
        %dma_wait3A_209 = tpu.memref_slice %arg7[%add3A_207, %dma_wait3A_208] : memref<80x128xi32, #tpu.memory_space<vmem>> -> memref<1x128xi32, #tpu.memory_space<vmem>>
        %dma_wait3A_210 = tpu.memref_squeeze %dma_wait3A_209 : memref<1x128xi32, #tpu.memory_space<vmem>> -> memref<128xi32, #tpu.memory_space<vmem>>
        %dma_wait3A_211 = arith.constant 0 : i32
        %dma_wait3A_212 = arith.constant 0 : i32
        %dma_wait3A_213 = tpu.memref_slice %arg3[%dma_wait3A_211, %dma_wait3A_212] : memref<10000x128xbf16, #tpu.memory_space<hbm>> -> memref<10000x128xbf16, #tpu.memory_space<hbm>>
        tpu.wait_indirect_dma semaphore(%arg24 : memref<!tpu.dma_semaphore, #tpu.memory_space<semaphore_mem>>) src(%dma_wait3A_213 : memref<10000x128xbf16, #tpu.memory_space<hbm>>) dst(%arg16 : memref<128x128xbf16, #tpu.memory_space<vmem>>)
        %add3A_214 = arith.constant 7 : i32
        %add3A_215 = arith.addi %add3A_74, %add3A_214 : i32
        "tpu.region"() ({
          %run_scoped3A = tpu.sem_alloc : memref<!tpu.dma_semaphore, #tpu.memory_space<semaphore_mem>>
          %dma_start3A_225 = arith.constant 0 : i32
          %dma_start3A_226 = tpu.memref_slice %arg8[%add3A_215, %dma_start3A_225] : memref<80x128xi32, #tpu.memory_space<vmem>> -> memref<1x128xi32, #tpu.memory_space<vmem>>
          %dma_start3A_227 = tpu.memref_squeeze %dma_start3A_226 : memref<1x128xi32, #tpu.memory_space<vmem>> -> memref<128xi32, #tpu.memory_space<vmem>>
          %dma_start3A_228 = arith.constant 0 : i32
          %dma_start3A_229 = arith.constant 0 : i32
          %dma_start3A_230 = tpu.memref_slice %arg25[%dma_start3A_228, %dma_start3A_229] : memref<10240x128xbf16, #tpu.memory_space<vmem_shared>> -> memref<10240x128xbf16, #tpu.memory_space<vmem_shared>>
          tpu.enqueue_indirect_dma source(%arg16 : memref<128x128xbf16, #tpu.memory_space<vmem>>) target(%dma_start3A_230 : memref<10240x128xbf16, #tpu.memory_space<vmem_shared>>) offsets(%dma_start3A_227 : memref<128xi32, #tpu.memory_space<vmem>>) semaphore(%run_scoped3A : memref<!tpu.dma_semaphore, #tpu.memory_space<semaphore_mem>>) {add = true}
          %dma_wait3A_231 = arith.constant 0 : i32
          %dma_wait3A_232 = tpu.memref_slice %arg8[%add3A_215, %dma_wait3A_231] : memref<80x128xi32, #tpu.memory_space<vmem>> -> memref<1x128xi32, #tpu.memory_space<vmem>>
          %dma_wait3A_233 = tpu.memref_squeeze %dma_wait3A_232 : memref<1x128xi32, #tpu.memory_space<vmem>> -> memref<128xi32, #tpu.memory_space<vmem>>
          %dma_wait3A_234 = arith.constant 0 : i32
          %dma_wait3A_235 = arith.constant 0 : i32
          %dma_wait3A_236 = tpu.memref_slice %arg25[%dma_wait3A_234, %dma_wait3A_235] : memref<10240x128xbf16, #tpu.memory_space<vmem_shared>> -> memref<10240x128xbf16, #tpu.memory_space<vmem_shared>>
          tpu.wait_indirect_dma semaphore(%run_scoped3A : memref<!tpu.dma_semaphore, #tpu.memory_space<semaphore_mem>>) src(%arg16 : memref<128x128xbf16, #tpu.memory_space<vmem>>) dst(%dma_wait3A_236 : memref<10240x128xbf16, #tpu.memory_space<vmem_shared>>)
          tpu.yield
        }) : () -> ()
        %add3A_216 = arith.constant 7 : i32
        %add3A_217 = arith.addi %add3A_74, %add3A_216 : i32
        %add3A_218 = arith.constant 8 : i32
        %add3A_219 = arith.addi %add3A_217, %add3A_218 : i32
        %lt3A_220 = arith.constant 80 : i32
        %lt3A_221 = arith.cmpi slt, %add3A_219, %lt3A_220 : i32
        %convert_element_type3A_222 = arith.extui %lt3A_221 : i1 to i32
        %cond3A_223 = arith.constant 0 : i32
        %cond3A_224 = arith.cmpi ne, %convert_element_type3A_222, %cond3A_223 : i32
        scf.if %cond3A_224 {
          %add3A_225 = arith.constant 7 : i32
          %add3A_226 = arith.addi %add3A_74, %add3A_225 : i32
          %add3A_227 = arith.constant 8 : i32
          %add3A_228 = arith.addi %add3A_226, %add3A_227 : i32
          %dma_start3A_229 = arith.constant 0 : i32
          %dma_start3A_230 = tpu.memref_slice %arg7[%add3A_228, %dma_start3A_229] : memref<80x128xi32, #tpu.memory_space<vmem>> -> memref<1x128xi32, #tpu.memory_space<vmem>>
          %dma_start3A_231 = tpu.memref_squeeze %dma_start3A_230 : memref<1x128xi32, #tpu.memory_space<vmem>> -> memref<128xi32, #tpu.memory_space<vmem>>
          %dma_start3A_232 = arith.constant 0 : i32
          %dma_start3A_233 = arith.constant 0 : i32
          %dma_start3A_234 = tpu.memref_slice %arg3[%dma_start3A_232, %dma_start3A_233] : memref<10000x128xbf16, #tpu.memory_space<hbm>> -> memref<10000x128xbf16, #tpu.memory_space<hbm>>
          tpu.enqueue_indirect_dma source(%dma_start3A_234 : memref<10000x128xbf16, #tpu.memory_space<hbm>>) target(%arg16 : memref<128x128xbf16, #tpu.memory_space<vmem>>) offsets(%dma_start3A_231 : memref<128xi32, #tpu.memory_space<vmem>>) semaphore(%arg24 : memref<!tpu.dma_semaphore, #tpu.memory_space<semaphore_mem>>)
        } else {
        }
      }
      %scan3A_65 = arith.constant 10 : i32
      %barrier3A_66 = arith.constant 0 : index
      tpu.barrier barrier_id(%barrier3A_66)
      %mul3A_67 = arith.constant 640 : i32
      %mul3A_68 = arith.muli %arg1, %mul3A_67 : i32
      %mul3A_69 = arith.constant 640 : i32
      %mul3A_70 = arith.muli %arg1, %mul3A_69 : i32
      "tpu.region"() ({
        %run_scoped3A = tpu.sem_alloc : memref<!tpu.dma_semaphore, #tpu.memory_space<semaphore_mem>>
        %dma_start3A_71 = arith.constant 0 : i32
        %dma_start3A_72 = tpu.memref_slice %arg6[%mul3A_70, %dma_start3A_71] : memref<10240x128xbf16, #tpu.memory_space<hbm>> -> memref<640x128xbf16, #tpu.memory_space<hbm>>
        %dma_start3A_73 = arith.constant 0 : i32
        %dma_start3A_74 = tpu.memref_slice %arg25[%mul3A_68, %dma_start3A_73] : memref<10240x128xbf16, #tpu.memory_space<vmem_shared>> -> memref<640x128xbf16, #tpu.memory_space<vmem_shared>>
        tpu.enqueue_dma source(%dma_start3A_74 : memref<640x128xbf16, #tpu.memory_space<vmem_shared>>) target(%dma_start3A_72 : memref<640x128xbf16, #tpu.memory_space<hbm>>) target_semaphore(%run_scoped3A : memref<!tpu.dma_semaphore, #tpu.memory_space<semaphore_mem>>)
        %dma_wait3A = arith.constant 0 : i32
        %dma_wait3A_75 = tpu.memref_slice %arg6[%mul3A_70, %dma_wait3A] : memref<10240x128xbf16, #tpu.memory_space<hbm>> -> memref<640x128xbf16, #tpu.memory_space<hbm>>
        %dma_wait3A_76 = arith.constant 0 : i32
        %dma_wait3A_77 = tpu.memref_slice %arg25[%mul3A_68, %dma_wait3A_76] : memref<10240x128xbf16, #tpu.memory_space<vmem_shared>> -> memref<640x128xbf16, #tpu.memory_space<vmem_shared>>
        tpu.wait_dma2 semaphore(%run_scoped3A : memref<!tpu.dma_semaphore, #tpu.memory_space<semaphore_mem>>) src(%dma_wait3A_77 : memref<640x128xbf16, #tpu.memory_space<vmem_shared>>) dst(%dma_wait3A_75 : memref<640x128xbf16, #tpu.memory_space<hbm>>)
        tpu.yield
      }) : () -> ()
    } else {
    }
    return
  }
}

module attributes {stable_mosaic.version = 14 : i64} {
  func.func @_tc1_body(%arg0: i32, %arg1: memref<1000x256xf32, #tpu.memory_space<vmem>>, %arg2: memref<256x128xf32, #tpu.memory_space<vmem>>, %arg3: memref<2x1000x1xf32, #tpu.memory_space<vmem>>, %arg4: memref<1000x128xf32, #tpu.memory_space<vmem>>, %arg5: memref<1000x128xbf16, #tpu.memory_space<vmem>>, %arg6: memref<1000x1xf32, #tpu.memory_space<vmem>>) attributes {dimension_semantics = [#tpu.dimension_semantics<arbitrary>], iteration_bounds = array<i64: 10>, scalar_prefetch = 0 : i64, scratch_operands = 0 : i64, tpu.core_type = #tpu.core_type<tc>, window_params = [{transform_indices = @transform_0, window_bounds = array<i64: 1000, 256>}, {pipeline_mode = #tpu.pipeline_mode<synchronous>, transform_indices = @transform_1, window_bounds = array<i64: 256, 128>}, {transform_indices = @transform_2, window_bounds = array<i64: 2, 1000, 1>}, {transform_indices = @transform_3, window_bounds = array<i64: 1000, 128>}, {transform_indices = @transform_4, window_bounds = array<i64: 1000, 128>}, {transform_indices = @transform_5, window_bounds = array<i64: 1000, 1>}]} {
    %get3A = arith.constant 0 : index
    %get3A_0 = arith.constant 0 : index
    %get3A_1 = arith.constant 0 : index
    %get3A_2 = vector.load %arg3[%get3A, %get3A_0, %get3A_1] : memref<2x1000x1xf32, #tpu.memory_space<vmem>>, vector<2x1000x1xf32>
    %reduce_sum3A = arith.constant dense<0.000000e+00> : vector<1000x1xf32>
    %reduce_sum3A_3 = vector.multi_reduction <add>, %get3A_2, %reduce_sum3A [0] : vector<2x1000x1xf32> to vector<1000x1xf32>
    %add3A = arith.constant 1.000000e+00 : f32
    %add3A_4 = vector.broadcast %add3A : f32 to vector<1000x1xf32>
    %add3A_5 = arith.addf %reduce_sum3A_3, %add3A_4 : vector<1000x1xf32>
    %rsqrt3A = math.rsqrt %add3A_5 : vector<1000x1xf32>
    %get3A_6 = arith.constant 0 : index
    %get3A_7 = arith.constant 0 : index
    %get3A_8 = vector.load %arg1[%get3A_6, %get3A_7] : memref<1000x256xf32, #tpu.memory_space<vmem>>, vector<1000x256xf32>
    %get3A_9 = arith.constant 0 : index
    %get3A_10 = arith.constant 0 : index
    %get3A_11 = vector.load %arg2[%get3A_9, %get3A_10] : memref<256x128xf32, #tpu.memory_space<vmem>>, vector<256x128xf32>
    %dot_general3A = arith.constant dense<0.000000e+00> : vector<1000x128xf32>
    %dot_general3A_12 = tpu.matmul %get3A_8, %get3A_11, %dot_general3A {dimension_numbers = #tpu.dot_dimension_numbers<[1], [0], [0], [1], [0, 0, 1, 1], [], []>, transpose_lhs_hint = false} : vector<1000x256xf32>, vector<256x128xf32>, vector<1000x128xf32> -> vector<1000x128xf32>
    %mul3A = vector.broadcast %rsqrt3A : vector<1000x1xf32> to vector<1000x128xf32>
    %mul3A_13 = arith.mulf %dot_general3A_12, %mul3A : vector<1000x128xf32>
    %swap3A = arith.constant 0 : index
    %swap3A_14 = arith.constant 0 : index
    %swap3A_15 = vector.load %arg4[%swap3A, %swap3A_14] : memref<1000x128xf32, #tpu.memory_space<vmem>>, vector<1000x128xf32>
    tpu.vector_store %arg4[%swap3A, %swap3A_14], %mul3A_13 {strides = array<i32>} : memref<1000x128xf32, #tpu.memory_space<vmem>>, vector<1000x128xf32>,
    %convert_element_type3A = arith.truncf %mul3A_13 : vector<1000x128xf32> to vector<1000x128xbf16>
    %swap3A_16 = arith.constant 0 : index
    %swap3A_17 = arith.constant 0 : index
    %swap3A_18 = vector.load %arg5[%swap3A_16, %swap3A_17] : memref<1000x128xbf16, #tpu.memory_space<vmem>>, vector<1000x128xbf16>
    tpu.vector_store %arg5[%swap3A_16, %swap3A_17], %convert_element_type3A {strides = array<i32>} : memref<1000x128xbf16, #tpu.memory_space<vmem>>, vector<1000x128xbf16>,
    %swap3A_19 = arith.constant 0 : index
    %swap3A_20 = arith.constant 0 : index
    %swap3A_21 = vector.load %arg6[%swap3A_19, %swap3A_20] : memref<1000x1xf32, #tpu.memory_space<vmem>>, vector<1000x1xf32>
    tpu.vector_store %arg6[%swap3A_19, %swap3A_20], %rsqrt3A {strides = array<i32>} : memref<1000x1xf32, #tpu.memory_space<vmem>>, vector<1000x1xf32>,
    return
  }
  func.func @transform_0(%arg0: i32) -> (i32, i32) {
    %c0_i32 = arith.constant 0 : i32
    %c0_i32_0 = arith.constant 0 : i32
    return %arg0, %c0_i32 : i32, i32
  }
  func.func @transform_1(%arg0: i32) -> (i32, i32) {
    %c0_i32 = arith.constant 0 : i32
    %c0_i32_0 = arith.constant 0 : i32
    %c0_i32_1 = arith.constant 0 : i32
    return %c0_i32, %c0_i32_0 : i32, i32
  }
  func.func @transform_2(%arg0: i32) -> (i32, i32, i32) {
    %c0_i32 = arith.constant 0 : i32
    %c0_i32_0 = arith.constant 0 : i32
    %c0_i32_1 = arith.constant 0 : i32
    return %c0_i32, %arg0, %c0_i32_0 : i32, i32, i32
  }
  func.func @transform_3(%arg0: i32) -> (i32, i32) {
    %c0_i32 = arith.constant 0 : i32
    %c0_i32_0 = arith.constant 0 : i32
    return %arg0, %c0_i32 : i32, i32
  }
  func.func @transform_4(%arg0: i32) -> (i32, i32) {
    %c0_i32 = arith.constant 0 : i32
    %c0_i32_0 = arith.constant 0 : i32
    return %arg0, %c0_i32 : i32, i32
  }
  func.func @transform_5(%arg0: i32) -> (i32, i32) {
    %c0_i32 = arith.constant 0 : i32
    %c0_i32_0 = arith.constant 0 : i32
    return %arg0, %c0_i32 : i32, i32
  }
}

module attributes {stable_mosaic.version = 14 : i64} {
  func.func @_tc2_body(%arg0: i32, %arg1: memref<1000x128xbf16, #tpu.memory_space<vmem>>, %arg2: memref<1000x128xf32, #tpu.memory_space<vmem>>, %arg3: memref<1000x1xf32, #tpu.memory_space<vmem>>, %arg4: memref<1x128xf32, #tpu.memory_space<vmem>>, %arg5: memref<128x16xf32, #tpu.memory_space<vmem>>, %arg6: memref<1000x16xf32, #tpu.memory_space<vmem>>) attributes {dimension_semantics = [#tpu.dimension_semantics<arbitrary>], iteration_bounds = array<i64: 10>, scalar_prefetch = 0 : i64, scratch_operands = 0 : i64, tpu.core_type = #tpu.core_type<tc>, window_params = [{transform_indices = @transform_0, window_bounds = array<i64: 1000, 128>}, {transform_indices = @transform_1, window_bounds = array<i64: 1000, 128>}, {transform_indices = @transform_2, window_bounds = array<i64: 1000, 1>}, {pipeline_mode = #tpu.pipeline_mode<synchronous>, transform_indices = @transform_3, window_bounds = array<i64: 1, 128>}, {pipeline_mode = #tpu.pipeline_mode<synchronous>, transform_indices = @transform_4, window_bounds = array<i64: 128, 16>}, {transform_indices = @transform_5, window_bounds = array<i64: 1000, 16>}]} {
    %get3A = arith.constant 0 : index
    %get3A_0 = arith.constant 0 : index
    %get3A_1 = vector.load %arg1[%get3A, %get3A_0] : memref<1000x128xbf16, #tpu.memory_space<vmem>>, vector<1000x128xbf16>
    %convert_element_type3A = arith.extf %get3A_1 : vector<1000x128xbf16> to vector<1000x128xf32>
    %get3A_2 = arith.constant 0 : index
    %get3A_3 = arith.constant 0 : index
    %get3A_4 = vector.load %arg2[%get3A_2, %get3A_3] : memref<1000x128xf32, #tpu.memory_space<vmem>>, vector<1000x128xf32>
    %add3A = arith.addf %convert_element_type3A, %get3A_4 : vector<1000x128xf32>
    %get3A_5 = arith.constant 0 : index
    %get3A_6 = arith.constant 0 : index
    %get3A_7 = vector.load %arg3[%get3A_5, %get3A_6] : memref<1000x1xf32, #tpu.memory_space<vmem>>, vector<1000x1xf32>
    %mul3A = vector.broadcast %get3A_7 : vector<1000x1xf32> to vector<1000x128xf32>
    %mul3A_8 = arith.mulf %add3A, %mul3A : vector<1000x128xf32>
    %get3A_9 = arith.constant 0 : index
    %get3A_10 = arith.constant 0 : index
    %get3A_11 = vector.load %arg4[%get3A_9, %get3A_10] : memref<1x128xf32, #tpu.memory_space<vmem>>, vector<1x128xf32>
    %add3A_12 = vector.broadcast %get3A_11 : vector<1x128xf32> to vector<1000x128xf32>
    %add3A_13 = arith.addf %mul3A_8, %add3A_12 : vector<1000x128xf32>
    %max3A = arith.constant 0.000000e+00 : f32
    %max3A_14 = vector.broadcast %max3A : f32 to vector<1000x128xf32>
    %max3A_15 = arith.maximumf %add3A_13, %max3A_14 : vector<1000x128xf32>
    %get3A_16 = arith.constant 0 : index
    %get3A_17 = arith.constant 0 : index
    %get3A_18 = vector.load %arg5[%get3A_16, %get3A_17] : memref<128x16xf32, #tpu.memory_space<vmem>>, vector<128x16xf32>
    %dot_general3A = arith.constant dense<0.000000e+00> : vector<1000x16xf32>
    %dot_general3A_19 = tpu.matmul %max3A_15, %get3A_18, %dot_general3A {dimension_numbers = #tpu.dot_dimension_numbers<[1], [0], [0], [1], [0, 0, 1, 1], [], []>, transpose_lhs_hint = false} : vector<1000x128xf32>, vector<128x16xf32>, vector<1000x16xf32> -> vector<1000x16xf32>
    %get3A_20 = arith.constant 0 : index
    %get3A_21 = arith.constant 0 : index
    %get3A_22 = vector.load %arg3[%get3A_20, %get3A_21] : memref<1000x1xf32, #tpu.memory_space<vmem>>, vector<1000x1xf32>
    %mul3A_23 = vector.broadcast %get3A_22 : vector<1000x1xf32> to vector<1000x16xf32>
    %mul3A_24 = arith.mulf %dot_general3A_19, %mul3A_23 : vector<1000x16xf32>
    %swap3A = arith.constant 0 : index
    %swap3A_25 = arith.constant 0 : index
    %swap3A_26 = vector.load %arg6[%swap3A, %swap3A_25] : memref<1000x16xf32, #tpu.memory_space<vmem>>, vector<1000x16xf32>
    tpu.vector_store %arg6[%swap3A, %swap3A_25], %mul3A_24 {strides = array<i32>} : memref<1000x16xf32, #tpu.memory_space<vmem>>, vector<1000x16xf32>,
    return
  }
  func.func @transform_0(%arg0: i32) -> (i32, i32) {
    %c0_i32 = arith.constant 0 : i32
    %c0_i32_0 = arith.constant 0 : i32
    return %arg0, %c0_i32 : i32, i32
  }
  func.func @transform_1(%arg0: i32) -> (i32, i32) {
    %c0_i32 = arith.constant 0 : i32
    %c0_i32_0 = arith.constant 0 : i32
    return %arg0, %c0_i32 : i32, i32
  }
  func.func @transform_2(%arg0: i32) -> (i32, i32) {
    %c0_i32 = arith.constant 0 : i32
    %c0_i32_0 = arith.constant 0 : i32
    return %arg0, %c0_i32 : i32, i32
  }
  func.func @transform_3(%arg0: i32) -> (i32, i32) {
    %c0_i32 = arith.constant 0 : i32
    %c0_i32_0 = arith.constant 0 : i32
    %c0_i32_1 = arith.constant 0 : i32
    return %c0_i32, %c0_i32_0 : i32, i32
  }
  func.func @transform_4(%arg0: i32) -> (i32, i32) {
    %c0_i32 = arith.constant 0 : i32
    %c0_i32_0 = arith.constant 0 : i32
    %c0_i32_1 = arith.constant 0 : i32
    return %c0_i32, %c0_i32_0 : i32, i32
  }
  func.func @transform_5(%arg0: i32) -> (i32, i32) {
    %c0_i32 = arith.constant 0 : i32
    %c0_i32_0 = arith.constant 0 : i32
    return %arg0, %c0_i32 : i32, i32
  }
}

module attributes {stable_mosaic.version = 14 : i64} {
  func.func @_tc3_body(%arg0: i32, %arg1: memref<1000x16xf32, #tpu.memory_space<vmem>>, %arg2: memref<1000x16xf32, #tpu.memory_space<vmem>>, %arg3: memref<1000x1xf32, #tpu.memory_space<vmem>>, %arg4: memref<1x16xf32, #tpu.memory_space<vmem>>, %arg5: memref<1000x16xf32, #tpu.memory_space<vmem>>) attributes {dimension_semantics = [#tpu.dimension_semantics<arbitrary>], iteration_bounds = array<i64: 10>, scalar_prefetch = 0 : i64, scratch_operands = 0 : i64, tpu.core_type = #tpu.core_type<tc>, window_params = [{transform_indices = @transform_0, window_bounds = array<i64: 1000, 16>}, {transform_indices = @transform_1, window_bounds = array<i64: 1000, 16>}, {transform_indices = @transform_2, window_bounds = array<i64: 1000, 1>}, {pipeline_mode = #tpu.pipeline_mode<synchronous>, transform_indices = @transform_3, window_bounds = array<i64: 1, 16>}, {transform_indices = @transform_4, window_bounds = array<i64: 1000, 16>}]} {
    %get3A = arith.constant 0 : index
    %get3A_0 = arith.constant 0 : index
    %get3A_1 = vector.load %arg1[%get3A, %get3A_0] : memref<1000x16xf32, #tpu.memory_space<vmem>>, vector<1000x16xf32>
    %get3A_2 = arith.constant 0 : index
    %get3A_3 = arith.constant 0 : index
    %get3A_4 = vector.load %arg2[%get3A_2, %get3A_3] : memref<1000x16xf32, #tpu.memory_space<vmem>>, vector<1000x16xf32>
    %add3A = arith.addf %get3A_1, %get3A_4 : vector<1000x16xf32>
    %get3A_5 = arith.constant 0 : index
    %get3A_6 = arith.constant 0 : index
    %get3A_7 = vector.load %arg3[%get3A_5, %get3A_6] : memref<1000x1xf32, #tpu.memory_space<vmem>>, vector<1000x1xf32>
    %mul3A = vector.broadcast %get3A_7 : vector<1000x1xf32> to vector<1000x16xf32>
    %mul3A_8 = arith.mulf %add3A, %mul3A : vector<1000x16xf32>
    %get3A_9 = arith.constant 0 : index
    %get3A_10 = arith.constant 0 : index
    %get3A_11 = vector.load %arg4[%get3A_9, %get3A_10] : memref<1x16xf32, #tpu.memory_space<vmem>>, vector<1x16xf32>
    %add3A_12 = vector.broadcast %get3A_11 : vector<1x16xf32> to vector<1000x16xf32>
    %add3A_13 = arith.addf %mul3A_8, %add3A_12 : vector<1000x16xf32>
    %reduce_max3A = arith.constant dense<0xFF800000> : vector<1000xf32>
    %reduce_max3A_14 = vector.multi_reduction <maximumf>, %add3A_13, %reduce_max3A [1] : vector<1000x16xf32> to vector<1000xf32>
    %broadcast_in_dim3A = vector.shape_cast %reduce_max3A_14 : vector<1000xf32> to vector<1000x1xf32>
    %sub3A = vector.broadcast %broadcast_in_dim3A : vector<1000x1xf32> to vector<1000x16xf32>
    %sub3A_15 = arith.subf %add3A_13, %sub3A : vector<1000x16xf32>
    %exp3A = math.exp %sub3A_15 : vector<1000x16xf32>
    %reduce_sum3A = arith.constant dense<0.000000e+00> : vector<1000xf32>
    %reduce_sum3A_16 = vector.multi_reduction <add>, %exp3A, %reduce_sum3A [1] : vector<1000x16xf32> to vector<1000xf32>
    %broadcast_in_dim3A_17 = vector.shape_cast %reduce_sum3A_16 : vector<1000xf32> to vector<1000x1xf32>
    %log3A = math.log %broadcast_in_dim3A_17 : vector<1000x1xf32>
    %add3A_18 = arith.addf %log3A, %broadcast_in_dim3A : vector<1000x1xf32>
    %sub3A_19 = vector.broadcast %add3A_18 : vector<1000x1xf32> to vector<1000x16xf32>
    %sub3A_20 = arith.subf %add3A_13, %sub3A_19 : vector<1000x16xf32>
    %swap3A = arith.constant 0 : index
    %swap3A_21 = arith.constant 0 : index
    %swap3A_22 = vector.load %arg5[%swap3A, %swap3A_21] : memref<1000x16xf32, #tpu.memory_space<vmem>>, vector<1000x16xf32>
    tpu.vector_store %arg5[%swap3A, %swap3A_21], %sub3A_20 {strides = array<i32>} : memref<1000x16xf32, #tpu.memory_space<vmem>>, vector<1000x16xf32>,
    return
  }
  func.func @transform_0(%arg0: i32) -> (i32, i32) {
    %c0_i32 = arith.constant 0 : i32
    %c0_i32_0 = arith.constant 0 : i32
    return %arg0, %c0_i32 : i32, i32
  }
  func.func @transform_1(%arg0: i32) -> (i32, i32) {
    %c0_i32 = arith.constant 0 : i32
    %c0_i32_0 = arith.constant 0 : i32
    return %arg0, %c0_i32 : i32, i32
  }
  func.func @transform_2(%arg0: i32) -> (i32, i32) {
    %c0_i32 = arith.constant 0 : i32
    %c0_i32_0 = arith.constant 0 : i32
    return %arg0, %c0_i32 : i32, i32
  }
  func.func @transform_3(%arg0: i32) -> (i32, i32) {
    %c0_i32 = arith.constant 0 : i32
    %c0_i32_0 = arith.constant 0 : i32
    %c0_i32_1 = arith.constant 0 : i32
    return %c0_i32, %c0_i32_0 : i32, i32
  }
  func.func @transform_4(%arg0: i32) -> (i32, i32) {
    %c0_i32 = arith.constant 0 : i32
    %c0_i32_0 = arith.constant 0 : i32
    return %arg0, %c0_i32 : i32, i32
  }
}

</mosaic_0001>

<sc_bundles>
// kernel: kernel.11.cloned.1.call-start
scs
__scs_entry_jumppad:
0x0: {  	(pc) =	sbr.rel $0x88, $3  }
0x1: {  	(tag) =	ssettag $0x0;
	lr =	simm.s32 $0x1  }
0x2: {  	[smem:$0x3F9B] =	sst lr;
	_ =	strace $0xD0000000  }
0x3: {  	_ = 	snop  }
0x4: {  	_ = 	snop  }
0x5: {  	_ = 	snop  }
0x6: {  	_ = 	snop  }
0x7: {  	_ = 	snop  }
__scs_overlays_trampoline_lowered:
0x8: {  	[smem:$0x3FAA] =	sst s0  }
0x9: {  	[smem:$0x3FAB] =	sst s1  }
0xa: {  	[smem:$0x3FAC] =	sst s2  }
0xb: {  	[smem:$0x3FAD] =	sst s3  }
0xc: {  	[smem:$0x3FAE] =	sst s4  }
0xd: {  	[smem:$0x3FAF] =	sst s5  }
0xe: {  	[smem:$0x3FB0] =	sst s6  }
0xf: {  	[smem:$0x3FB1] =	sst s7  }
0x10: {  	[smem:$0x3FB2] =	sst s8  }
0x11: {  	[smem:$0x3FB3] =	sst s9;
	s0 =	simm.s32 @!p0 $0x0  }
0x12: {  	s1 =	sld [smem:$0x3F99];
	s0 =	simm.s32 @p0 $0x1  }
0x13: {  	[smem:$0x3FB4] =	sst s0;
	s0 =	simm.s32 @!p1 $0x0  }
0x14: {  	s2 =	sld [smem:$0x3F98];
	s0 =	simm.s32 @p1 $0x1  }
0x15: {  	[smem:$0x3FB5] =	sst s0;
	s0 =	simm.s32 @!p2 $0x0  }
0x16: {  	s3 =	sld [smem:$0x3FDB];
	s0 =	simm.s32 @p2 $0x1  }
0x17: {  	s4 =	simm.s32 $0x1BF5;
	[smem:$0x3FB7] =	sst s0  }
0x18: {  	s0 =	sld [smem:$0x3F9A];
	_ =	swait.ge [sflag:s4], $0x0  }
0x19: {  	s7 =	sld [smem:$0x3F9B]  }
0x1a: {  	s8 =	sadd.s32 $0xFFFFE003, lr  }
0x1b: {  	s9 =	sadd.s32 $0xFFFFFEF7, lr;
	s5 =	simm.s32 $0xFFFFFFFF;
	p2 =	slt.u32 s8, $0xFFFFF086  }
0x1c: {  	p1 =	slt.u32 s9, $0xF7A;
	s5 =	simm.s32 @!p2 $0x0  }
0x1d: {  	s5 =	simm.s32 @p1 $0x1;
	p0 =	seq.s32 s7, s2  }
0x1e: {  	s7 =	smul.u32 @!p0 $0xF7A, s2;
	p2 =	seq.s32 @!p0 s5, $0x0  }
0x1f: {  	s9 =	smul.u32 $0xF7A, s1;
	s8 =	simm.s32 @!p0 $0x1BF5;
	p2 =	por !p2, p0  }
0x20: {  	[sflag:s8] =	ssyncset.s32 @!p0 $0xFFFFF086;
	s6 =	sadd.s32 @!p0 s3, s7;
	s7 =	simm.s32 @!p0 $0x108  }
0x21: {  	s3 =	sadd.s32 s3, s9;
	s6 =	sadd.s32 @!p0 $0x88, s6;
	s7 =	simm.s32 @p2 $0x1082  }
0x22: {  	[simem:s7], [sflag:s8] =	dma.local @!p0 [hbm:s6], $0xF7A  }
0x23: {  	s9 =	sor.u32 $0xD0000000, s2;
	s6 =	simm.s32 $0x108;
	_ =	swait.ge @!p0 [sflag:s8], $0x0  }
0x24: {  	s3 =	sadd.s32 $0x88, s3;
	s6 =	simm.s32 @!p1 $0x1082;
	[sflag:s4] =	ssyncset.s32 $0xFFFFF086  }
0x25: {  	[simem:s6], [sflag:s4] =	dma.local [hbm:s3], $0xF7A  }
0x26: {  	[smem:$0x3F9B] =	sst s1;
	(tag) =	ssettag s2;
	_ =	strace s9  }
0x27: {  	s1 =	sld [smem:$0x3FAB]  }
0x28: {  	s2 =	sld [smem:$0x3FAC]  }
0x29: {  	s4 =	sld [smem:$0x3FAE]  }
0x2a: {  	p0 =	seq.s32 s5, $0x0;
	s5 =	sld [smem:$0x3FAF]  }
0x2b: {  	s6 =	sld [smem:$0x3FB0]  }
0x2c: {  	s7 =	sld [smem:$0x3FB1]  }
0x2d: {  	s3 =	simm.s32 $0x108;
	s8 =	sld [smem:$0x3FB2]  }
0x2e: {  	s3 =	simm.s32 @!p0 $0x1082;
	s9 =	sld [smem:$0x3FB3]  }
0x2f: {  	lr =	sadd.s32 s0, s3;
	s0 =	sld [smem:$0x3FAA]  }
0x30: {  	s3 =	sld [smem:$0x3FAD]  }
0x31: {  	[smem:$0x3FB6] =	sst s10  }
0x32: {  	s10 =	sld [smem:$0x3FB4];
	_ =	sdelay $0x3  }
0x33: {  	p0 =	seq.s32 s10, $0x1;
	s10 =	sld [smem:$0x3FB6];
	_ =	sdelay $0x3  }
0x34: {  	[smem:$0x3FB6] =	sst s10  }
0x35: {  	s10 =	sld [smem:$0x3FB5];
	_ =	sdelay $0x3  }
0x36: {  	p1 =	seq.s32 s10, $0x1;
	s10 =	sld [smem:$0x3FB6];
	_ =	sdelay $0x3  }
0x37: {  	[smem:$0x3FB6] =	sst s10  }
0x38: {  	s10 =	sld [smem:$0x3FB7]  }
0x39: {  	_ = 	snop;
	(pc) =	sbr.ind lr, $3  }
0x3a: {  	_ = 	snop  }
0x3b: {  	_ = 	snop  }
0x3c: {  	p2 =	seq.s32 s10, $0x1;
	s10 =	sld [smem:$0x3FB6]  }
0x3d: {  	_ =	shalt  }
0x3e: {  	_ =	shalt  }
0x3f: {  	_ =	shalt  }
0x40: {  	_ =	shalt  }
0x41: {  	_ =	shalt  }
0x42: {  	_ =	shalt  }
0x43: {  	_ =	shalt  }
0x44: {  	_ =	shalt  }
0x45: {  	_ =	shalt  }
0x46: {  	_ =	shalt  }
0x47: {  	_ =	shalt  }
0x48: {  	_ =	shalt  }
0x49: {  	_ =	shalt  }
0x4a: {  	_ =	shalt  }
0x4b: {  	_ =	shalt  }
0x4c: {  	_ =	shalt  }
0x4d: {  	_ =	shalt  }
0x4e: {  	_ =	shalt  }
0x4f: {  	_ =	shalt  }
0x50: {  	_ =	shalt  }
0x51: {  	_ =	shalt  }
0x52: {  	_ =	shalt  }
0x53: {  	_ =	shalt  }
0x54: {  	_ =	shalt  }
0x55: {  	_ =	shalt  }
0x56: {  	_ =	shalt  }
0x57: {  	_ =	shalt  }
0x58: {  	_ =	shalt  }
0x59: {  	_ =	shalt  }
0x5a: {  	_ =	shalt  }
0x5b: {  	_ =	shalt  }
0x5c: {  	_ =	shalt  }
0x5d: {  	_ =	shalt  }
0x5e: {  	_ =	shalt  }
0x5f: {  	_ =	shalt  }
0x60: {  	_ =	shalt  }
0x61: {  	_ =	shalt  }
0x62: {  	_ =	shalt  }
0x63: {  	_ =	shalt  }
0x64: {  	_ =	shalt  }
0x65: {  	_ =	shalt  }
0x66: {  	_ =	shalt  }
0x67: {  	_ =	shalt  }
0x68: {  	_ =	shalt  }
0x69: {  	_ =	shalt  }
0x6a: {  	_ =	shalt  }
0x6b: {  	_ =	shalt  }
0x6c: {  	_ =	shalt  }
0x6d: {  	_ =	shalt  }
0x6e: {  	_ =	shalt  }
0x6f: {  	_ =	shalt  }
0x70: {  	_ =	shalt  }
0x71: {  	_ =	shalt  }
0x72: {  	_ =	shalt  }
0x73: {  	_ =	shalt  }
0x74: {  	_ =	shalt  }
0x75: {  	_ =	shalt  }
0x76: {  	_ =	shalt  }
0x77: {  	_ =	shalt  }
0x78: {  	_ =	shalt  }
0x79: {  	_ =	shalt  }
0x7a: {  	_ =	shalt  }
0x7b: {  	_ =	shalt  }
0x7c: {  	_ =	shalt  }
0x7d: {  	_ =	shalt  }
0x7e: {  	_ =	shalt  }
0x7f: {  	_ =	shalt  }
0x80: {  	_ =	shalt  }
0x81: {  	_ =	shalt  }
0x82: {  	_ =	shalt  }
0x83: {  	_ =	shalt  }
0x84: {  	_ =	shalt  }
0x85: {  	_ =	shalt  }
0x86: {  	_ =	shalt  }
0x87: {  	_ =	shalt  }
.Lfunc_end0:
.L_simem_size_0:
called_computation.1_lowered:
.L_overlay_start_0:
0x88: {  	s2 =	sld [smem:$0x3FD9]  }
0x89: {  	s3 =	sld [smem:$0x3FFE];
	_ =	sdelay $0x1  }
0x8a: {  	s1 =	srdreg.scid  }
0x8b: {  	s0 =	sand.u32 $0x1, s1  }
0x8c: {  	s17 =	sshll.u32 s0, $0xA;
	s2 =	sadd.s32 s3, s2  }
0x8d: {  	s2 =	sadd.s32 s2, s17  }
0x8e: {  	[smem:$0x3FC2] =	sst s2  }
0x8f: {  	_ = 	snop  }
0x90: {  	s2 =	sld [smem:$0x3FD0];
	(tm) =	ssettm $0x1  }
0x91: {  	s18 =	sld [smem:$0x3FFB];
	_ =	sdelay $0x3  }
0x92: {  	_ =	strace s18  }
0x93: {  	s3 =	sld [smem:$0x3FFC];
	_ =	sdelay $0x3  }
0x94: {  	_ =	strace s3  }
0x95: {  	s3 =	sld [smem:$0x3FFD];
	_ =	sdelay $0x3  }
0x96: {  	_ =	strace s3  }
0x97: {  	_ =	strace $0x8FFFFFFF  }
0x98: {  	s19 =	sld [smem:$0x3FDB];
	_ =	sdelay $0x1  }
0x99: {  	s4 =	simm.s32 $_scs_section_size  }
0x9a: {  	s5 =	simm.s32 $_size__tile_overlayer_lowered;
	s6 =	simm.s32 $_tile_overlayer_lowered  }
0x9b: {  	s22 =	simm.s32 $0x1BFF;
	s21 =	sshll.u32 s6, $0x1;
	s3 =	sadd.s32 s4, s19  }
0x9c: {  	s7 =	simm.s32 $0x0;
	s20 =	sshll.u32 s5, $0x1;
	s5 =	sadd.s32 s21, s3  }
0x9d: {  	[timem:s7], [sflag:s22] =	dma.local [hbm:s5], s20  }
0x9e: {  	_ =	swait.ge [sflag:s22], s20  }
0x9f: {  	s4 =	ssub.s32 $0x0, s20;
	[sflag:s22] =	ssyncset.done $0x0  }
0xa0: {  	[sflag:s22] =	ssyncadd.s32 s4;
	_ =	sdelay $0x1  }
0xa1: {  	s23 =	simm.s32 $0x1B8B  }
0xa2: {  	_ =	swait.ge [sflag:s23], $0x1  }
0xa3: {  	[sflag:s23] =	ssyncset.done $0x0  }
0xa4: {  	s25 =	simm.s32 $0x1B8E;
	s24 =	sld [smem:$0x3FFE];
	[sflag:s23] =	ssyncadd.s32 $0xFFFFFFFF  }
0xa5: {  	s26 =	simm.s32 $execute0_lowered;
	[smem:$0x3FD2] =	sst s25  }
0xa6: {  	s5 =	sshll.u32 s26, $0x1;
	_ =	strace $0x80000049;
	[dreg:$0x1] =	wrdreg $0xFFFFFFFF  }
0xa7: {  	s28 =	simm.s32 $_size_execute0_lowered;
	s3 =	sadd.s32 s3, s5;
	[dreg:$0x0] =	wrdreg $0x0  }
0xa8: {  	s5 =	sshll.u32 s28, $0x1;
	[dreg:$0x2] =	wrdreg s3  }
0xa9: {  	[dreg:$0x3] =	wrdreg s5  }
0xaa: {  	[dreg:$0x4] =	wrdreg $0xC0  }
0xab: {  	_ =	task [dreg:s7], $0x5FFFF  }
0xac: {  	[dreg:$0x1] =	wrdreg $0xFFFFFFFF  }
0xad: {  	[dreg:$0x0] =	wrdreg $0x60  }
0xae: {  	[dreg:$0x2] =	wrdreg s2  }
0xaf: {  	[dreg:$0x3] =	wrdreg s24  }
0xb0: {  	[dreg:$0x4] =	wrdreg $0x150000  }
0xb1: {  	[dreg:$0x5] =	wrdreg $0x9  }
0xb2: {  	_ =	task.clear_ibuf [dreg:s7], $0x6FFFF;
	_ =	strace $0x90000049  }
0xb3: {  	s29 =	simm.s32 $0x9;
	_ =	strace $0x8000004B  }
0xb4: {  	_ =	swait.ge [sflag:s29], $0x1  }
0xb5: {  	[sflag:s29] =	ssyncadd.s32 $0xFFFFFFFF  }
0xb6: {  	_ =	strace $0x9000004B  }
0xb7: {  	_ =	sfence  }
0xb8: {  	s30 =	sld [smem:$0x0];
	_ =	sdelay $0x2  }
0xb9: {  	s31 =	sshll.u32 s1, $0xD;
	s1 =	sshrl.u32 s1, $0x2  }
0xba: {  	s3 =	sand.u32 $0x4000, s31;
	s1 =	sadd.s32 s1, s30  }
0xbb: {  	s0 =	sor.u32 s3, s0;
	s1 =	sshll.u32 s1, $0x11  }
0xbc: {  	s0 =	sor.u32 s1, s0  }
0xbd: {  	s0 =	sadd.s32 $0x8F2B, s0  }
0xbe: {  	[sflag:s0] =	ssyncadd.remote.s32 $0x1  }
0xbf: {  	_ =	sfence.sel $0xFFFF  }
0xc0: {  	[dreg:$0x0] =	wrdreg $0xFFFFFFFF;
	(pc) =	sbr.abs _section_cstart, $3  }
0xc1: {  	[dreg:$0x1] =	wrdreg $0xFFFFFFFF  }
0xc2: {  	_ =	task.clear_ibuf [dreg:s7], $0x2FFFF;
	_ =	strace $0x9FFFFFFF  }
0xc3: {  	(tm) =	ssettm $0x7FFFFFFF  }
tec
execute0_lowered:
.L_overlay_start_1:
0x0: {  	(tag) =	ssettag $0x1  }
0x1: {  	s1 =	srdreg.scid  }
0x2: {  	s1 =	sand.u32 $0x1, s1  }
0x3: {  	p0 =	seq.s32 s1, $0x1  }
.Ltmp0:
0x4: {  	s6 =	rddreg [dreg:$0x0];
	(pc) =	sbr.rel @p0 .LBB2_5-.Ltmp0, $4  }
0x5: {  	s11 =	rddreg [dreg:$0x1]  }
0x6: {  	s2 =	rddreg [dreg:$0x2];
	s5 =	simm.s32 $0x0  }
0x7: {  	[smem:$0x7FF] =	sst s5  }
0x8: {  	s0 =	rddreg [dreg:$0x3];
	_ =	strace $0x8000004A;
	s1 =	stileid.u32  }
0x9: {  	s13 =	smul.u32 $0x14000, s1;
	_ =	sdelay $0x1  }
0xa: {  	s3 =	sshrl.u32 s13, $0x1  }
0xb: {  	s21 =	sshll.u32 s1, $0x6;
	s4 =	sadd.s32 s3, s2  }
0xc: {  	s3 =	sor.u32 $0x1C09, s21;
	s4 =	sshrl.u32 s4, $0x3  }
0xd: {  	[spmem:s4], [sflag:s3] =	dma.local [hbm:s6], $0x1400  }
0xe: {  	s6 =	simm.s32 $0x9  }
0xf: {  	s7 =	smul.u32 $0x500, s1;
	_ =	swait.ge [sflag:s6], $0x1400  }
0x10: {  	s8 =	sadd.s32 $0x6A00, s11;
	[sflag:s6] =	ssyncset.done $0x0  }
0x11: {  	s8 =	sadd.s32 s8, s7;
	[sflag:s6] =	ssyncadd.s32 $0xFFFFEC00  }
0x12: {  	[tilespmem:s5], [sflag:$0x9] =	stream.linear.gather [hbm4b:s8+s5], $0x2800, $0x38;
	[tilespmem:$0x1F000] =	vst v63  }
0x13: {  	_ =	swait.ge [sflag:s6], $0x2800  }
0x14: {  	s22 =	sadd.s32 $0xBA00, s11;
	[sflag:s6] =	ssyncset.done $0x0  }
0x15: {  	s23 =	simm.s32 $0x2800;
	s7 =	sadd.s32 s22, s7;
	[sflag:s6] =	ssyncadd.s32 $0xFFFFD800  }
0x16: {  	[tilespmem:s23], [sflag:$0x9] =	stream.linear.gather [hbm4b:s7+s5], $0x2800, $0x38;
	[tilespmem:$0x1F000] =	vst v63  }
0x17: {  	_ =	swait.ge [sflag:s6], $0x2800  }
0x18: {  	[sflag:s6] =	ssyncset.done $0x0  }
0x19: {  	s9 =	simm.s32 $0x5000;
	[sflag:s6] =	ssyncadd.s32 $0xFFFFD800  }
0x1a: {  	s8 =	simm.s32 $0x80;
	s7 =	sadd.s32 $0x10A00, s11;
	[bflag:$0x0] =	sbarrier.arrive $0xFFFF  }
0x1b: {  	[tilespmem:s9], [sflag:$0x1] =	stream.indirect.gather [hbm4b:s7+s8], $0x40, s5, s8, $0xb8;
	[tilespmem:$0x1F000] =	vst v63  }
0x1c: {  	s10 =	simm.s32 $0x7000;
	s12 =	simm.s32 $0x100;
	s24 =	simm.s32 $0x180  }
0x1d: {  	[tilespmem:s10], [sflag:$0x2] =	stream.indirect.gather [hbm4b:s7+s8], $0x40, s8, s8, $0xb8;
	[tilespmem:$0x1F000] =	vst v63  }
0x1e: {  	s14 =	simm.s32 $0xB000;
	s25 =	simm.s32 $0x200;
	s10 =	simm.s32 $0x9000  }
0x1f: {  	[tilespmem:s10], [sflag:$0x3] =	stream.indirect.gather [hbm4b:s7+s8], $0x40, s12, s8, $0xb8;
	[tilespmem:$0x1F000] =	vst v63  }
0x20: {  	s26 =	simm.s32 $0x280;
	s15 =	simm.s32 $0xF000;
	s29 =	simm.s32 $0x300  }
0x21: {  	[tilespmem:s14], [sflag:$0x4] =	stream.indirect.gather [hbm4b:s7+s8], $0x40, s24, s8, $0xb8;
	[tilespmem:$0x1F000] =	vst v63  }
0x22: {  	s31 =	simm.s32 $0x380;
	s16 =	simm.s32 $0x3;
	s12 =	simm.s32 $0xD000  }
0x23: {  	[tilespmem:s12], [sflag:$0x5] =	stream.indirect.gather [hbm4b:s7+s8], $0x40, s25, s8, $0xb8;
	[tilespmem:$0x1F000] =	vst v63  }
0x24: {  	s17 =	simm.s32 $0x5;
	s18 =	simm.s32 $0x7;
	s28 =	sshrl.u32 s13, $0x4  }
0x25: {  	[tilespmem:s15], [sflag:$0x6] =	stream.indirect.gather [hbm4b:s7+s8], $0x40, s26, s8, $0xb8;
	[tilespmem:$0x1F000] =	vst v63  }
0x26: {  	s19 =	simm.s32 $0x8;
	s13 =	simm.s32 $0x11000;
	s30 =	sadd.s32 s28, s11  }
0x27: {  	[tilespmem:s13], [sflag:$0x7] =	stream.indirect.gather [hbm4b:s7+s8], $0x40, s29, s8, $0xb8;
	[tilespmem:$0x1F000] =	vst v63  }
0x28: {  	s11 =	sadd.s32 $0x24400, s30;
	s14 =	simm.s32 $0x13000;
	s15 =	simm.s32 $0x1  }
0x29: {  	[tilespmem:s14], [sflag:$0x8] =	stream.indirect.gather [hbm4b:s7+s8], $0x40, s31, s8, $0xb8;
	[tilespmem:$0x1F000] =	vst v63  }
.LBB2_2:
0x2a: {  	_ =	swait.ge [sflag:s15], $0x2000  }
0x2b: {  	s20 =	sshra.s32 s5, $0x2;
	[sflag:s15] =	ssyncset.done $0x0  }
0x2c: {  	s21 =	sadd.s32 $0x2800, s20;
	[sflag:s15] =	ssyncadd.s32 $0xFFFFE000  }
0x2d: {  	[spmem:s2] =	stream.indirect.scatter.add.bf16 [tilespmem:s9], [sflag:$0x9], $0x40, s21, s8, $0xb8;
	[tilespmem:$0x1F000] =	vst v63  }
0x2e: {  	_ =	swait.ge [sflag:s6], $0x2000  }
0x2f: {  	p0 =	seq.s32 s5, $0x9000;
	[sflag:s6] =	ssyncset.done $0x0  }
0x30: {  	s21 =	simm.s32 @p0 $0x2;
	[sflag:s6] =	ssyncadd.s32 $0xFFFFE000  }
0x31: {  	s23 =	sshra.s32 @p0 s5, $0x2;
	_ =	swait.ge @p0 [sflag:s21], $0x2000  }
0x32: {  	s24 =	simm.s32 @p0 $0x80;
	s22 =	simm.s32 @p0 $0x7000;
	[sflag:s21] =	ssyncset.done @p0 $0x0  }
0x33: {  	s25 =	simm.s32 @p0 $0x9;
	[sflag:s21] =	ssyncadd.s32 @p0 $0xFFFFE000;
	s21 =	sadd.s32 @p0 $0x2880, s23  }
0x34: {  	[spmem:s2] =	stream.indirect.scatter.add.bf16 @p0 [tilespmem:s22], [sflag:$0x9], $0x40, s21, s24, $0xb8;
	[tilespmem:$0x1F000] =	vst v63  }
0x35: {  	_ =	swait.ge @p0 [sflag:s25], $0x2000  }
0x36: {  	s28 =	simm.s32 @!p0 $0x5000;
	s21 =	sshra.s32 @!p0 s5, $0x2;
	[sflag:s25] =	ssyncset.done @p0 $0x0  }
0x37: {  	s22 =	simm.s32 @!p0 $0x80;
	s26 =	sadd.s32 @!p0 $0x400, s21;
	[sflag:s25] =	ssyncadd.s32 @p0 $0xFFFFE000  }
0x38: {  	[tilespmem:s28], [sflag:$0x1] =	stream.indirect.gather @!p0 [hbm4b:s7+s22], $0x40, s26, s22, $0xb8;
	[tilespmem:$0x1F000] =	vst v63  }
0x39: {  	s26 =	simm.s32 @!p0 $0x2  }
0x3a: {  	_ =	swait.ge @!p0 [sflag:s26], $0x2000  }
0x3b: {  	[sflag:s26] =	ssyncset.done @!p0 $0x0  }
0x3c: {  	s28 =	simm.s32 @!p0 $0x7000;
	[sflag:s26] =	ssyncadd.s32 @!p0 $0xFFFFE000;
	s26 =	sadd.s32 @!p0 $0x2880, s21  }
0x3d: {  	[spmem:s2] =	stream.indirect.scatter.add.bf16 @!p0 [tilespmem:s28], [sflag:$0x9], $0x40, s26, s22, $0xb8;
	[tilespmem:$0x1F000] =	vst v63  }
0x3e: {  	s26 =	simm.s32 @!p0 $0x9  }
0x3f: {  	_ =	swait.ge @!p0 [sflag:s26], $0x2000  }
0x40: {  	[sflag:s26] =	ssyncset.done @!p0 $0x0  }
0x41: {  	s29 =	sadd.s32 @!p0 $0x480, s21;
	[sflag:s26] =	ssyncadd.s32 @!p0 $0xFFFFE000  }
0x42: {  	[tilespmem:s28], [sflag:$0x2] =	stream.indirect.gather @!p0 [hbm4b:s7+s22], $0x40, s29, s22, $0xb8;
	[tilespmem:$0x1F000] =	vst v63  }
0x43: {  	_ =	swait.ge [sflag:s16], $0x2000  }
0x44: {  	[sflag:s16] =	ssyncset.done $0x0  }
0x45: {  	s29 =	sadd.s32 $0x2900, s20;
	[sflag:s16] =	ssyncadd.s32 $0xFFFFE000  }
0x46: {  	[spmem:s2] =	stream.indirect.scatter.add.bf16 [tilespmem:s10], [sflag:$0x9], $0x40, s29, s8, $0xb8;
	[tilespmem:$0x1F000] =	vst v63  }
0x47: {  	_ =	swait.ge [sflag:s6], $0x2000  }
0x48: {  	[sflag:s6] =	ssyncset.done $0x0  }
0x49: {  	s28 =	simm.s32 @p0 $0x4;
	[sflag:s6] =	ssyncadd.s32 $0xFFFFE000  }
0x4a: {  	_ =	swait.ge @p0 [sflag:s28], $0x2000  }
0x4b: {  	[sflag:s28] =	ssyncset.done @p0 $0x0  }
0x4c: {  	s29 =	simm.s32 @p0 $0xB000;
	[sflag:s28] =	ssyncadd.s32 @p0 $0xFFFFE000;
	s28 =	sadd.s32 @p0 $0x2980, s23  }
0x4d: {  	[spmem:s2] =	stream.indirect.scatter.add.bf16 @p0 [tilespmem:s29], [sflag:$0x9], $0x40, s28, s24, $0xb8;
	[tilespmem:$0x1F000] =	vst v63  }
0x4e: {  	_ =	swait.ge @p0 [sflag:s25], $0x2000  }
0x4f: {  	[sflag:s25] =	ssyncset.done @p0 $0x0  }
0x50: {  	s28 =	sadd.s32 @!p0 $0x500, s21;
	s29 =	simm.s32 @!p0 $0x9000;
	[sflag:s25] =	ssyncadd.s32 @p0 $0xFFFFE000  }
0x51: {  	[tilespmem:s29], [sflag:$0x3] =	stream.indirect.gather @!p0 [hbm4b:s7+s22], $0x40, s28, s22, $0xb8;
	[tilespmem:$0x1F000] =	vst v63  }
0x52: {  	s28 =	simm.s32 @!p0 $0x4  }
0x53: {  	_ =	swait.ge @!p0 [sflag:s28], $0x2000  }
0x54: {  	[sflag:s28] =	ssyncset.done @!p0 $0x0  }
0x55: {  	s29 =	simm.s32 @!p0 $0xB000;
	[sflag:s28] =	ssyncadd.s32 @!p0 $0xFFFFE000;
	s28 =	sadd.s32 @!p0 $0x2980, s21  }
0x56: {  	[spmem:s2] =	stream.indirect.scatter.add.bf16 @!p0 [tilespmem:s29], [sflag:$0x9], $0x40, s28, s22, $0xb8;
	[tilespmem:$0x1F000] =	vst v63  }
0x57: {  	_ =	swait.ge @!p0 [sflag:s26], $0x2000  }
0x58: {  	[sflag:s26] =	ssyncset.done @!p0 $0x0  }
0x59: {  	s28 =	sadd.s32 @!p0 $0x580, s21;
	[sflag:s26] =	ssyncadd.s32 @!p0 $0xFFFFE000  }
0x5a: {  	[tilespmem:s29], [sflag:$0x4] =	stream.indirect.gather @!p0 [hbm4b:s7+s22], $0x40, s28, s22, $0xb8;
	[tilespmem:$0x1F000] =	vst v63  }
0x5b: {  	_ =	swait.ge [sflag:s17], $0x2000  }
0x5c: {  	[sflag:s17] =	ssyncset.done $0x0  }
0x5d: {  	s30 =	sadd.s32 $0x2A00, s20;
	[sflag:s17] =	ssyncadd.s32 $0xFFFFE000  }
0x5e: {  	[spmem:s2] =	stream.indirect.scatter.add.bf16 [tilespmem:s12], [sflag:$0x9], $0x40, s30, s8, $0xb8;
	[tilespmem:$0x1F000] =	vst v63  }
0x5f: {  	_ =	swait.ge [sflag:s6], $0x2000  }
0x60: {  	[sflag:s6] =	ssyncset.done $0x0  }
0x61: {  	s28 =	simm.s32 @p0 $0x6;
	[sflag:s6] =	ssyncadd.s32 $0xFFFFE000  }
0x62: {  	_ =	swait.ge @p0 [sflag:s28], $0x2000  }
0x63: {  	[sflag:s28] =	ssyncset.done @p0 $0x0  }
0x64: {  	s23 =	sadd.s32 @p0 $0x2A80, s23;
	[sflag:s28] =	ssyncadd.s32 @p0 $0xFFFFE000;
	s28 =	simm.s32 @p0 $0xF000  }
0x65: {  	[spmem:s2] =	stream.indirect.scatter.add.bf16 @p0 [tilespmem:s28], [sflag:$0x9], $0x40, s23, s24, $0xb8;
	[tilespmem:$0x1F000] =	vst v63  }
0x66: {  	_ =	swait.ge @p0 [sflag:s25], $0x2000  }
0x67: {  	[sflag:s25] =	ssyncset.done @p0 $0x0  }
0x68: {  	s23 =	sadd.s32 @!p0 $0x600, s21;
	s24 =	simm.s32 @!p0 $0xD000;
	[sflag:s25] =	ssyncadd.s32 @p0 $0xFFFFE000  }
0x69: {  	[tilespmem:s24], [sflag:$0x5] =	stream.indirect.gather @!p0 [hbm4b:s7+s22], $0x40, s23, s22, $0xb8;
	[tilespmem:$0x1F000] =	vst v63  }
0x6a: {  	s23 =	simm.s32 @!p0 $0x6  }
0x6b: {  	_ =	swait.ge @!p0 [sflag:s23], $0x2000  }
0x6c: {  	[sflag:s23] =	ssyncset.done @!p0 $0x0  }
0x6d: {  	s24 =	simm.s32 @!p0 $0xF000;
	[sflag:s23] =	ssyncadd.s32 @!p0 $0xFFFFE000;
	s23 =	sadd.s32 @!p0 $0x2A80, s21  }
0x6e: {  	[spmem:s2] =	stream.indirect.scatter.add.bf16 @!p0 [tilespmem:s24], [sflag:$0x9], $0x40, s23, s22, $0xb8;
	[tilespmem:$0x1F000] =	vst v63  }
0x6f: {  	_ =	swait.ge @!p0 [sflag:s26], $0x2000  }
0x70: {  	[sflag:s26] =	ssyncset.done @!p0 $0x0  }
0x71: {  	s21 =	sadd.s32 @!p0 $0x680, s21;
	[sflag:s26] =	ssyncadd.s32 @!p0 $0xFFFFE000  }
0x72: {  	[tilespmem:s24], [sflag:$0x6] =	stream.indirect.gather @!p0 [hbm4b:s7+s22], $0x40, s21, s22, $0xb8;
	[tilespmem:$0x1F000] =	vst v63  }
0x73: {  	_ =	swait.ge [sflag:s18], $0x2000  }
0x74: {  	[sflag:s18] =	ssyncset.done $0x0  }
.Ltmp1:
0x75: {  	s31 =	sadd.s32 $0x2B00, s20;
	[sflag:s18] =	ssyncadd.s32 $0xFFFFE000;
	(pc) =	sbr.rel @p0 .LBB2_4-.Ltmp1, $4  }
0x76: {  	[spmem:s2] =	stream.indirect.scatter.add.bf16 [tilespmem:s13], [sflag:$0x9], $0x40, s31, s8, $0xb8;
	[tilespmem:$0x1F000] =	vst v63  }
0x77: {  	_ =	swait.ge [sflag:s6], $0x2000  }
0x78: {  	[sflag:s6] =	ssyncset.done $0x0  }
0x79: {  	[sflag:s6] =	ssyncadd.s32 $0xFFFFE000  }
0x7a: {  	s21 =	sadd.s32 $0x700, s20  }
0x7b: {  	[tilespmem:s13], [sflag:$0x7] =	stream.indirect.gather [hbm4b:s7+s8], $0x40, s21, s8, $0xb8;
	[tilespmem:$0x1F000] =	vst v63  }
0x7c: {  	_ =	swait.ge [sflag:s19], $0x2000  }
0x7d: {  	[sflag:s19] =	ssyncset.done $0x0  }
0x7e: {  	s30 =	sadd.s32 $0x2B80, s20;
	[sflag:s19] =	ssyncadd.s32 $0xFFFFE000  }
0x7f: {  	[spmem:s2] =	stream.indirect.scatter.add.bf16 [tilespmem:s14], [sflag:$0x9], $0x40, s30, s8, $0xb8;
	[tilespmem:$0x1F000] =	vst v63  }
.Ltmp2:
0x80: {  	_ = 	snop;
	(pc) =	sbr.rel .LBB2_2-.Ltmp2, $4  }
0x81: {  	_ =	swait.ge [sflag:s6], $0x2000  }
0x82: {  	[sflag:s6] =	ssyncset.done $0x0  }
0x83: {  	s31 =	sadd.s32 $0x780, s20;
	s5 =	sadd.s32 $0x1000, s5;
	[sflag:s6] =	ssyncadd.s32 $0xFFFFE000  }
0x84: {  	[tilespmem:s14], [sflag:$0x8] =	stream.indirect.gather [hbm4b:s7+s8], $0x40, s31, s8, $0xb8;
	[tilespmem:$0x1F000] =	vst v63  }
.LBB2_4:
0x85: {  	s5 =	simm.s32 $0x8  }
0x86: {  	_ =	swait.ge [sflag:s5], $0x2000  }
0x87: {  	s30 =	sadd.s32 $0x2B80, s20;
	s6 =	simm.s32 $0x80;
	[sflag:s5] =	ssyncset.done $0x0  }
0x88: {  	s7 =	simm.s32 $0x13000;
	s31 =	simm.s32 $0x9;
	[sflag:s5] =	ssyncadd.s32 $0xFFFFE000  }
0x89: {  	[spmem:s2] =	stream.indirect.scatter.add.bf16 [tilespmem:s7], [sflag:$0x9], $0x40, s30, s6, $0xb8;
	[tilespmem:$0x1F000] =	vst v63  }
0x8a: {  	_ =	swait.ge [sflag:s31], $0x2000  }
0x8b: {  	[sflag:s31] =	ssyncset.done $0x0  }
0x8c: {  	[sflag:s31] =	ssyncadd.s32 $0xFFFFE000  }
0x8d: {  	[bflag:$0x0] =	sbarrier.arrive $0xFFFF  }
0x8e: {  	[hbm:s11], [sflag:s3] =	dma.local [spmem:s4], $0x1400  }
0x8f: {  	_ =	swait.ge [sflag:s31], $0x1400  }
0x90: {  	[sflag:s31] =	ssyncset.done $0x0  }
0x91: {  	[sflag:s31] =	ssyncadd.s32 $0xFFFFEC00  }
.LBB2_5:
0x92: {  	_ =	sfence.sel $0x180000  }
0x93: {  	[bflag:$0x0] =	sbarrier.arrive $0xFFFF  }
0x94: {  	p0 =	sne.s32 s1, $0x0;
	_ =	strace $0x9000004A  }
0x95: {  	s0 =	sadd.s32 @!p0 $0x100000, s0;
	[bflag:$0x2] =	sbarrier.arrive $0xFFFF  }
0x96: {  	[sflag:s0] =	ssyncadd.tile.s32 @!p0 $0x1;
	_ =	shalt  }
.Lfunc_end2:
_tile_overlayer_lowered:
.L_overlay_start_2:
0x97: {  	(tag) =	ssettag $0x2  }
0x98: {  	s0 =	rddreg [dreg:$0x0];
	s2 =	stileid.u32  }
0x99: {  	s1 =	rddreg [dreg:$0x1];
	p0 =	sne.s32 s2, $0x0  }
0x9a: {  	s3 =	rddreg [dreg:$0x2];
	[bflag:$0x3] =	sbarrier.arrive $0xFFFF;
	s2 =	simm.s32 @!p0 $0x1C09  }
0x9b: {  	[timem:s3], [sflag:s2] =	dma.local @!p0 [hbm:s0], s1  }
0x9c: {  	s0 =	simm.s32 @!p0 $0x9  }
0x9d: {  	_ =	swait.ge @!p0 [sflag:s0], s1  }
0x9e: {  	s1 =	ssub.s32 @!p0 $0x0, s1;
	[sflag:s0] =	ssyncset.done @!p0 $0x0  }
0x9f: {  	[sflag:s0] =	ssyncadd.s32 @!p0 s1  }
0xa0: {  	[bflag:$0x3] =	sbarrier.arrive $0xFFFF  }
0xa1: {  	_ =	shalt  }

// kernel: kernel.14.cloned.1.call-start
scs
__scs_entry_jumppad:
0x0: {  	(pc) =	sbr.rel $0x88, $3  }
0x1: {  	(tag) =	ssettag $0x0;
	lr =	simm.s32 $0x1  }
0x2: {  	[smem:$0x3F9B] =	sst lr;
	_ =	strace $0xD0000000  }
0x3: {  	_ = 	snop  }
0x4: {  	_ = 	snop  }
0x5: {  	_ = 	snop  }
0x6: {  	_ = 	snop  }
0x7: {  	_ = 	snop  }
__scs_overlays_trampoline_lowered:
0x8: {  	[smem:$0x3FAA] =	sst s0  }
0x9: {  	[smem:$0x3FAB] =	sst s1  }
0xa: {  	[smem:$0x3FAC] =	sst s2  }
0xb: {  	[smem:$0x3FAD] =	sst s3  }
0xc: {  	[smem:$0x3FAE] =	sst s4  }
0xd: {  	[smem:$0x3FAF] =	sst s5  }
0xe: {  	[smem:$0x3FB0] =	sst s6  }
0xf: {  	[smem:$0x3FB1] =	sst s7  }
0x10: {  	[smem:$0x3FB2] =	sst s8  }
0x11: {  	[smem:$0x3FB3] =	sst s9;
	s0 =	simm.s32 @!p0 $0x0  }
0x12: {  	s1 =	sld [smem:$0x3F99];
	s0 =	simm.s32 @p0 $0x1  }
0x13: {  	[smem:$0x3FB4] =	sst s0;
	s0 =	simm.s32 @!p1 $0x0  }
0x14: {  	s2 =	sld [smem:$0x3F98];
	s0 =	simm.s32 @p1 $0x1  }
0x15: {  	[smem:$0x3FB5] =	sst s0;
	s0 =	simm.s32 @!p2 $0x0  }
0x16: {  	s3 =	sld [smem:$0x3FDB];
	s0 =	simm.s32 @p2 $0x1  }
0x17: {  	s4 =	simm.s32 $0x1BF5;
	[smem:$0x3FB7] =	sst s0  }
0x18: {  	s0 =	sld [smem:$0x3F9A];
	_ =	swait.ge [sflag:s4], $0x0  }
0x19: {  	s7 =	sld [smem:$0x3F9B]  }
0x1a: {  	s8 =	sadd.s32 $0xFFFFE003, lr  }
0x1b: {  	s9 =	sadd.s32 $0xFFFFFEF7, lr;
	s5 =	simm.s32 $0xFFFFFFFF;
	p2 =	slt.u32 s8, $0xFFFFF086  }
0x1c: {  	p1 =	slt.u32 s9, $0xF7A;
	s5 =	simm.s32 @!p2 $0x0  }
0x1d: {  	s5 =	simm.s32 @p1 $0x1;
	p0 =	seq.s32 s7, s2  }
0x1e: {  	s7 =	smul.u32 @!p0 $0xF7A, s2;
	p2 =	seq.s32 @!p0 s5, $0x0  }
0x1f: {  	s9 =	smul.u32 $0xF7A, s1;
	s8 =	simm.s32 @!p0 $0x1BF5;
	p2 =	por !p2, p0  }
0x20: {  	[sflag:s8] =	ssyncset.s32 @!p0 $0xFFFFF086;
	s6 =	sadd.s32 @!p0 s3, s7;
	s7 =	simm.s32 @!p0 $0x108  }
0x21: {  	s3 =	sadd.s32 s3, s9;
	s6 =	sadd.s32 @!p0 $0x88, s6;
	s7 =	simm.s32 @p2 $0x1082  }
0x22: {  	[simem:s7], [sflag:s8] =	dma.local @!p0 [hbm:s6], $0xF7A  }
0x23: {  	s9 =	sor.u32 $0xD0000000, s2;
	s6 =	simm.s32 $0x108;
	_ =	swait.ge @!p0 [sflag:s8], $0x0  }
0x24: {  	s3 =	sadd.s32 $0x88, s3;
	s6 =	simm.s32 @!p1 $0x1082;
	[sflag:s4] =	ssyncset.s32 $0xFFFFF086  }
0x25: {  	[simem:s6], [sflag:s4] =	dma.local [hbm:s3], $0xF7A  }
0x26: {  	[smem:$0x3F9B] =	sst s1;
	(tag) =	ssettag s2;
	_ =	strace s9  }
0x27: {  	s1 =	sld [smem:$0x3FAB]  }
0x28: {  	s2 =	sld [smem:$0x3FAC]  }
0x29: {  	s4 =	sld [smem:$0x3FAE]  }
0x2a: {  	p0 =	seq.s32 s5, $0x0;
	s5 =	sld [smem:$0x3FAF]  }
0x2b: {  	s6 =	sld [smem:$0x3FB0]  }
0x2c: {  	s7 =	sld [smem:$0x3FB1]  }
0x2d: {  	s3 =	simm.s32 $0x108;
	s8 =	sld [smem:$0x3FB2]  }
0x2e: {  	s3 =	simm.s32 @!p0 $0x1082;
	s9 =	sld [smem:$0x3FB3]  }
0x2f: {  	lr =	sadd.s32 s0, s3;
	s0 =	sld [smem:$0x3FAA]  }
0x30: {  	s3 =	sld [smem:$0x3FAD]  }
0x31: {  	[smem:$0x3FB6] =	sst s10  }
0x32: {  	s10 =	sld [smem:$0x3FB4];
	_ =	sdelay $0x3  }
0x33: {  	p0 =	seq.s32 s10, $0x1;
	s10 =	sld [smem:$0x3FB6];
	_ =	sdelay $0x3  }
0x34: {  	[smem:$0x3FB6] =	sst s10  }
0x35: {  	s10 =	sld [smem:$0x3FB5];
	_ =	sdelay $0x3  }
0x36: {  	p1 =	seq.s32 s10, $0x1;
	s10 =	sld [smem:$0x3FB6];
	_ =	sdelay $0x3  }
0x37: {  	[smem:$0x3FB6] =	sst s10  }
0x38: {  	s10 =	sld [smem:$0x3FB7]  }
0x39: {  	_ = 	snop;
	(pc) =	sbr.ind lr, $3  }
0x3a: {  	_ = 	snop  }
0x3b: {  	_ = 	snop  }
0x3c: {  	p2 =	seq.s32 s10, $0x1;
	s10 =	sld [smem:$0x3FB6]  }
0x3d: {  	_ =	shalt  }
0x3e: {  	_ =	shalt  }
0x3f: {  	_ =	shalt  }
0x40: {  	_ =	shalt  }
0x41: {  	_ =	shalt  }
0x42: {  	_ =	shalt  }
0x43: {  	_ =	shalt  }
0x44: {  	_ =	shalt  }
0x45: {  	_ =	shalt  }
0x46: {  	_ =	shalt  }
0x47: {  	_ =	shalt  }
0x48: {  	_ =	shalt  }
0x49: {  	_ =	shalt  }
0x4a: {  	_ =	shalt  }
0x4b: {  	_ =	shalt  }
0x4c: {  	_ =	shalt  }
0x4d: {  	_ =	shalt  }
0x4e: {  	_ =	shalt  }
0x4f: {  	_ =	shalt  }
0x50: {  	_ =	shalt  }
0x51: {  	_ =	shalt  }
0x52: {  	_ =	shalt  }
0x53: {  	_ =	shalt  }
0x54: {  	_ =	shalt  }
0x55: {  	_ =	shalt  }
0x56: {  	_ =	shalt  }
0x57: {  	_ =	shalt  }
0x58: {  	_ =	shalt  }
0x59: {  	_ =	shalt  }
0x5a: {  	_ =	shalt  }
0x5b: {  	_ =	shalt  }
0x5c: {  	_ =	shalt  }
0x5d: {  	_ =	shalt  }
0x5e: {  	_ =	shalt  }
0x5f: {  	_ =	shalt  }
0x60: {  	_ =	shalt  }
0x61: {  	_ =	shalt  }
0x62: {  	_ =	shalt  }
0x63: {  	_ =	shalt  }
0x64: {  	_ =	shalt  }
0x65: {  	_ =	shalt  }
0x66: {  	_ =	shalt  }
0x67: {  	_ =	shalt  }
0x68: {  	_ =	shalt  }
0x69: {  	_ =	shalt  }
0x6a: {  	_ =	shalt  }
0x6b: {  	_ =	shalt  }
0x6c: {  	_ =	shalt  }
0x6d: {  	_ =	shalt  }
0x6e: {  	_ =	shalt  }
0x6f: {  	_ =	shalt  }
0x70: {  	_ =	shalt  }
0x71: {  	_ =	shalt  }
0x72: {  	_ =	shalt  }
0x73: {  	_ =	shalt  }
0x74: {  	_ =	shalt  }
0x75: {  	_ =	shalt  }
0x76: {  	_ =	shalt  }
0x77: {  	_ =	shalt  }
0x78: {  	_ =	shalt  }
0x79: {  	_ =	shalt  }
0x7a: {  	_ =	shalt  }
0x7b: {  	_ =	shalt  }
0x7c: {  	_ =	shalt  }
0x7d: {  	_ =	shalt  }
0x7e: {  	_ =	shalt  }
0x7f: {  	_ =	shalt  }
0x80: {  	_ =	shalt  }
0x81: {  	_ =	shalt  }
0x82: {  	_ =	shalt  }
0x83: {  	_ =	shalt  }
0x84: {  	_ =	shalt  }
0x85: {  	_ =	shalt  }
0x86: {  	_ =	shalt  }
0x87: {  	_ =	shalt  }
.Lfunc_end0:
.L_simem_size_0:
called_computation.2_lowered:
.L_overlay_start_0:
0x88: {  	s2 =	sld [smem:$0x3FD9]  }
0x89: {  	s3 =	sld [smem:$0x3FFE];
	_ =	sdelay $0x1  }
0x8a: {  	s1 =	srdreg.scid  }
0x8b: {  	s0 =	sand.u32 $0x1, s1  }
0x8c: {  	s17 =	sshll.u32 s0, $0xA;
	s2 =	sadd.s32 s3, s2  }
0x8d: {  	s2 =	sadd.s32 s2, s17  }
0x8e: {  	[smem:$0x3FC2] =	sst s2  }
0x8f: {  	_ = 	snop  }
0x90: {  	s2 =	sld [smem:$0x3FD0];
	(tm) =	ssettm $0x1  }
0x91: {  	s18 =	sld [smem:$0x3FFB];
	_ =	sdelay $0x3  }
0x92: {  	_ =	strace s18  }
0x93: {  	s3 =	sld [smem:$0x3FFC];
	_ =	sdelay $0x3  }
0x94: {  	_ =	strace s3  }
0x95: {  	s3 =	sld [smem:$0x3FFD];
	_ =	sdelay $0x3  }
0x96: {  	_ =	strace s3  }
0x97: {  	_ =	strace $0x8FFFFFFF  }
0x98: {  	s19 =	sld [smem:$0x3FDB];
	_ =	sdelay $0x1  }
0x99: {  	s4 =	simm.s32 $_scs_section_size  }
0x9a: {  	s5 =	simm.s32 $_size__tile_overlayer_lowered;
	s6 =	simm.s32 $_tile_overlayer_lowered  }
0x9b: {  	s22 =	simm.s32 $0x1BFF;
	s21 =	sshll.u32 s6, $0x1;
	s3 =	sadd.s32 s4, s19  }
0x9c: {  	s7 =	simm.s32 $0x0;
	s20 =	sshll.u32 s5, $0x1;
	s5 =	sadd.s32 s21, s3  }
0x9d: {  	[timem:s7], [sflag:s22] =	dma.local [hbm:s5], s20  }
0x9e: {  	_ =	swait.ge [sflag:s22], s20  }
0x9f: {  	s4 =	ssub.s32 $0x0, s20;
	[sflag:s22] =	ssyncset.done $0x0  }
0xa0: {  	[sflag:s22] =	ssyncadd.s32 s4;
	_ =	sdelay $0x1  }
0xa1: {  	s23 =	simm.s32 $0x1B8B  }
0xa2: {  	_ =	swait.ge [sflag:s23], $0x1  }
0xa3: {  	[sflag:s23] =	ssyncset.done $0x0  }
0xa4: {  	s25 =	simm.s32 $0x1B8E;
	s24 =	sld [smem:$0x3FFE];
	[sflag:s23] =	ssyncadd.s32 $0xFFFFFFFF  }
0xa5: {  	s26 =	simm.s32 $execute0_lowered;
	[smem:$0x3FD2] =	sst s25  }
0xa6: {  	s5 =	sshll.u32 s26, $0x1;
	_ =	strace $0x8000004C;
	[dreg:$0x1] =	wrdreg $0xFFFFFFFF  }
0xa7: {  	s28 =	simm.s32 $_size_execute0_lowered;
	s3 =	sadd.s32 s3, s5;
	[dreg:$0x0] =	wrdreg $0x0  }
0xa8: {  	s5 =	sshll.u32 s28, $0x1;
	[dreg:$0x2] =	wrdreg s3  }
0xa9: {  	[dreg:$0x3] =	wrdreg s5  }
0xaa: {  	[dreg:$0x4] =	wrdreg $0xC0  }
0xab: {  	_ =	task [dreg:s7], $0x5FFFF  }
0xac: {  	[dreg:$0x1] =	wrdreg $0xFFFFFFFF  }
0xad: {  	[dreg:$0x0] =	wrdreg $0x60  }
0xae: {  	[dreg:$0x2] =	wrdreg s24  }
0xaf: {  	[dreg:$0x3] =	wrdreg s2  }
0xb0: {  	[dreg:$0x4] =	wrdreg $0x90000  }
0xb1: {  	[dreg:$0x5] =	wrdreg $0x9  }
0xb2: {  	_ =	task.clear_ibuf [dreg:s7], $0x6FFFF;
	_ =	strace $0x9000004C  }
0xb3: {  	s29 =	simm.s32 $0x9;
	_ =	strace $0x8000004E  }
0xb4: {  	_ =	swait.ge [sflag:s29], $0x1  }
0xb5: {  	[sflag:s29] =	ssyncadd.s32 $0xFFFFFFFF  }
0xb6: {  	_ =	strace $0x9000004E  }
0xb7: {  	_ =	sfence  }
0xb8: {  	s30 =	sld [smem:$0x0];
	_ =	sdelay $0x2  }
0xb9: {  	s31 =	sshll.u32 s1, $0xD;
	s1 =	sshrl.u32 s1, $0x2  }
0xba: {  	s3 =	sand.u32 $0x4000, s31;
	s1 =	sadd.s32 s1, s30  }
0xbb: {  	s0 =	sor.u32 s3, s0;
	s1 =	sshll.u32 s1, $0x11  }
0xbc: {  	s0 =	sor.u32 s1, s0  }
0xbd: {  	s0 =	sadd.s32 $0x8F2B, s0  }
0xbe: {  	[sflag:s0] =	ssyncadd.remote.s32 $0x1  }
0xbf: {  	_ =	sfence.sel $0xFFFF  }
0xc0: {  	[dreg:$0x0] =	wrdreg $0xFFFFFFFF;
	(pc) =	sbr.abs _section_cstart, $3  }
0xc1: {  	[dreg:$0x1] =	wrdreg $0xFFFFFFFF  }
0xc2: {  	_ =	task.clear_ibuf [dreg:s7], $0x2FFFF;
	_ =	strace $0x9FFFFFFF  }
0xc3: {  	(tm) =	ssettm $0x7FFFFFFF  }
tec
execute0_lowered:
.L_overlay_start_1:
0x0: {  	(tag) =	ssettag $0x1  }
0x1: {  	s1 =	srdreg.scid  }
0x2: {  	s1 =	sand.u32 $0x1, s1  }
0x3: {  	p0 =	seq.s32 s1, $0x1  }
.Ltmp0:
0x4: {  	s11 =	rddreg [dreg:$0x0];
	(pc) =	sbr.rel @p0 .LBB2_5-.Ltmp0, $4  }
0x5: {  	s3 =	rddreg [dreg:$0x1]  }
0x6: {  	s2 =	rddreg [dreg:$0x2];
	s6 =	simm.s32 $0x0  }
0x7: {  	[smem:$0x7FF] =	sst s6  }
0x8: {  	s0 =	rddreg [dreg:$0x3];
	_ =	strace $0x8000004D;
	s1 =	stileid.u32  }
0x9: {  	s13 =	smul.u32 $0x2800, s1;
	_ =	sdelay $0x1  }
0xa: {  	s4 =	sshll.u32 s1, $0x6;
	s5 =	sadd.s32 s13, s2  }
0xb: {  	s7 =	sadd.s32 $0xE00, s11;
	s4 =	sor.u32 $0x1C09, s4;
	s5 =	sshrl.u32 s5, $0x3  }
0xc: {  	[spmem:s5], [sflag:s4] =	dma.local [hbm:s7], $0x500  }
0xd: {  	s7 =	simm.s32 $0x9  }
0xe: {  	s8 =	smul.u32 $0x500, s1;
	_ =	swait.ge [sflag:s7], $0x500  }
0xf: {  	s9 =	sadd.s32 $0x6A00, s11;
	[sflag:s7] =	ssyncset.done $0x0  }
0x10: {  	s9 =	sadd.s32 s9, s8;
	[sflag:s7] =	ssyncadd.s32 $0xFFFFFB00  }
0x11: {  	[tilespmem:s6], [sflag:$0x9] =	stream.linear.gather [hbm4b:s9+s6], $0x2800, $0x38;
	[tilespmem:$0xB800] =	vst v63  }
0x12: {  	_ =	swait.ge [sflag:s7], $0x2800  }
0x13: {  	s22 =	sadd.s32 $0xBA00, s11;
	[sflag:s7] =	ssyncset.done $0x0  }
0x14: {  	s23 =	simm.s32 $0x2800;
	s8 =	sadd.s32 s22, s8;
	[sflag:s7] =	ssyncadd.s32 $0xFFFFD800  }
0x15: {  	[tilespmem:s23], [sflag:$0x9] =	stream.linear.gather [hbm4b:s8+s6], $0x2800, $0x38;
	[tilespmem:$0xB800] =	vst v63  }
0x16: {  	_ =	swait.ge [sflag:s7], $0x2800  }
0x17: {  	[sflag:s7] =	ssyncset.done $0x0  }
0x18: {  	[sflag:s7] =	ssyncadd.s32 $0xFFFFD800  }
0x19: {  	s9 =	simm.s32 $0x5000;
	s8 =	simm.s32 $0x80;
	[bflag:$0x0] =	sbarrier.arrive $0xFFFF  }
0x1a: {  	[tilespmem:s9], [sflag:$0x1] =	stream.indirect.gather [hbm4b:s3+s8], $0x10, s6, s8, $0xb8;
	[tilespmem:$0xB800] =	vst v63  }
0x1b: {  	s10 =	simm.s32 $0x5800;
	s12 =	simm.s32 $0x100;
	s24 =	simm.s32 $0x180  }
0x1c: {  	[tilespmem:s10], [sflag:$0x2] =	stream.indirect.gather [hbm4b:s3+s8], $0x10, s8, s8, $0xb8;
	[tilespmem:$0xB800] =	vst v63  }
0x1d: {  	s14 =	simm.s32 $0x6800;
	s25 =	simm.s32 $0x200;
	s10 =	simm.s32 $0x6000  }
0x1e: {  	[tilespmem:s10], [sflag:$0x3] =	stream.indirect.gather [hbm4b:s3+s8], $0x10, s12, s8, $0xb8;
	[tilespmem:$0xB800] =	vst v63  }
0x1f: {  	s26 =	simm.s32 $0x280;
	s15 =	simm.s32 $0x7800;
	s29 =	simm.s32 $0x300  }
0x20: {  	[tilespmem:s14], [sflag:$0x4] =	stream.indirect.gather [hbm4b:s3+s8], $0x10, s24, s8, $0xb8;
	[tilespmem:$0xB800] =	vst v63  }
0x21: {  	s31 =	simm.s32 $0x380;
	s16 =	simm.s32 $0x3;
	s12 =	simm.s32 $0x7000  }
0x22: {  	[tilespmem:s12], [sflag:$0x5] =	stream.indirect.gather [hbm4b:s3+s8], $0x10, s25, s8, $0xb8;
	[tilespmem:$0xB800] =	vst v63  }
0x23: {  	s17 =	simm.s32 $0x5;
	s18 =	simm.s32 $0x7;
	s28 =	sshrl.u32 s13, $0x3  }
0x24: {  	[tilespmem:s15], [sflag:$0x6] =	stream.indirect.gather [hbm4b:s3+s8], $0x10, s26, s8, $0xb8;
	[tilespmem:$0xB800] =	vst v63  }
0x25: {  	s19 =	simm.s32 $0x8;
	s13 =	simm.s32 $0x8000;
	s30 =	sadd.s32 s28, s11  }
0x26: {  	[tilespmem:s13], [sflag:$0x7] =	stream.indirect.gather [hbm4b:s3+s8], $0x10, s29, s8, $0xb8;
	[tilespmem:$0xB800] =	vst v63  }
0x27: {  	s11 =	sadd.s32 $0x1400, s30;
	s14 =	simm.s32 $0x8800;
	s15 =	simm.s32 $0x1  }
0x28: {  	[tilespmem:s14], [sflag:$0x8] =	stream.indirect.gather [hbm4b:s3+s8], $0x10, s31, s8, $0xb8;
	[tilespmem:$0xB800] =	vst v63  }
.LBB2_2:
0x29: {  	_ =	swait.ge [sflag:s15], $0x800  }
0x2a: {  	s20 =	sshra.s32 s6, $0x2;
	[sflag:s15] =	ssyncset.done $0x0  }
0x2b: {  	s21 =	sadd.s32 $0x2800, s20;
	[sflag:s15] =	ssyncadd.s32 $0xFFFFF800  }
0x2c: {  	[spmem:s2] =	stream.indirect.scatter.add.f32 [tilespmem:s9], [sflag:$0x9], $0x10, s21, s8, $0xb8;
	[tilespmem:$0xB800] =	vst v63  }
0x2d: {  	_ =	swait.ge [sflag:s7], $0x800  }
0x2e: {  	p0 =	seq.s32 s6, $0x9000;
	[sflag:s7] =	ssyncset.done $0x0  }
0x2f: {  	s21 =	simm.s32 @p0 $0x2;
	[sflag:s7] =	ssyncadd.s32 $0xFFFFF800  }
0x30: {  	s23 =	sshra.s32 @p0 s6, $0x2;
	_ =	swait.ge @p0 [sflag:s21], $0x800  }
0x31: {  	s24 =	simm.s32 @p0 $0x80;
	s22 =	simm.s32 @p0 $0x5800;
	[sflag:s21] =	ssyncset.done @p0 $0x0  }
0x32: {  	s25 =	simm.s32 @p0 $0x9;
	[sflag:s21] =	ssyncadd.s32 @p0 $0xFFFFF800;
	s21 =	sadd.s32 @p0 $0x2880, s23  }
0x33: {  	[spmem:s2] =	stream.indirect.scatter.add.f32 @p0 [tilespmem:s22], [sflag:$0x9], $0x10, s21, s24, $0xb8;
	[tilespmem:$0xB800] =	vst v63  }
0x34: {  	_ =	swait.ge @p0 [sflag:s25], $0x800  }
0x35: {  	s28 =	simm.s32 @!p0 $0x5000;
	s21 =	sshra.s32 @!p0 s6, $0x2;
	[sflag:s25] =	ssyncset.done @p0 $0x0  }
0x36: {  	s22 =	simm.s32 @!p0 $0x80;
	s26 =	sadd.s32 @!p0 $0x400, s21;
	[sflag:s25] =	ssyncadd.s32 @p0 $0xFFFFF800  }
0x37: {  	[tilespmem:s28], [sflag:$0x1] =	stream.indirect.gather @!p0 [hbm4b:s3+s22], $0x10, s26, s22, $0xb8;
	[tilespmem:$0xB800] =	vst v63  }
0x38: {  	s26 =	simm.s32 @!p0 $0x2  }
0x39: {  	_ =	swait.ge @!p0 [sflag:s26], $0x800  }
0x3a: {  	[sflag:s26] =	ssyncset.done @!p0 $0x0  }
0x3b: {  	s28 =	simm.s32 @!p0 $0x5800;
	[sflag:s26] =	ssyncadd.s32 @!p0 $0xFFFFF800;
	s26 =	sadd.s32 @!p0 $0x2880, s21  }
0x3c: {  	[spmem:s2] =	stream.indirect.scatter.add.f32 @!p0 [tilespmem:s28], [sflag:$0x9], $0x10, s26, s22, $0xb8;
	[tilespmem:$0xB800] =	vst v63  }
0x3d: {  	s26 =	simm.s32 @!p0 $0x9  }
0x3e: {  	_ =	swait.ge @!p0 [sflag:s26], $0x800  }
0x3f: {  	[sflag:s26] =	ssyncset.done @!p0 $0x0  }
0x40: {  	s29 =	sadd.s32 @!p0 $0x480, s21;
	[sflag:s26] =	ssyncadd.s32 @!p0 $0xFFFFF800  }
0x41: {  	[tilespmem:s28], [sflag:$0x2] =	stream.indirect.gather @!p0 [hbm4b:s3+s22], $0x10, s29, s22, $0xb8;
	[tilespmem:$0xB800] =	vst v63  }
0x42: {  	_ =	swait.ge [sflag:s16], $0x800  }
0x43: {  	[sflag:s16] =	ssyncset.done $0x0  }
0x44: {  	s29 =	sadd.s32 $0x2900, s20;
	[sflag:s16] =	ssyncadd.s32 $0xFFFFF800  }
0x45: {  	[spmem:s2] =	stream.indirect.scatter.add.f32 [tilespmem:s10], [sflag:$0x9], $0x10, s29, s8, $0xb8;
	[tilespmem:$0xB800] =	vst v63  }
0x46: {  	_ =	swait.ge [sflag:s7], $0x800  }
0x47: {  	[sflag:s7] =	ssyncset.done $0x0  }
0x48: {  	s28 =	simm.s32 @p0 $0x4;
	[sflag:s7] =	ssyncadd.s32 $0xFFFFF800  }
0x49: {  	_ =	swait.ge @p0 [sflag:s28], $0x800  }
0x4a: {  	[sflag:s28] =	ssyncset.done @p0 $0x0  }
0x4b: {  	s29 =	simm.s32 @p0 $0x6800;
	[sflag:s28] =	ssyncadd.s32 @p0 $0xFFFFF800;
	s28 =	sadd.s32 @p0 $0x2980, s23  }
0x4c: {  	[spmem:s2] =	stream.indirect.scatter.add.f32 @p0 [tilespmem:s29], [sflag:$0x9], $0x10, s28, s24, $0xb8;
	[tilespmem:$0xB800] =	vst v63  }
0x4d: {  	_ =	swait.ge @p0 [sflag:s25], $0x800  }
0x4e: {  	[sflag:s25] =	ssyncset.done @p0 $0x0  }
0x4f: {  	s28 =	sadd.s32 @!p0 $0x500, s21;
	s29 =	simm.s32 @!p0 $0x6000;
	[sflag:s25] =	ssyncadd.s32 @p0 $0xFFFFF800  }
0x50: {  	[tilespmem:s29], [sflag:$0x3] =	stream.indirect.gather @!p0 [hbm4b:s3+s22], $0x10, s28, s22, $0xb8;
	[tilespmem:$0xB800] =	vst v63  }
0x51: {  	s28 =	simm.s32 @!p0 $0x4  }
0x52: {  	_ =	swait.ge @!p0 [sflag:s28], $0x800  }
0x53: {  	[sflag:s28] =	ssyncset.done @!p0 $0x0  }
0x54: {  	s29 =	simm.s32 @!p0 $0x6800;
	[sflag:s28] =	ssyncadd.s32 @!p0 $0xFFFFF800;
	s28 =	sadd.s32 @!p0 $0x2980, s21  }
0x55: {  	[spmem:s2] =	stream.indirect.scatter.add.f32 @!p0 [tilespmem:s29], [sflag:$0x9], $0x10, s28, s22, $0xb8;
	[tilespmem:$0xB800] =	vst v63  }
0x56: {  	_ =	swait.ge @!p0 [sflag:s26], $0x800  }
0x57: {  	[sflag:s26] =	ssyncset.done @!p0 $0x0  }
0x58: {  	s28 =	sadd.s32 @!p0 $0x580, s21;
	[sflag:s26] =	ssyncadd.s32 @!p0 $0xFFFFF800  }
0x59: {  	[tilespmem:s29], [sflag:$0x4] =	stream.indirect.gather @!p0 [hbm4b:s3+s22], $0x10, s28, s22, $0xb8;
	[tilespmem:$0xB800] =	vst v63  }
0x5a: {  	_ =	swait.ge [sflag:s17], $0x800  }
0x5b: {  	[sflag:s17] =	ssyncset.done $0x0  }
0x5c: {  	s30 =	sadd.s32 $0x2A00, s20;
	[sflag:s17] =	ssyncadd.s32 $0xFFFFF800  }
0x5d: {  	[spmem:s2] =	stream.indirect.scatter.add.f32 [tilespmem:s12], [sflag:$0x9], $0x10, s30, s8, $0xb8;
	[tilespmem:$0xB800] =	vst v63  }
0x5e: {  	_ =	swait.ge [sflag:s7], $0x800  }
0x5f: {  	[sflag:s7] =	ssyncset.done $0x0  }
0x60: {  	s28 =	simm.s32 @p0 $0x6;
	[sflag:s7] =	ssyncadd.s32 $0xFFFFF800  }
0x61: {  	_ =	swait.ge @p0 [sflag:s28], $0x800  }
0x62: {  	[sflag:s28] =	ssyncset.done @p0 $0x0  }
0x63: {  	s23 =	sadd.s32 @p0 $0x2A80, s23;
	[sflag:s28] =	ssyncadd.s32 @p0 $0xFFFFF800;
	s28 =	simm.s32 @p0 $0x7800  }
0x64: {  	[spmem:s2] =	stream.indirect.scatter.add.f32 @p0 [tilespmem:s28], [sflag:$0x9], $0x10, s23, s24, $0xb8;
	[tilespmem:$0xB800] =	vst v63  }
0x65: {  	_ =	swait.ge @p0 [sflag:s25], $0x800  }
0x66: {  	[sflag:s25] =	ssyncset.done @p0 $0x0  }
0x67: {  	s23 =	sadd.s32 @!p0 $0x600, s21;
	s24 =	simm.s32 @!p0 $0x7000;
	[sflag:s25] =	ssyncadd.s32 @p0 $0xFFFFF800  }
0x68: {  	[tilespmem:s24], [sflag:$0x5] =	stream.indirect.gather @!p0 [hbm4b:s3+s22], $0x10, s23, s22, $0xb8;
	[tilespmem:$0xB800] =	vst v63  }
0x69: {  	s23 =	simm.s32 @!p0 $0x6  }
0x6a: {  	_ =	swait.ge @!p0 [sflag:s23], $0x800  }
0x6b: {  	[sflag:s23] =	ssyncset.done @!p0 $0x0  }
0x6c: {  	s24 =	simm.s32 @!p0 $0x7800;
	[sflag:s23] =	ssyncadd.s32 @!p0 $0xFFFFF800;
	s23 =	sadd.s32 @!p0 $0x2A80, s21  }
0x6d: {  	[spmem:s2] =	stream.indirect.scatter.add.f32 @!p0 [tilespmem:s24], [sflag:$0x9], $0x10, s23, s22, $0xb8;
	[tilespmem:$0xB800] =	vst v63  }
0x6e: {  	_ =	swait.ge @!p0 [sflag:s26], $0x800  }
0x6f: {  	[sflag:s26] =	ssyncset.done @!p0 $0x0  }
0x70: {  	s21 =	sadd.s32 @!p0 $0x680, s21;
	[sflag:s26] =	ssyncadd.s32 @!p0 $0xFFFFF800  }
0x71: {  	[tilespmem:s24], [sflag:$0x6] =	stream.indirect.gather @!p0 [hbm4b:s3+s22], $0x10, s21, s22, $0xb8;
	[tilespmem:$0xB800] =	vst v63  }
0x72: {  	_ =	swait.ge [sflag:s18], $0x800  }
0x73: {  	[sflag:s18] =	ssyncset.done $0x0  }
.Ltmp1:
0x74: {  	s31 =	sadd.s32 $0x2B00, s20;
	[sflag:s18] =	ssyncadd.s32 $0xFFFFF800;
	(pc) =	sbr.rel @p0 .LBB2_4-.Ltmp1, $4  }
0x75: {  	[spmem:s2] =	stream.indirect.scatter.add.f32 [tilespmem:s13], [sflag:$0x9], $0x10, s31, s8, $0xb8;
	[tilespmem:$0xB800] =	vst v63  }
0x76: {  	_ =	swait.ge [sflag:s7], $0x800  }
0x77: {  	[sflag:s7] =	ssyncset.done $0x0  }
0x78: {  	[sflag:s7] =	ssyncadd.s32 $0xFFFFF800  }
0x79: {  	s21 =	sadd.s32 $0x700, s20  }
0x7a: {  	[tilespmem:s13], [sflag:$0x7] =	stream.indirect.gather [hbm4b:s3+s8], $0x10, s21, s8, $0xb8;
	[tilespmem:$0xB800] =	vst v63  }
0x7b: {  	_ =	swait.ge [sflag:s19], $0x800  }
0x7c: {  	[sflag:s19] =	ssyncset.done $0x0  }
0x7d: {  	s30 =	sadd.s32 $0x2B80, s20;
	[sflag:s19] =	ssyncadd.s32 $0xFFFFF800  }
0x7e: {  	[spmem:s2] =	stream.indirect.scatter.add.f32 [tilespmem:s14], [sflag:$0x9], $0x10, s30, s8, $0xb8;
	[tilespmem:$0xB800] =	vst v63  }
.Ltmp2:
0x7f: {  	_ = 	snop;
	(pc) =	sbr.rel .LBB2_2-.Ltmp2, $4  }
0x80: {  	_ =	swait.ge [sflag:s7], $0x800  }
0x81: {  	[sflag:s7] =	ssyncset.done $0x0  }
0x82: {  	s31 =	sadd.s32 $0x780, s20;
	s6 =	sadd.s32 $0x1000, s6;
	[sflag:s7] =	ssyncadd.s32 $0xFFFFF800  }
0x83: {  	[tilespmem:s14], [sflag:$0x8] =	stream.indirect.gather [hbm4b:s3+s8], $0x10, s31, s8, $0xb8;
	[tilespmem:$0xB800] =	vst v63  }
.LBB2_4:
0x84: {  	s3 =	simm.s32 $0x8  }
0x85: {  	_ =	swait.ge [sflag:s3], $0x800  }
0x86: {  	s30 =	sadd.s32 $0x2B80, s20;
	s6 =	simm.s32 $0x80;
	[sflag:s3] =	ssyncset.done $0x0  }
0x87: {  	s7 =	simm.s32 $0x8800;
	s31 =	simm.s32 $0x9;
	[sflag:s3] =	ssyncadd.s32 $0xFFFFF800  }
0x88: {  	[spmem:s2] =	stream.indirect.scatter.add.f32 [tilespmem:s7], [sflag:$0x9], $0x10, s30, s6, $0xb8;
	[tilespmem:$0xB800] =	vst v63  }
0x89: {  	_ =	swait.ge [sflag:s31], $0x800  }
0x8a: {  	[sflag:s31] =	ssyncset.done $0x0  }
0x8b: {  	[sflag:s31] =	ssyncadd.s32 $0xFFFFF800  }
0x8c: {  	[bflag:$0x0] =	sbarrier.arrive $0xFFFF  }
0x8d: {  	[hbm:s11], [sflag:s4] =	dma.local [spmem:s5], $0x500  }
0x8e: {  	_ =	swait.ge [sflag:s31], $0x500  }
0x8f: {  	[sflag:s31] =	ssyncset.done $0x0  }
0x90: {  	[sflag:s31] =	ssyncadd.s32 $0xFFFFFB00  }
.LBB2_5:
0x91: {  	_ =	sfence.sel $0x180000  }
0x92: {  	[bflag:$0x0] =	sbarrier.arrive $0xFFFF  }
0x93: {  	p0 =	sne.s32 s1, $0x0;
	_ =	strace $0x9000004D  }
0x94: {  	s0 =	sadd.s32 @!p0 $0x100000, s0;
	[bflag:$0x2] =	sbarrier.arrive $0xFFFF  }
0x95: {  	[sflag:s0] =	ssyncadd.tile.s32 @!p0 $0x1;
	_ =	shalt  }
.Lfunc_end2:
_tile_overlayer_lowered:
.L_overlay_start_2:
0x96: {  	(tag) =	ssettag $0x2  }
0x97: {  	s0 =	rddreg [dreg:$0x0];
	s2 =	stileid.u32  }
0x98: {  	s1 =	rddreg [dreg:$0x1];
	p0 =	sne.s32 s2, $0x0  }
0x99: {  	s3 =	rddreg [dreg:$0x2];
	[bflag:$0x3] =	sbarrier.arrive $0xFFFF;
	s2 =	simm.s32 @!p0 $0x1C09  }
0x9a: {  	[timem:s3], [sflag:s2] =	dma.local @!p0 [hbm:s0], s1  }
0x9b: {  	s0 =	simm.s32 @!p0 $0x9  }
0x9c: {  	_ =	swait.ge @!p0 [sflag:s0], s1  }
0x9d: {  	s1 =	ssub.s32 @!p0 $0x0, s1;
	[sflag:s0] =	ssyncset.done @!p0 $0x0  }
0x9e: {  	[sflag:s0] =	ssyncadd.s32 @!p0 s1  }
0x9f: {  	[bflag:$0x3] =	sbarrier.arrive $0xFFFF  }
0xa0: {  	_ =	shalt  }

// kernel: kernel.8.cloned.1.call-start
scs
__scs_entry_jumppad:
0x0: {  	(pc) =	sbr.rel $0x88, $3  }
0x1: {  	(tag) =	ssettag $0x0;
	lr =	simm.s32 $0x1  }
0x2: {  	[smem:$0x3F9B] =	sst lr;
	_ =	strace $0xD0000000  }
0x3: {  	_ = 	snop  }
0x4: {  	_ = 	snop  }
0x5: {  	_ = 	snop  }
0x6: {  	_ = 	snop  }
0x7: {  	_ = 	snop  }
__scs_overlays_trampoline_lowered:
0x8: {  	[smem:$0x3FAA] =	sst s0  }
0x9: {  	[smem:$0x3FAB] =	sst s1  }
0xa: {  	[smem:$0x3FAC] =	sst s2  }
0xb: {  	[smem:$0x3FAD] =	sst s3  }
0xc: {  	[smem:$0x3FAE] =	sst s4  }
0xd: {  	[smem:$0x3FAF] =	sst s5  }
0xe: {  	[smem:$0x3FB0] =	sst s6  }
0xf: {  	[smem:$0x3FB1] =	sst s7  }
0x10: {  	[smem:$0x3FB2] =	sst s8  }
0x11: {  	[smem:$0x3FB3] =	sst s9;
	s0 =	simm.s32 @!p0 $0x0  }
0x12: {  	s1 =	sld [smem:$0x3F99];
	s0 =	simm.s32 @p0 $0x1  }
0x13: {  	[smem:$0x3FB4] =	sst s0;
	s0 =	simm.s32 @!p1 $0x0  }
0x14: {  	s2 =	sld [smem:$0x3F98];
	s0 =	simm.s32 @p1 $0x1  }
0x15: {  	[smem:$0x3FB5] =	sst s0;
	s0 =	simm.s32 @!p2 $0x0  }
0x16: {  	s3 =	sld [smem:$0x3FDB];
	s0 =	simm.s32 @p2 $0x1  }
0x17: {  	s4 =	simm.s32 $0x1BF5;
	[smem:$0x3FB7] =	sst s0  }
0x18: {  	s0 =	sld [smem:$0x3F9A];
	_ =	swait.ge [sflag:s4], $0x0  }
0x19: {  	s7 =	sld [smem:$0x3F9B]  }
0x1a: {  	s8 =	sadd.s32 $0xFFFFE003, lr  }
0x1b: {  	s9 =	sadd.s32 $0xFFFFFEF7, lr;
	s5 =	simm.s32 $0xFFFFFFFF;
	p2 =	slt.u32 s8, $0xFFFFF086  }
0x1c: {  	p1 =	slt.u32 s9, $0xF7A;
	s5 =	simm.s32 @!p2 $0x0  }
0x1d: {  	s5 =	simm.s32 @p1 $0x1;
	p0 =	seq.s32 s7, s2  }
0x1e: {  	s7 =	smul.u32 @!p0 $0xF7A, s2;
	p2 =	seq.s32 @!p0 s5, $0x0  }
0x1f: {  	s9 =	smul.u32 $0xF7A, s1;
	s8 =	simm.s32 @!p0 $0x1BF5;
	p2 =	por !p2, p0  }
0x20: {  	[sflag:s8] =	ssyncset.s32 @!p0 $0xFFFFF086;
	s6 =	sadd.s32 @!p0 s3, s7;
	s7 =	simm.s32 @!p0 $0x108  }
0x21: {  	s3 =	sadd.s32 s3, s9;
	s6 =	sadd.s32 @!p0 $0x88, s6;
	s7 =	simm.s32 @p2 $0x1082  }
0x22: {  	[simem:s7], [sflag:s8] =	dma.local @!p0 [hbm:s6], $0xF7A  }
0x23: {  	s9 =	sor.u32 $0xD0000000, s2;
	s6 =	simm.s32 $0x108;
	_ =	swait.ge @!p0 [sflag:s8], $0x0  }
0x24: {  	s3 =	sadd.s32 $0x88, s3;
	s6 =	simm.s32 @!p1 $0x1082;
	[sflag:s4] =	ssyncset.s32 $0xFFFFF086  }
0x25: {  	[simem:s6], [sflag:s4] =	dma.local [hbm:s3], $0xF7A  }
0x26: {  	[smem:$0x3F9B] =	sst s1;
	(tag) =	ssettag s2;
	_ =	strace s9  }
0x27: {  	s1 =	sld [smem:$0x3FAB]  }
0x28: {  	s2 =	sld [smem:$0x3FAC]  }
0x29: {  	s4 =	sld [smem:$0x3FAE]  }
0x2a: {  	p0 =	seq.s32 s5, $0x0;
	s5 =	sld [smem:$0x3FAF]  }
0x2b: {  	s6 =	sld [smem:$0x3FB0]  }
0x2c: {  	s7 =	sld [smem:$0x3FB1]  }
0x2d: {  	s3 =	simm.s32 $0x108;
	s8 =	sld [smem:$0x3FB2]  }
0x2e: {  	s3 =	simm.s32 @!p0 $0x1082;
	s9 =	sld [smem:$0x3FB3]  }
0x2f: {  	lr =	sadd.s32 s0, s3;
	s0 =	sld [smem:$0x3FAA]  }
0x30: {  	s3 =	sld [smem:$0x3FAD]  }
0x31: {  	[smem:$0x3FB6] =	sst s10  }
0x32: {  	s10 =	sld [smem:$0x3FB4];
	_ =	sdelay $0x3  }
0x33: {  	p0 =	seq.s32 s10, $0x1;
	s10 =	sld [smem:$0x3FB6];
	_ =	sdelay $0x3  }
0x34: {  	[smem:$0x3FB6] =	sst s10  }
0x35: {  	s10 =	sld [smem:$0x3FB5];
	_ =	sdelay $0x3  }
0x36: {  	p1 =	seq.s32 s10, $0x1;
	s10 =	sld [smem:$0x3FB6];
	_ =	sdelay $0x3  }
0x37: {  	[smem:$0x3FB6] =	sst s10  }
0x38: {  	s10 =	sld [smem:$0x3FB7]  }
0x39: {  	_ = 	snop;
	(pc) =	sbr.ind lr, $3  }
0x3a: {  	_ = 	snop  }
0x3b: {  	_ = 	snop  }
0x3c: {  	p2 =	seq.s32 s10, $0x1;
	s10 =	sld [smem:$0x3FB6]  }
0x3d: {  	_ =	shalt  }
0x3e: {  	_ =	shalt  }
0x3f: {  	_ =	shalt  }
0x40: {  	_ =	shalt  }
0x41: {  	_ =	shalt  }
0x42: {  	_ =	shalt  }
0x43: {  	_ =	shalt  }
0x44: {  	_ =	shalt  }
0x45: {  	_ =	shalt  }
0x46: {  	_ =	shalt  }
0x47: {  	_ =	shalt  }
0x48: {  	_ =	shalt  }
0x49: {  	_ =	shalt  }
0x4a: {  	_ =	shalt  }
0x4b: {  	_ =	shalt  }
0x4c: {  	_ =	shalt  }
0x4d: {  	_ =	shalt  }
0x4e: {  	_ =	shalt  }
0x4f: {  	_ =	shalt  }
0x50: {  	_ =	shalt  }
0x51: {  	_ =	shalt  }
0x52: {  	_ =	shalt  }
0x53: {  	_ =	shalt  }
0x54: {  	_ =	shalt  }
0x55: {  	_ =	shalt  }
0x56: {  	_ =	shalt  }
0x57: {  	_ =	shalt  }
0x58: {  	_ =	shalt  }
0x59: {  	_ =	shalt  }
0x5a: {  	_ =	shalt  }
0x5b: {  	_ =	shalt  }
0x5c: {  	_ =	shalt  }
0x5d: {  	_ =	shalt  }
0x5e: {  	_ =	shalt  }
0x5f: {  	_ =	shalt  }
0x60: {  	_ =	shalt  }
0x61: {  	_ =	shalt  }
0x62: {  	_ =	shalt  }
0x63: {  	_ =	shalt  }
0x64: {  	_ =	shalt  }
0x65: {  	_ =	shalt  }
0x66: {  	_ =	shalt  }
0x67: {  	_ =	shalt  }
0x68: {  	_ =	shalt  }
0x69: {  	_ =	shalt  }
0x6a: {  	_ =	shalt  }
0x6b: {  	_ =	shalt  }
0x6c: {  	_ =	shalt  }
0x6d: {  	_ =	shalt  }
0x6e: {  	_ =	shalt  }
0x6f: {  	_ =	shalt  }
0x70: {  	_ =	shalt  }
0x71: {  	_ =	shalt  }
0x72: {  	_ =	shalt  }
0x73: {  	_ =	shalt  }
0x74: {  	_ =	shalt  }
0x75: {  	_ =	shalt  }
0x76: {  	_ =	shalt  }
0x77: {  	_ =	shalt  }
0x78: {  	_ =	shalt  }
0x79: {  	_ =	shalt  }
0x7a: {  	_ =	shalt  }
0x7b: {  	_ =	shalt  }
0x7c: {  	_ =	shalt  }
0x7d: {  	_ =	shalt  }
0x7e: {  	_ =	shalt  }
0x7f: {  	_ =	shalt  }
0x80: {  	_ =	shalt  }
0x81: {  	_ =	shalt  }
0x82: {  	_ =	shalt  }
0x83: {  	_ =	shalt  }
0x84: {  	_ =	shalt  }
0x85: {  	_ =	shalt  }
0x86: {  	_ =	shalt  }
0x87: {  	_ =	shalt  }
.Lfunc_end0:
.L_simem_size_0:
called_computation_lowered:
.L_overlay_start_0:
0x88: {  	s2 =	sld [smem:$0x3FD9]  }
0x89: {  	s3 =	sld [smem:$0x3FFE];
	_ =	sdelay $0x1  }
0x8a: {  	s1 =	srdreg.scid  }
0x8b: {  	s0 =	sand.u32 $0x1, s1  }
0x8c: {  	s16 =	sshll.u32 s0, $0xA;
	s2 =	sadd.s32 s3, s2  }
0x8d: {  	s2 =	sadd.s32 s2, s16  }
0x8e: {  	[smem:$0x3FC2] =	sst s2  }
0x8f: {  	_ = 	snop  }
0x90: {  	(tm) =	ssettm $0x1  }
0x91: {  	s17 =	sld [smem:$0x3FFB];
	_ =	sdelay $0x3  }
0x92: {  	_ =	strace s17  }
0x93: {  	s2 =	sld [smem:$0x3FFC];
	_ =	sdelay $0x3  }
0x94: {  	_ =	strace s2  }
0x95: {  	s2 =	sld [smem:$0x3FFD];
	_ =	sdelay $0x3  }
0x96: {  	_ =	strace s2  }
0x97: {  	_ =	strace $0x8FFFFFFF  }
0x98: {  	s18 =	sld [smem:$0x3FDB];
	_ =	sdelay $0x1  }
0x99: {  	s19 =	simm.s32 $_scs_section_size  }
0x9a: {  	s4 =	simm.s32 $_size__tile_overlayer_lowered;
	s5 =	simm.s32 $_tile_overlayer_lowered  }
0x9b: {  	s22 =	simm.s32 $0x1BFF;
	s21 =	sshll.u32 s5, $0x1;
	s2 =	sadd.s32 s19, s18  }
0x9c: {  	s6 =	simm.s32 $0x0;
	s20 =	sshll.u32 s4, $0x1;
	s4 =	sadd.s32 s21, s2  }
0x9d: {  	[timem:s6], [sflag:s22] =	dma.local [hbm:s4], s20  }
0x9e: {  	_ =	swait.ge [sflag:s22], s20  }
0x9f: {  	s3 =	ssub.s32 $0x0, s20;
	[sflag:s22] =	ssyncset.done $0x0  }
0xa0: {  	[sflag:s22] =	ssyncadd.s32 s3;
	_ =	sdelay $0x1  }
0xa1: {  	s23 =	simm.s32 $0x1B8B  }
0xa2: {  	_ =	swait.ge [sflag:s23], $0x1  }
0xa3: {  	[sflag:s23] =	ssyncset.done $0x0  }
0xa4: {  	s25 =	simm.s32 $0x1B8E;
	s24 =	sld [smem:$0x3FFE];
	[sflag:s23] =	ssyncadd.s32 $0xFFFFFFFF  }
0xa5: {  	s26 =	simm.s32 $execute0_lowered;
	[smem:$0x3FD2] =	sst s25  }
0xa6: {  	s4 =	sshll.u32 s26, $0x1;
	_ =	strace $0x80000046;
	[dreg:$0x1] =	wrdreg $0xFFFFFFFF  }
0xa7: {  	s28 =	simm.s32 $_size_execute0_lowered;
	s2 =	sadd.s32 s2, s4;
	[dreg:$0x0] =	wrdreg $0x0  }
0xa8: {  	s4 =	sshll.u32 s28, $0x1;
	[dreg:$0x2] =	wrdreg s2  }
0xa9: {  	[dreg:$0x3] =	wrdreg s4  }
0xaa: {  	[dreg:$0x4] =	wrdreg $0xC0  }
0xab: {  	_ =	task [dreg:s6], $0x5FFFF  }
0xac: {  	[dreg:$0x1] =	wrdreg $0xFFFFFFFF  }
0xad: {  	[dreg:$0x0] =	wrdreg $0x60  }
0xae: {  	[dreg:$0x2] =	wrdreg s24  }
0xaf: {  	[dreg:$0x3] =	wrdreg $0x14800  }
0xb0: {  	[dreg:$0x4] =	wrdreg $0x9  }
0xb1: {  	_ =	task.clear_ibuf [dreg:s6], $0x5FFFF;
	_ =	strace $0x90000046  }
0xb2: {  	s29 =	simm.s32 $0x9;
	_ =	strace $0x80000048  }
0xb3: {  	_ =	swait.ge [sflag:s29], $0x1  }
0xb4: {  	[sflag:s29] =	ssyncadd.s32 $0xFFFFFFFF  }
0xb5: {  	_ =	strace $0x90000048  }
0xb6: {  	_ =	sfence  }
0xb7: {  	s30 =	sld [smem:$0x0];
	_ =	sdelay $0x2  }
0xb8: {  	s31 =	sshll.u32 s1, $0xD;
	s1 =	sshrl.u32 s1, $0x2  }
0xb9: {  	s3 =	sand.u32 $0x4000, s31;
	s1 =	sadd.s32 s1, s30  }
0xba: {  	s0 =	sor.u32 s3, s0;
	s1 =	sshll.u32 s1, $0x11  }
0xbb: {  	s0 =	sor.u32 s1, s0  }
0xbc: {  	s0 =	sadd.s32 $0x8F2B, s0  }
0xbd: {  	[sflag:s0] =	ssyncadd.remote.s32 $0x1  }
0xbe: {  	_ =	sfence.sel $0xFFFF  }
0xbf: {  	[dreg:$0x0] =	wrdreg $0xFFFFFFFF;
	(pc) =	sbr.abs _section_cstart, $3  }
0xc0: {  	[dreg:$0x1] =	wrdreg $0xFFFFFFFF  }
0xc1: {  	_ =	task.clear_ibuf [dreg:s6], $0x2FFFF;
	_ =	strace $0x9FFFFFFF  }
0xc2: {  	(tm) =	ssettm $0x7FFFFFFF  }
0xc3: {  	_ =	shalt  }
tec
execute0_lowered:
.L_overlay_start_1:
0x0: {  	(tag) =	ssettag $0x1  }
0x1: {  	s0 =	rddreg [dreg:$0x0]  }
0x2: {  	s2 =	rddreg [dreg:$0x1];
	s1 =	srdreg.scid;
	s3 =	simm.s32 $0x0  }
0x3: {  	s8 =	stileid.u32;
	s10 =	simm.s32 $0x2;
	s11 =	simm.s32 $0x80  }
0x4: {  	s12 =	simm.s32 $0x1400;
	s16 =	simm.s32 $0xC80;
	s17 =	simm.s32 $0xD00  }
0x5: {  	s18 =	simm.s32 $0xD80;
	s19 =	simm.s32 $0xE00;
	s20 =	simm.s32 $0xE80  }
0x6: {  	s21 =	simm.s32 $0xF00;
	s22 =	simm.s32 $0xF80;
	s28 =	simm.s32 $0x1200  }
0x7: {  	s29 =	simm.s32 $0x1280;
	s30 =	simm.s32 $0x1300;
	s31 =	simm.s32 $0x1380  }
0x8: {  	s13 =	simm.s32 $0x10;
	s14 =	simm.s32 $0x0;
	s5 =	smul.u32 $0x500, s8  }
0x9: {  	s1 =	sand.u32 $0x1, s1;
	[smem:$0x7FF] =	sst s3;
	s23 =	smul.u32 $0xA00, s8  }
0xa: {  	s26 =	sshll.u32 s8, $0x6;
	s4 =	sshll.u32 s1, $0x4;
	_ =	strace $0x80000047  }
0xb: {  	s7 =	sshll.u32 s1, $0x7;
	s1 =	ssub.s32 $0x2, s1;
	s6 =	sor.u32 s8, s4  }
0xc: {  	s4 =	sadd.s32 $0x5E00, s0;
	s5 =	sor.u32 s7, s5;
	s24 =	sshrl.u32 s1, $0x1  }
0xd: {  	s25 =	sshrl.u32 s23, $0x2;
	s23 =	simm.s32 $0x1000;
	s6 =	smul.u32 $0x280, s6  }
0xe: {  	s5 =	sshrl.u32 s5, $0x3;
	s1 =	ssub.s32 s1, s24;
	s9 =	sadd.s32 s25, s2  }
0xf: {  	s24 =	simm.s32 $0x1080;
	s25 =	simm.s32 $0x1100;
	s8 =	smax.u32 s1, $0x1  }
0x10: {  	s9 =	sshrl.u32 s9, $0x3;
	s1 =	simm.s32 $0x20;
	s6 =	sadd.s32 s6, s0  }
0x11: {  	s0 =	sadd.s32 s5, s0;
	s5 =	sor.u32 $0x1C02, s26;
	s26 =	simm.s32 $0x1180  }
0x12: {  	v0 =	vimm.f32 $1.000000000e+00;
	s6 =	sadd.s32 $0xE00, s6;
	s7 =	sadd.s32 $0x6000, s0;
	s0 =	simm.s32 $0x1  }
.LBB2_1:
0x13: {  	[tilespmem:$0x1400] =	vst v0  }
0x14: {  	[tilespmem:$0x1410] =	vst v0  }
0x15: {  	[tilespmem:$0x1420] =	vst v0  }
0x16: {  	[tilespmem:$0x1430] =	vst v0  }
0x17: {  	[tilespmem:$0x1440] =	vst v0  }
0x18: {  	[tilespmem:$0x1450] =	vst v0  }
0x19: {  	[tilespmem:$0x1460] =	vst v0  }
0x1a: {  	[tilespmem:$0x1470] =	vst v0  }
0x1b: {  	[spmem:s9], [sflag:s5] =	dma.local [hbm:s4], $0x50  }
0x1c: {  	_ =	swait.ge [sflag:s10], $0x50  }
0x1d: {  	[sflag:s10] =	ssyncset.done $0x0  }
0x1e: {  	[sflag:s10] =	ssyncadd.s32 $0xFFFFFFB0  }
0x1f: {  	[tilespmem:s3], [sflag:$0x2] =	stream.linear.gather [hbm4b:s6+s3], $0x1400, $0x38;
	[tilespmem:$0x1700] =	vst v63  }
0x20: {  	_ =	swait.ge [sflag:s10], $0x1400  }
0x21: {  	[sflag:s10] =	ssyncset.done $0x0  }
0x22: {  	[sflag:s10] =	ssyncadd.s32 $0xFFFFEC00  }
0x23: {  	[bflag:$0x0] =	sbarrier.arrive $0xFFFF  }
0x24: {  	[spmem:s2] =	stream.indirect.scatter.add.f32 [tilespmem:s12], [sflag:$0x1], $0x1, s3, s11, $0xb8;
	[tilespmem:$0x1700] =	vst v63  }
0x25: {  	_ = 	snop  }
0x26: {  	[spmem:s2] =	stream.indirect.scatter.add.f32 [tilespmem:s12], [sflag:$0x1], $0x1, s11, s11, $0xb8;
	[tilespmem:$0x1700] =	vst v63  }
0x27: {  	s15 =	simm.s32 $0x100  }
0x28: {  	[spmem:s2] =	stream.indirect.scatter.add.f32 [tilespmem:s12], [sflag:$0x1], $0x1, s15, s11, $0xb8;
	[tilespmem:$0x1700] =	vst v63  }
0x29: {  	s15 =	simm.s32 $0x180  }
0x2a: {  	[spmem:s2] =	stream.indirect.scatter.add.f32 [tilespmem:s12], [sflag:$0x1], $0x1, s15, s11, $0xb8;
	[tilespmem:$0x1700] =	vst v63  }
0x2b: {  	s15 =	simm.s32 $0x200  }
0x2c: {  	[spmem:s2] =	stream.indirect.scatter.add.f32 [tilespmem:s12], [sflag:$0x1], $0x1, s15, s11, $0xb8;
	[tilespmem:$0x1700] =	vst v63  }
0x2d: {  	s15 =	simm.s32 $0x280  }
0x2e: {  	[spmem:s2] =	stream.indirect.scatter.add.f32 [tilespmem:s12], [sflag:$0x1], $0x1, s15, s11, $0xb8;
	[tilespmem:$0x1700] =	vst v63  }
0x2f: {  	s15 =	simm.s32 $0x300  }
0x30: {  	[spmem:s2] =	stream.indirect.scatter.add.f32 [tilespmem:s12], [sflag:$0x1], $0x1, s15, s11, $0xb8;
	[tilespmem:$0x1700] =	vst v63  }
0x31: {  	s15 =	simm.s32 $0x380  }
0x32: {  	[spmem:s2] =	stream.indirect.scatter.add.f32 [tilespmem:s12], [sflag:$0x1], $0x1, s15, s11, $0xb8;
	[tilespmem:$0x1700] =	vst v63  }
0x33: {  	s15 =	simm.s32 $0x400  }
0x34: {  	[spmem:s2] =	stream.indirect.scatter.add.f32 [tilespmem:s12], [sflag:$0x1], $0x1, s15, s11, $0xb8;
	[tilespmem:$0x1700] =	vst v63  }
0x35: {  	s15 =	simm.s32 $0x480  }
0x36: {  	[spmem:s2] =	stream.indirect.scatter.add.f32 [tilespmem:s12], [sflag:$0x1], $0x1, s15, s11, $0xb8;
	[tilespmem:$0x1700] =	vst v63  }
0x37: {  	s15 =	simm.s32 $0x500  }
0x38: {  	[spmem:s2] =	stream.indirect.scatter.add.f32 [tilespmem:s12], [sflag:$0x1], $0x1, s15, s11, $0xb8;
	[tilespmem:$0x1700] =	vst v63  }
0x39: {  	s15 =	simm.s32 $0x580  }
0x3a: {  	[spmem:s2] =	stream.indirect.scatter.add.f32 [tilespmem:s12], [sflag:$0x1], $0x1, s15, s11, $0xb8;
	[tilespmem:$0x1700] =	vst v63  }
0x3b: {  	s15 =	simm.s32 $0x600  }
0x3c: {  	[spmem:s2] =	stream.indirect.scatter.add.f32 [tilespmem:s12], [sflag:$0x1], $0x1, s15, s11, $0xb8;
	[tilespmem:$0x1700] =	vst v63  }
0x3d: {  	s15 =	simm.s32 $0x680  }
0x3e: {  	[spmem:s2] =	stream.indirect.scatter.add.f32 [tilespmem:s12], [sflag:$0x1], $0x1, s15, s11, $0xb8;
	[tilespmem:$0x1700] =	vst v63  }
0x3f: {  	s15 =	simm.s32 $0x700  }
0x40: {  	[spmem:s2] =	stream.indirect.scatter.add.f32 [tilespmem:s12], [sflag:$0x1], $0x1, s15, s11, $0xb8;
	[tilespmem:$0x1700] =	vst v63  }
0x41: {  	s15 =	simm.s32 $0x780  }
0x42: {  	[spmem:s2] =	stream.indirect.scatter.add.f32 [tilespmem:s12], [sflag:$0x1], $0x1, s15, s11, $0xb8;
	[tilespmem:$0x1700] =	vst v63  }
0x43: {  	s15 =	simm.s32 $0x800  }
0x44: {  	[spmem:s2] =	stream.indirect.scatter.add.f32 [tilespmem:s12], [sflag:$0x1], $0x1, s15, s11, $0xb8;
	[tilespmem:$0x1700] =	vst v63  }
0x45: {  	s15 =	simm.s32 $0x880  }
0x46: {  	[spmem:s2] =	stream.indirect.scatter.add.f32 [tilespmem:s12], [sflag:$0x1], $0x1, s15, s11, $0xb8;
	[tilespmem:$0x1700] =	vst v63  }
0x47: {  	s15 =	simm.s32 $0x900  }
0x48: {  	[spmem:s2] =	stream.indirect.scatter.add.f32 [tilespmem:s12], [sflag:$0x1], $0x1, s15, s11, $0xb8;
	[tilespmem:$0x1700] =	vst v63  }
0x49: {  	s15 =	simm.s32 $0x980  }
0x4a: {  	[spmem:s2] =	stream.indirect.scatter.add.f32 [tilespmem:s12], [sflag:$0x1], $0x1, s15, s11, $0xb8;
	[tilespmem:$0x1700] =	vst v63  }
0x4b: {  	s15 =	simm.s32 $0xA00  }
0x4c: {  	[spmem:s2] =	stream.indirect.scatter.add.f32 [tilespmem:s12], [sflag:$0x1], $0x1, s15, s11, $0xb8;
	[tilespmem:$0x1700] =	vst v63  }
0x4d: {  	s15 =	simm.s32 $0xA80  }
0x4e: {  	[spmem:s2] =	stream.indirect.scatter.add.f32 [tilespmem:s12], [sflag:$0x1], $0x1, s15, s11, $0xb8;
	[tilespmem:$0x1700] =	vst v63  }
0x4f: {  	s15 =	simm.s32 $0xB00  }
0x50: {  	[spmem:s2] =	stream.indirect.scatter.add.f32 [tilespmem:s12], [sflag:$0x1], $0x1, s15, s11, $0xb8;
	[tilespmem:$0x1700] =	vst v63  }
0x51: {  	s15 =	simm.s32 $0xB80  }
0x52: {  	[spmem:s2] =	stream.indirect.scatter.add.f32 [tilespmem:s12], [sflag:$0x1], $0x1, s15, s11, $0xb8;
	[tilespmem:$0x1700] =	vst v63  }
0x53: {  	s15 =	simm.s32 $0xC00  }
0x54: {  	[spmem:s2] =	stream.indirect.scatter.add.f32 [tilespmem:s12], [sflag:$0x1], $0x1, s15, s11, $0xb8;
	[tilespmem:$0x1700] =	vst v63  }
0x55: {  	_ = 	snop  }
0x56: {  	[spmem:s2] =	stream.indirect.scatter.add.f32 [tilespmem:s12], [sflag:$0x1], $0x1, s16, s11, $0xb8;
	[tilespmem:$0x1700] =	vst v63  }
0x57: {  	_ = 	snop  }
0x58: {  	[spmem:s2] =	stream.indirect.scatter.add.f32 [tilespmem:s12], [sflag:$0x1], $0x1, s17, s11, $0xb8;
	[tilespmem:$0x1700] =	vst v63  }
0x59: {  	_ = 	snop  }
0x5a: {  	[spmem:s2] =	stream.indirect.scatter.add.f32 [tilespmem:s12], [sflag:$0x1], $0x1, s18, s11, $0xb8;
	[tilespmem:$0x1700] =	vst v63  }
0x5b: {  	_ = 	snop  }
0x5c: {  	[spmem:s2] =	stream.indirect.scatter.add.f32 [tilespmem:s12], [sflag:$0x1], $0x1, s19, s11, $0xb8;
	[tilespmem:$0x1700] =	vst v63  }
0x5d: {  	_ = 	snop  }
0x5e: {  	[spmem:s2] =	stream.indirect.scatter.add.f32 [tilespmem:s12], [sflag:$0x1], $0x1, s20, s11, $0xb8;
	[tilespmem:$0x1700] =	vst v63  }
0x5f: {  	_ = 	snop  }
0x60: {  	[spmem:s2] =	stream.indirect.scatter.add.f32 [tilespmem:s12], [sflag:$0x1], $0x1, s21, s11, $0xb8;
	[tilespmem:$0x1700] =	vst v63  }
0x61: {  	_ = 	snop  }
0x62: {  	[spmem:s2] =	stream.indirect.scatter.add.f32 [tilespmem:s12], [sflag:$0x1], $0x1, s22, s11, $0xb8;
	[tilespmem:$0x1700] =	vst v63  }
0x63: {  	_ = 	snop  }
0x64: {  	[spmem:s2] =	stream.indirect.scatter.add.f32 [tilespmem:s12], [sflag:$0x1], $0x1, s23, s11, $0xb8;
	[tilespmem:$0x1700] =	vst v63  }
0x65: {  	_ = 	snop  }
0x66: {  	[spmem:s2] =	stream.indirect.scatter.add.f32 [tilespmem:s12], [sflag:$0x1], $0x1, s24, s11, $0xb8;
	[tilespmem:$0x1700] =	vst v63  }
0x67: {  	_ = 	snop  }
0x68: {  	[spmem:s2] =	stream.indirect.scatter.add.f32 [tilespmem:s12], [sflag:$0x1], $0x1, s25, s11, $0xb8;
	[tilespmem:$0x1700] =	vst v63  }
0x69: {  	_ = 	snop  }
0x6a: {  	[spmem:s2] =	stream.indirect.scatter.add.f32 [tilespmem:s12], [sflag:$0x1], $0x1, s26, s11, $0xb8;
	[tilespmem:$0x1700] =	vst v63  }
0x6b: {  	_ = 	snop  }
0x6c: {  	[spmem:s2] =	stream.indirect.scatter.add.f32 [tilespmem:s12], [sflag:$0x1], $0x1, s28, s11, $0xb8;
	[tilespmem:$0x1700] =	vst v63  }
0x6d: {  	_ = 	snop  }
0x6e: {  	[spmem:s2] =	stream.indirect.scatter.add.f32 [tilespmem:s12], [sflag:$0x1], $0x1, s29, s11, $0xb8;
	[tilespmem:$0x1700] =	vst v63  }
0x6f: {  	_ = 	snop  }
0x70: {  	[spmem:s2] =	stream.indirect.scatter.add.f32 [tilespmem:s12], [sflag:$0x1], $0x1, s30, s11, $0xb8;
	[tilespmem:$0x1700] =	vst v63  }
0x71: {  	_ = 	snop  }
0x72: {  	[spmem:s2] =	stream.indirect.scatter.add.f32 [tilespmem:s12], [sflag:$0x1], $0x1, s31, s11, $0xb8;
	[tilespmem:$0x1700] =	vst v63  }
0x73: {  	_ =	swait.ge [sflag:s0], $0x80  }
0x74: {  	s15 =	simm.s32 $0x27;
	[sflag:s0] =	ssyncset.done $0x0  }
.LBB2_2:
0x75: {  	p0 =	sne.s32 s15, $0x1;
	s15 =	sadd.s32 $0xFFFFFFFF, s15;
	[sflag:s0] =	ssyncadd.s32 $0xFFFFFF80  }
.Ltmp0:
0x76: {  	(pc) =	sbr.rel @p0 .LBB2_2-.Ltmp0, $3  }
0x77: {  	_ =	sdelay $0x1  }
0x78: {  	_ =	swait.ge [sflag:s0], $0x80  }
0x79: {  	[sflag:s0] =	ssyncset.done $0x0  }
0x7a: {  	s14 =	sadd.s32 $0x1, s14  }
0x7b: {  	[sflag:s0] =	ssyncadd.s32 $0xFFFFFF80;
	p0 =	sne.s32 s14, s8  }
.Ltmp1:
0x7c: {  	[bflag:$0x0] =	sbarrier.arrive $0xFFFF;
	(pc) =	sbr.rel @p0 .LBB2_1-.Ltmp1, $4  }
0x7d: {  	[hbm:s7@s1], [sflag:s5] =	dma.strided [spmem:s9@s13], $0x50, s0, $0x10   }
0x7e: {  	_ =	swait.ge [sflag:s10], $0x50  }
0x7f: {  	[sflag:s10] =	ssyncset.done $0x0  }
0x80: {  	[sflag:s10] =	ssyncadd.s32 $0xFFFFFFB0  }
0x81: {  	_ =	sfence.sel $0x180000  }
0x82: {  	[bflag:$0x0] =	sbarrier.arrive $0xFFFF  }
0x83: {  	_ =	strace $0x90000047  }
0x84: {  	s0 =	stileid.u32;
	[bflag:$0x2] =	sbarrier.arrive $0xFFFF  }
0x85: {  	p0 =	sne.s32 s0, $0x0;
	s0 =	rddreg [dreg:$0x2]  }
0x86: {  	s0 =	sadd.s32 @!p0 $0x100000, s0  }
0x87: {  	[sflag:s0] =	ssyncadd.tile.s32 @!p0 $0x1;
	_ =	shalt  }
.Lfunc_end2:
_tile_overlayer_lowered:
.L_overlay_start_2:
0x88: {  	(tag) =	ssettag $0x2  }
0x89: {  	s0 =	rddreg [dreg:$0x0];
	s2 =	stileid.u32  }
0x8a: {  	s1 =	rddreg [dreg:$0x1];
	p0 =	sne.s32 s2, $0x0  }
0x8b: {  	s3 =	rddreg [dreg:$0x2];
	[bflag:$0x3] =	sbarrier.arrive $0xFFFF;
	s2 =	simm.s32 @!p0 $0x1C02  }
0x8c: {  	[timem:s3], [sflag:s2] =	dma.local @!p0 [hbm:s0], s1  }
0x8d: {  	s0 =	simm.s32 @!p0 $0x2  }
0x8e: {  	_ =	swait.ge @!p0 [sflag:s0], s1  }
0x8f: {  	s1 =	ssub.s32 @!p0 $0x0, s1;
	[sflag:s0] =	ssyncset.done @!p0 $0x0  }
0x90: {  	[sflag:s0] =	ssyncadd.s32 @!p0 s1  }
0x91: {  	[bflag:$0x3] =	sbarrier.arrive $0xFFFF  }
0x92: {  	_ =	shalt  }

</sc_bundles>
